<compile_context>
chip_gen: v7x
topology: tpu7x:2x2x1
jax: 0.10.2.dev20260603
libtpu: 0.0.44.dev20260713+nightly
codegen_flags: <defaults>
</compile_context>

<pallas_src>
import functools

import jax
import jax.numpy as jnp
from jax import lax
from jax.experimental import pallas as pl
from jax.experimental.pallas import tpu as pltpu
from jax.experimental.pallas import tpu_sc as plsc

N = 10000
E = 320000
NFEAT = 256
F = 64
FP = 64
NPAD = 10240
NC = 2
NS = 16
NW = NC * NS
C = 128
EW = E // NW
K = 80
TOTCH = NW * K
EPAD = TOTCH * C
KA = 80
KB = 2 * K - KA
KMAX = max(KA, KB)
STRIPE = NPAD // NS


_sc_mesh = plsc.VectorSubcoreMesh(core_axis_name="c", subcore_axis_name="s")


@functools.partial(
    pl.kernel,
    out_type=jax.ShapeDtypeStruct((NC, NPAD, FP), jnp.float32),
    mesh=_sc_mesh,
    compiler_params=pltpu.CompilerParams(use_tc_tiling_on_sc=False),
    scratch_types=[
        pltpu.VMEM((KMAX, 2, C), jnp.int32),
        [pltpu.VMEM((C, FP), jnp.float32) for _ in range(2)],
        pltpu.VMEM_SHARED((NPAD, FP), jnp.float32),
        pltpu.VMEM_SHARED((NPAD, FP), jnp.float32),
        [pltpu.SemaphoreType.DMA for _ in range(2)],
    ],
)
def _segsum(table, idx, zeros, out, idx_all, bufs, acc, tab, sems):
    c = lax.axis_index("c")
    s = lax.axis_index("s")
    base = jnp.where(c == 0, s * KA, NS * KA + s * KB)
    cnt = jnp.where(c == 0, KA, KB)
    d1 = pltpu.async_copy(zeros, acc.at[pl.ds(s * STRIPE, STRIPE)], sems[0])
    d2 = pltpu.async_copy(table.at[pl.ds(s * STRIPE, STRIPE)],
                          tab.at[pl.ds(s * STRIPE, STRIPE)], sems[1])
    d3 = pltpu.async_copy(idx.at[pl.ds(base, KMAX)], idx_all, sems[0])
    d1.wait()
    d2.wait()
    d3.wait()
    plsc.subcore_barrier()

    def start(j, buf, sem):
        pltpu.async_copy(tab.at[idx_all.at[j, 0]], buf, sem)

    def wait(buf, sem):
        pltpu.make_async_copy(zeros.at[pl.ds(0, C)], buf, sem).wait()

    def scat(j, buf):
        pltpu.sync_copy(buf, acc.at[idx_all.at[j, 1]], add=True)

    D = 2

    for t in range(D - 1):
        start(t, bufs[t], sems[t])

    def body(g, carry):
        j0 = g * D
        for t in range(D):
            jn = j0 + t + D - 1
            bn, sn = bufs[(t + D - 1) % D], sems[(t + D - 1) % D]
            if t == 0:
                start(jn, bn, sn)
            else:
                @pl.when(jn < cnt)
                def _(jn=jn, bn=bn, sn=sn):
                    start(jn, bn, sn)
            wait(bufs[t], sems[t])
            scat(j0 + t, bufs[t])
        return carry

    lax.fori_loop(0, cnt // D, body, 0)
    plsc.subcore_barrier()
    pltpu.sync_copy(acc.at[pl.ds(s * STRIPE, STRIPE)],
                    out.at[c, pl.ds(s * STRIPE, STRIPE)])


_BM = 640


def _mask_rows(i, bm, val):
    rid = i * bm + lax.broadcasted_iota(jnp.int32, (bm, 1), 0)
    return jnp.where(rid < N, val, 0.0)


def _in_proj_body(h_ref, w_ref, o_ref):
    i = pl.program_id(0)
    y = jnp.dot(h_ref[...], w_ref[...], preferred_element_type=jnp.float32)
    o_ref[...] = _mask_rows(i, _BM, y)


def _in_proj(h, w1):
    return pl.pallas_call(
        _in_proj_body,
        grid=(NPAD // _BM,),
        in_specs=[
            pl.BlockSpec((_BM, NFEAT), lambda i: (i, 0)),
            pl.BlockSpec((NFEAT, FP), lambda i: (0, 0)),
        ],
        out_specs=pl.BlockSpec((_BM, FP), lambda i: (i, 0)),
        out_shape=jax.ShapeDtypeStruct((NPAD, FP), jnp.float32),
    )(h, w1)


def _bias_relu_body(m_ref, b_ref, o_ref):
    i = pl.program_id(0)
    y = jax.nn.relu(m_ref[0] + m_ref[1] + b_ref[...])
    o_ref[...] = _mask_rows(i, _BM, y)


def _bias_relu(m, b):
    return pl.pallas_call(
        _bias_relu_body,
        grid=(NPAD // _BM,),
        in_specs=[
            pl.BlockSpec((NC, _BM, FP), lambda i: (0, i, 0)),
            pl.BlockSpec((1, FP), lambda i: (0, 0)),
        ],
        out_specs=pl.BlockSpec((_BM, FP), lambda i: (i, 0)),
        out_shape=jax.ShapeDtypeStruct((NPAD, FP), jnp.float32),
    )(m, b)


def _mm_relu_body(m_ref, w_ref, b_ref, o_ref):
    i = pl.program_id(0)
    a = m_ref[0] + m_ref[1]
    y = jax.nn.relu(
        jnp.dot(a, w_ref[...], preferred_element_type=jnp.float32) + b_ref[...])
    o_ref[...] = _mask_rows(i, _BM, y)


def _mm_relu(m, w, b):
    return pl.pallas_call(
        _mm_relu_body,
        grid=(NPAD // _BM,),
        in_specs=[
            pl.BlockSpec((NC, _BM, FP), lambda i: (0, i, 0)),
            pl.BlockSpec((FP, FP), lambda i: (0, 0)),
            pl.BlockSpec((1, FP), lambda i: (0, 0)),
        ],
        out_specs=pl.BlockSpec((_BM, FP), lambda i: (i, 0)),
        out_shape=jax.ShapeDtypeStruct((NPAD, FP), jnp.float32),
    )(m, w, b)


def _dual_mm_relu_body(m_ref, w3_ref, b3_ref, w5_ref, b5_ref, o3_ref, o5_ref):
    i = pl.program_id(0)
    a = m_ref[0] + m_ref[1]
    y3 = jax.nn.relu(
        jnp.dot(a, w3_ref[...], preferred_element_type=jnp.float32) + b3_ref[...])
    y5 = jax.nn.relu(
        jnp.dot(a, w5_ref[...], preferred_element_type=jnp.float32) + b5_ref[...])
    o3_ref[...] = _mask_rows(i, _BM, y3)
    o5_ref[...] = _mask_rows(i, _BM, y5)


def _dual_mm_relu(m, w3, b3, w5, b5):
    return pl.pallas_call(
        _dual_mm_relu_body,
        grid=(NPAD // _BM,),
        in_specs=[
            pl.BlockSpec((NC, _BM, FP), lambda i: (0, i, 0)),
            pl.BlockSpec((FP, FP), lambda i: (0, 0)),
            pl.BlockSpec((1, FP), lambda i: (0, 0)),
            pl.BlockSpec((FP, FP), lambda i: (0, 0)),
            pl.BlockSpec((1, FP), lambda i: (0, 0)),
        ],
        out_specs=[
            pl.BlockSpec((_BM, FP), lambda i: (i, 0)),
            pl.BlockSpec((_BM, FP), lambda i: (i, 0)),
        ],
        out_shape=[
            jax.ShapeDtypeStruct((NPAD, FP), jnp.float32),
            jax.ShapeDtypeStruct((NPAD, FP), jnp.float32),
        ],
    )(m, w3, b3, w5, b5)


_BMO = 400


def _out_proj_body(m_ref, w_ref, b_ref, o_ref):
    a = m_ref[0] + m_ref[1]
    o_ref[...] = jax.nn.relu(
        jnp.dot(a, w_ref[...], preferred_element_type=jnp.float32) + b_ref[...])


def _out_proj(m, w4, b4):
    return pl.pallas_call(
        _out_proj_body,
        grid=(N // _BMO,),
        in_specs=[
            pl.BlockSpec((NC, _BMO, FP), lambda i: (0, i, 0)),
            pl.BlockSpec((FP, NFEAT), lambda i: (0, 0)),
            pl.BlockSpec((1, NFEAT), lambda i: (0, 0)),
        ],
        out_specs=pl.BlockSpec((_BMO, NFEAT), lambda i: (i, 0)),
        out_shape=jax.ShapeDtypeStruct((N, NFEAT), jnp.float32),
    )(m, w4, b4)


_BS = 1024


def _struct_body(a_ref, b_ref, o_ref):
    o_ref[...] = lax.dot_general(
        a_ref[...], b_ref[...],
        dimension_numbers=(((1,), (1,)), ((), ())),
        preferred_element_type=jnp.float32)


def _struct(sfeat):
    return pl.pallas_call(
        _struct_body,
        grid=(-(-N // _BS), -(-N // _BS)),
        in_specs=[
            pl.BlockSpec((_BS, FP), lambda i, j: (i, 0)),
            pl.BlockSpec((_BS, FP), lambda i, j: (j, 0)),
        ],
        out_specs=pl.BlockSpec((_BS, _BS), lambda i, j: (i, j)),
        out_shape=jax.ShapeDtypeStruct((N, N), jnp.float32),
    )(sfeat, sfeat)


def kernel(h, edge_index, W1, b1, W2, b2, W3, b3, W4, b4, W5, b5):
    pad = jnp.full((2, EPAD - E), N, dtype=jnp.int32)
    idx = (jnp.concatenate([edge_index.astype(jnp.int32), pad], axis=1)
           .reshape(2, TOTCH, C).transpose(1, 0, 2))
    zeros = jnp.zeros((STRIPE, FP), dtype=jnp.float32)
    pw = FP - F
    W1p = jnp.pad(W1, ((0, 0), (0, pw)))
    W2p, W3p, W5p = (jnp.pad(w, ((0, pw), (0, pw))) for w in (W2, W3, W5))
    W4p = jnp.pad(W4, ((0, pw), (0, 0)))
    b1r, b2r, b3r, b5r = (jnp.pad(b, (0, pw)).reshape(1, FP)
                          for b in (b1, b2, b3, b5))
    b4r = b4.reshape(1, NFEAT)

    t0 = _in_proj(h, W1p)
    m1 = _segsum(t0, idx, zeros)
    x1 = _bias_relu(m1, b1r)
    m2 = _segsum(x1, idx, zeros)
    x2 = _mm_relu(m2, W2p, b2r)
    m3 = _segsum(x2, idx, zeros)
    x3, sfeat = _dual_mm_relu(m3, W3p, b3r, W5p, b5r)
    struct = _struct(sfeat)
    m4 = _segsum(x3, idx, zeros)
    x_hat = _out_proj(m4, W4p, b4r)
    return (struct, x_hat)

# --- scband reference (transcript-rebuilt; emitter-appended) ---
"""Pipeline reference for scband-dominant-17824114279159 (READ-ONLY COPY).

The authoritative reference and input builder live on the scoring server;
editing this copy changes nothing except your own understanding.
"""

import jax, jax.numpy as jnp
import numpy as np

N_NODES = 10000
N_EDGES = 320000
NFEAT = 256
NHID = 64


def _graph_conv(x, src, dst, W, b, n_nodes):
    # DGL GraphConv with norm='none': aggregate (sum) source features to dst, then linear.
    # A @ (X W) == (A @ X) W, so aggregate-then-matmul is mathematically identical.
    m = jax.ops.segment_sum(x[src], dst, num_segments=n_nodes)
    return m @ W + b


def setup_inputs(seed: int = 0) -> dict:
    key = jax.random.key(seed)
    ks = jax.random.split(key, 12)
    h = jax.random.normal(ks[0], (N_NODES, NFEAT), dtype=jnp.float32)
    edge_index = jax.random.randint(ks[1], (2, N_EDGES), 0, N_NODES, dtype=jnp.int32)
    # Encoder: gc1 (nfeat->nhid), gc2 (nhid->nhid)
    W1 = jax.random.normal(ks[2], (NFEAT, NHID), dtype=jnp.float32) * 0.05
    b1 = jnp.zeros((NHID,), dtype=jnp.float32)
    W2 = jax.random.normal(ks[3], (NHID, NHID), dtype=jnp.float32) * 0.05
    b2 = jnp.zeros((NHID,), dtype=jnp.float32)
    # Attribute decoder: gc1 (nhid->nhid), gc2 (nhid->nfeat)
    W3 = jax.random.normal(ks[4], (NHID, NHID), dtype=jnp.float32) * 0.05
    b3 = jnp.zeros((NHID,), dtype=jnp.float32)
    W4 = jax.random.normal(ks[5], (NHID, NFEAT), dtype=jnp.float32) * 0.05
    b4 = jnp.zeros((NFEAT,), dtype=jnp.float32)
    # Structure decoder: gc1 (nhid->nhid)
    W5 = jax.random.normal(ks[6], (NHID, NHID), dtype=jnp.float32) * 0.05
    b5 = jnp.zeros((NHID,), dtype=jnp.float32)
    return {"h": h, "edge_index": edge_index,
            "W1": W1, "b1": b1, "W2": W2, "b2": b2,
            "W3": W3, "b3": b3, "W4": W4, "b4": b4,
            "W5": W5, "b5": b5}


def reference(h, edge_index, W1, b1, W2, b2, W3, b3, W4, b4, W5, b5):
    src = edge_index[0]
    dst = edge_index[1]
    n = h.shape[0]
    # Shared encoder (dropout is identity in eval / with rate 0.0)
    x = jax.nn.relu(_graph_conv(h, src, dst, W1, b1, n))
    x = jax.nn.relu(_graph_conv(x, src, dst, W2, b2, n))
    # Attribute decoder
    x_hat = jax.nn.relu(_graph_conv(x, src, dst, W3, b3, n))
    x_hat = jax.nn.relu(_graph_conv(x_hat, src, dst, W4, b4, n))
    # Structure decoder
    s = jax.nn.relu(_graph_conv(x, src, dst, W5, b5, n))
    struct_reconstructed = s @ s.T
    return (struct_reconstructed, x_hat)

if __name__ == "__main__":
    import jax
    _d = setup_inputs()
    print(jax.jit(kernel)(*tuple(_d.values())))

</pallas_src>

<mosaic_0001>
#map = affine_map<(d0, d1) -> (0, 0)>
#map1 = affine_map<(d0, d1) -> (0, 0, 0)>
module attributes {stable_mosaic.version = 14 : i64} {
  func.func @_segsum(%arg0: i32, %arg1: i32, %arg2: memref<10240x64xf32, #tpu.memory_space<hbm>>, %arg3: memref<2560x2x128xi32, #tpu.memory_space<hbm>>, %arg4: memref<640x64xf32, #tpu.memory_space<hbm>>, %arg5: memref<2x10240x64xf32, #tpu.memory_space<hbm>>, %arg6: memref<80x2x128xi32, #tpu.memory_space<vmem>>, %arg7: memref<128x64xf32, #tpu.memory_space<vmem>>, %arg8: memref<128x64xf32, #tpu.memory_space<vmem>>, %arg9: memref<10240x64xf32, #tpu.memory_space<vmem_shared>>, %arg10: memref<10240x64xf32, #tpu.memory_space<vmem_shared>>, %arg11: memref<!tpu.dma_semaphore, #tpu.memory_space<semaphore_mem>>, %arg12: memref<!tpu.dma_semaphore, #tpu.memory_space<semaphore_mem>>) attributes {dimension_semantics = [#tpu.dimension_semantics<core_parallel>, #tpu.dimension_semantics<subcore_parallel>], iteration_bounds = array<i64: 2, 16>, scalar_prefetch = 0 : i64, scratch_operands = 7 : i64, tpu.core_type = #tpu.core_type<sc_vector_subcore>, window_params = [{transform_indices = #map}, {transform_indices = #map1}, {transform_indices = #map}, {transform_indices = #map1}]} {
    %eq3A = arith.constant 0 : i32
    %eq3A_0 = arith.cmpi eq, %arg0, %eq3A : i32
    %mul3A = arith.constant 80 : i32
    %mul3A_1 = arith.muli %arg1, %mul3A : i32
    %mul3A_2 = arith.constant 80 : i32
    %mul3A_3 = arith.muli %arg1, %mul3A_2 : i32
    %add3A = arith.constant 1280 : i32
    %add3A_4 = arith.addi %add3A, %mul3A_3 : i32
    %select_n3A = arith.select %eq3A_0, %mul3A_1, %add3A_4 : i32
    %eq3A_5 = arith.constant 0 : i32
    %eq3A_6 = arith.cmpi eq, %arg0, %eq3A_5 : i32
    %jit3A = arith.constant 80 : i32
    %jit3A_7 = arith.constant 80 : i32
    %select_n3A_8 = arith.select %eq3A_6, %jit3A, %jit3A_7 : i32
    %mul3A_9 = arith.constant 640 : i32
    %mul3A_10 = arith.muli %arg1, %mul3A_9 : i32
    %dma_start3A = arith.constant 0 : i32
    %dma_start3A_11 = tpu.memref_slice %arg9[%mul3A_10, %dma_start3A] : memref<10240x64xf32, #tpu.memory_space<vmem_shared>> -> memref<640x64xf32, #tpu.memory_space<vmem_shared>>
    tpu.enqueue_dma source(%arg4 : memref<640x64xf32, #tpu.memory_space<hbm>>) target(%dma_start3A_11 : memref<640x64xf32, #tpu.memory_space<vmem_shared>>) target_semaphore(%arg11 : memref<!tpu.dma_semaphore, #tpu.memory_space<semaphore_mem>>)
    %mul3A_12 = arith.constant 640 : i32
    %mul3A_13 = arith.muli %arg1, %mul3A_12 : i32
    %mul3A_14 = arith.constant 640 : i32
    %mul3A_15 = arith.muli %arg1, %mul3A_14 : i32
    %dma_start3A_16 = arith.constant 0 : i32
    %dma_start3A_17 = tpu.memref_slice %arg10[%mul3A_15, %dma_start3A_16] : memref<10240x64xf32, #tpu.memory_space<vmem_shared>> -> memref<640x64xf32, #tpu.memory_space<vmem_shared>>
    %dma_start3A_18 = arith.constant 0 : i32
    %dma_start3A_19 = tpu.memref_slice %arg2[%mul3A_13, %dma_start3A_18] : memref<10240x64xf32, #tpu.memory_space<hbm>> -> memref<640x64xf32, #tpu.memory_space<hbm>>
    tpu.enqueue_dma source(%dma_start3A_19 : memref<640x64xf32, #tpu.memory_space<hbm>>) target(%dma_start3A_17 : memref<640x64xf32, #tpu.memory_space<vmem_shared>>) target_semaphore(%arg12 : memref<!tpu.dma_semaphore, #tpu.memory_space<semaphore_mem>>)
    %dma_start3A_20 = arith.constant 0 : i32
    %dma_start3A_21 = arith.constant 0 : i32
    %dma_start3A_22 = tpu.memref_slice %arg3[%select_n3A, %dma_start3A_20, %dma_start3A_21] : memref<2560x2x128xi32, #tpu.memory_space<hbm>> -> memref<80x2x128xi32, #tpu.memory_space<hbm>>
    %dma_start3A_23 = arith.constant 0 : i32
    %dma_start3A_24 = arith.constant 0 : i32
    %dma_start3A_25 = tpu.memref_slice %arg3[%select_n3A, %dma_start3A_23, %dma_start3A_24] : memref<2560x2x128xi32, #tpu.memory_space<hbm>> -> memref<80x2x128xi32, #tpu.memory_space<hbm>>
    tpu.enqueue_dma source(%dma_start3A_25 : memref<80x2x128xi32, #tpu.memory_space<hbm>>) target(%arg6 : memref<80x2x128xi32, #tpu.memory_space<vmem>>) target_semaphore(%arg11 : memref<!tpu.dma_semaphore, #tpu.memory_space<semaphore_mem>>)
    %dma_wait3A = arith.constant 0 : i32
    %dma_wait3A_26 = tpu.memref_slice %arg9[%mul3A_10, %dma_wait3A] : memref<10240x64xf32, #tpu.memory_space<vmem_shared>> -> memref<640x64xf32, #tpu.memory_space<vmem_shared>>
    tpu.wait_dma2 semaphore(%arg11 : memref<!tpu.dma_semaphore, #tpu.memory_space<semaphore_mem>>) src(%arg4 : memref<640x64xf32, #tpu.memory_space<hbm>>) dst(%dma_wait3A_26 : memref<640x64xf32, #tpu.memory_space<vmem_shared>>)
    %dma_wait3A_27 = arith.constant 0 : i32
    %dma_wait3A_28 = tpu.memref_slice %arg10[%mul3A_15, %dma_wait3A_27] : memref<10240x64xf32, #tpu.memory_space<vmem_shared>> -> memref<640x64xf32, #tpu.memory_space<vmem_shared>>
    %dma_wait3A_29 = arith.constant 0 : i32
    %dma_wait3A_30 = tpu.memref_slice %arg2[%mul3A_13, %dma_wait3A_29] : memref<10240x64xf32, #tpu.memory_space<hbm>> -> memref<640x64xf32, #tpu.memory_space<hbm>>
    tpu.wait_dma2 semaphore(%arg12 : memref<!tpu.dma_semaphore, #tpu.memory_space<semaphore_mem>>) src(%dma_wait3A_30 : memref<640x64xf32, #tpu.memory_space<hbm>>) dst(%dma_wait3A_28 : memref<640x64xf32, #tpu.memory_space<vmem_shared>>)
    %dma_wait3A_31 = arith.constant 0 : i32
    %dma_wait3A_32 = arith.constant 0 : i32
    %dma_wait3A_33 = tpu.memref_slice %arg3[%select_n3A, %dma_wait3A_31, %dma_wait3A_32] : memref<2560x2x128xi32, #tpu.memory_space<hbm>> -> memref<80x2x128xi32, #tpu.memory_space<hbm>>
    %dma_wait3A_34 = arith.constant 0 : i32
    %dma_wait3A_35 = arith.constant 0 : i32
    %dma_wait3A_36 = tpu.memref_slice %arg3[%select_n3A, %dma_wait3A_34, %dma_wait3A_35] : memref<2560x2x128xi32, #tpu.memory_space<hbm>> -> memref<80x2x128xi32, #tpu.memory_space<hbm>>
    tpu.wait_dma2 semaphore(%arg11 : memref<!tpu.dma_semaphore, #tpu.memory_space<semaphore_mem>>) src(%dma_wait3A_36 : memref<80x2x128xi32, #tpu.memory_space<hbm>>) dst(%arg6 : memref<80x2x128xi32, #tpu.memory_space<vmem>>)
    %barrier3A = arith.constant 0 : index
    tpu.barrier barrier_id(%barrier3A)
    %dma_start3A_37 = arith.constant 0 : i32
    %dma_start3A_38 = arith.constant 0 : i32
    %dma_start3A_39 = arith.constant 0 : i32
    %dma_start3A_40 = tpu.memref_slice %arg6[%dma_start3A_37, %dma_start3A_38, %dma_start3A_39] : memref<80x2x128xi32, #tpu.memory_space<vmem>> -> memref<1x1x128xi32, #tpu.memory_space<vmem>>
    %dma_start3A_41 = tpu.memref_squeeze %dma_start3A_40 : memref<1x1x128xi32, #tpu.memory_space<vmem>> -> memref<128xi32, #tpu.memory_space<vmem>>
    %dma_start3A_42 = arith.constant 0 : i32
    %dma_start3A_43 = arith.constant 0 : i32
    %dma_start3A_44 = tpu.memref_slice %arg10[%dma_start3A_42, %dma_start3A_43] : memref<10240x64xf32, #tpu.memory_space<vmem_shared>> -> memref<10240x64xf32, #tpu.memory_space<vmem_shared>>
    tpu.enqueue_indirect_dma source(%dma_start3A_44 : memref<10240x64xf32, #tpu.memory_space<vmem_shared>>) target(%arg7 : memref<128x64xf32, #tpu.memory_space<vmem>>) offsets(%dma_start3A_41 : memref<128xi32, #tpu.memory_space<vmem>>) semaphore(%arg11 : memref<!tpu.dma_semaphore, #tpu.memory_space<semaphore_mem>>)
    %jit3A_45 = arith.constant 2 : i32
    %div3A = arith.divsi %select_n3A_8, %jit3A_45 : i32
    %sign3A = arith.constant 0 : i32
    %sign3A_46 = arith.cmpi sgt, %select_n3A_8, %sign3A : i32
    %sign3A_47 = arith.extui %sign3A_46 : i1 to i32
    %sign3A_48 = arith.constant 0 : i32
    %sign3A_49 = arith.cmpi slt, %select_n3A_8, %sign3A_48 : i32
    %sign3A_50 = arith.extui %sign3A_49 : i1 to i32
    %sign3A_51 = arith.subi %sign3A_47, %sign3A_50 : i32
    %sign3A_52 = arith.constant 0 : i32
    %sign3A_53 = arith.cmpi sgt, %jit3A_45, %sign3A_52 : i32
    %sign3A_54 = arith.extui %sign3A_53 : i1 to i32
    %sign3A_55 = arith.constant 0 : i32
    %sign3A_56 = arith.cmpi slt, %jit3A_45, %sign3A_55 : i32
    %sign3A_57 = arith.extui %sign3A_56 : i1 to i32
    %sign3A_58 = arith.subi %sign3A_54, %sign3A_57 : i32
    %ne3A = arith.cmpi ne, %sign3A_51, %sign3A_58 : i32
    %rem3A = arith.remsi %select_n3A_8, %jit3A_45 : i32
    %ne3A_59 = arith.constant 0 : i32
    %ne3A_60 = arith.cmpi ne, %rem3A, %ne3A_59 : i32
    %and3A = arith.andi %ne3A, %ne3A_60 : i1
    %sub3A = arith.constant 1 : i32
    %sub3A_61 = arith.subi %div3A, %sub3A : i32
    %select_n3A_62 = arith.select %and3A, %sub3A_61, %div3A : i32
    %while3A = arith.constant 0 : i32
    %while3A_63 = arith.constant 0 : i32
    %while3A_64 = arith.subi %select_n3A_62, %while3A_63 : i32
    %while3A_65 = arith.addi %while3A_63, %while3A_64 : i32
    %while3A_66 = arith.constant 1 : i32
    %while3A_67 = arith.divsi %while3A_64, %while3A_66 : i32
    %while3A_68 = arith.muli %while3A_67, %while3A_66 : i32
    %while3A_69 = arith.addi %while3A_63, %while3A_68 : i32
    %while3A_70 = arith.constant 1 : i32
    scf.for %while3A_77 = %while3A_63 to %while3A_69 step %while3A_70  : i32 {
      %mul3A_78 = arith.constant 2 : i32
      %mul3A_79 = arith.muli %while3A_77, %mul3A_78 : i32
      %add3A_80 = arith.constant 0 : i32
      %add3A_81 = arith.addi %mul3A_79, %add3A_80 : i32
      %add3A_82 = arith.constant 2 : i32
      %add3A_83 = arith.addi %add3A_81, %add3A_82 : i32
      %sub3A_84 = arith.constant 1 : i32
      %sub3A_85 = arith.subi %add3A_83, %sub3A_84 : i32
      %dma_start3A_86 = arith.constant 0 : i32
      %dma_start3A_87 = arith.constant 0 : i32
      %dma_start3A_88 = tpu.memref_slice %arg6[%sub3A_85, %dma_start3A_86, %dma_start3A_87] : memref<80x2x128xi32, #tpu.memory_space<vmem>> -> memref<1x1x128xi32, #tpu.memory_space<vmem>>
      %dma_start3A_89 = tpu.memref_squeeze %dma_start3A_88 : memref<1x1x128xi32, #tpu.memory_space<vmem>> -> memref<128xi32, #tpu.memory_space<vmem>>
      %dma_start3A_90 = arith.constant 0 : i32
      %dma_start3A_91 = arith.constant 0 : i32
      %dma_start3A_92 = tpu.memref_slice %arg10[%dma_start3A_90, %dma_start3A_91] : memref<10240x64xf32, #tpu.memory_space<vmem_shared>> -> memref<10240x64xf32, #tpu.memory_space<vmem_shared>>
      tpu.enqueue_indirect_dma source(%dma_start3A_92 : memref<10240x64xf32, #tpu.memory_space<vmem_shared>>) target(%arg8 : memref<128x64xf32, #tpu.memory_space<vmem>>) offsets(%dma_start3A_89 : memref<128xi32, #tpu.memory_space<vmem>>) semaphore(%arg12 : memref<!tpu.dma_semaphore, #tpu.memory_space<semaphore_mem>>)
      %dma_wait3A_93 = arith.constant 0 : i32
      %dma_wait3A_94 = arith.constant 0 : i32
      %dma_wait3A_95 = tpu.memref_slice %arg4[%dma_wait3A_93, %dma_wait3A_94] : memref<640x64xf32, #tpu.memory_space<hbm>> -> memref<128x64xf32, #tpu.memory_space<hbm>>
      %dma_wait3A_96 = arith.constant 0 : i32
      %dma_wait3A_97 = arith.constant 0 : i32
      %dma_wait3A_98 = tpu.memref_slice %arg4[%dma_wait3A_96, %dma_wait3A_97] : memref<640x64xf32, #tpu.memory_space<hbm>> -> memref<128x64xf32, #tpu.memory_space<hbm>>
      tpu.wait_dma2 semaphore(%arg11 : memref<!tpu.dma_semaphore, #tpu.memory_space<semaphore_mem>>) src(%dma_wait3A_98 : memref<128x64xf32, #tpu.memory_space<hbm>>) dst(%arg7 : memref<128x64xf32, #tpu.memory_space<vmem>>)
      %add3A_99 = arith.constant 0 : i32
      %add3A_100 = arith.addi %mul3A_79, %add3A_99 : i32
      %run_scoped3A = arith.constant 1 : i32
      "tpu.region"() ({
        %run_scoped3A_117 = tpu.sem_alloc : memref<!tpu.dma_semaphore, #tpu.memory_space<semaphore_mem>>
        %dma_start3A_118 = arith.constant 0 : i32
        %dma_start3A_119 = tpu.memref_slice %arg6[%add3A_100, %run_scoped3A, %dma_start3A_118] : memref<80x2x128xi32, #tpu.memory_space<vmem>> -> memref<1x1x128xi32, #tpu.memory_space<vmem>>
        %dma_start3A_120 = tpu.memref_squeeze %dma_start3A_119 : memref<1x1x128xi32, #tpu.memory_space<vmem>> -> memref<128xi32, #tpu.memory_space<vmem>>
        %dma_start3A_121 = arith.constant 0 : i32
        %dma_start3A_122 = arith.constant 0 : i32
        %dma_start3A_123 = tpu.memref_slice %arg9[%dma_start3A_121, %dma_start3A_122] : memref<10240x64xf32, #tpu.memory_space<vmem_shared>> -> memref<10240x64xf32, #tpu.memory_space<vmem_shared>>
        tpu.enqueue_indirect_dma source(%arg7 : memref<128x64xf32, #tpu.memory_space<vmem>>) target(%dma_start3A_123 : memref<10240x64xf32, #tpu.memory_space<vmem_shared>>) offsets(%dma_start3A_120 : memref<128xi32, #tpu.memory_space<vmem>>) semaphore(%run_scoped3A_117 : memref<!tpu.dma_semaphore, #tpu.memory_space<semaphore_mem>>) {add = true}
        %dma_wait3A_124 = arith.constant 0 : i32
        %dma_wait3A_125 = tpu.memref_slice %arg6[%add3A_100, %run_scoped3A, %dma_wait3A_124] : memref<80x2x128xi32, #tpu.memory_space<vmem>> -> memref<1x1x128xi32, #tpu.memory_space<vmem>>
        %dma_wait3A_126 = tpu.memref_squeeze %dma_wait3A_125 : memref<1x1x128xi32, #tpu.memory_space<vmem>> -> memref<128xi32, #tpu.memory_space<vmem>>
        %dma_wait3A_127 = arith.constant 0 : i32
        %dma_wait3A_128 = arith.constant 0 : i32
        %dma_wait3A_129 = tpu.memref_slice %arg9[%dma_wait3A_127, %dma_wait3A_128] : memref<10240x64xf32, #tpu.memory_space<vmem_shared>> -> memref<10240x64xf32, #tpu.memory_space<vmem_shared>>
        tpu.wait_indirect_dma semaphore(%run_scoped3A_117 : memref<!tpu.dma_semaphore, #tpu.memory_space<semaphore_mem>>) src(%arg7 : memref<128x64xf32, #tpu.memory_space<vmem>>) dst(%dma_wait3A_129 : memref<10240x64xf32, #tpu.memory_space<vmem_shared>>)
        tpu.yield
      }) : () -> ()
      %add3A_101 = arith.constant 1 : i32
      %add3A_102 = arith.addi %mul3A_79, %add3A_101 : i32
      %add3A_103 = arith.constant 2 : i32
      %add3A_104 = arith.addi %add3A_102, %add3A_103 : i32
      %sub3A_105 = arith.constant 1 : i32
      %sub3A_106 = arith.subi %add3A_104, %sub3A_105 : i32
      %lt3A = arith.cmpi slt, %sub3A_106, %select_n3A_8 : i32
      %convert_element_type3A = arith.extui %lt3A : i1 to i32
      %cond3A = arith.constant 0 : i32
      %cond3A_107 = arith.cmpi ne, %convert_element_type3A, %cond3A : i32
      scf.if %cond3A_107 {
        %dma_start3A_117 = arith.constant 0 : i32
        %dma_start3A_118 = arith.constant 0 : i32
        %dma_start3A_119 = tpu.memref_slice %arg6[%sub3A_106, %dma_start3A_117, %dma_start3A_118] : memref<80x2x128xi32, #tpu.memory_space<vmem>> -> memref<1x1x128xi32, #tpu.memory_space<vmem>>
        %dma_start3A_120 = tpu.memref_squeeze %dma_start3A_119 : memref<1x1x128xi32, #tpu.memory_space<vmem>> -> memref<128xi32, #tpu.memory_space<vmem>>
        %dma_start3A_121 = arith.constant 0 : i32
        %dma_start3A_122 = arith.constant 0 : i32
        %dma_start3A_123 = tpu.memref_slice %arg10[%dma_start3A_121, %dma_start3A_122] : memref<10240x64xf32, #tpu.memory_space<vmem_shared>> -> memref<10240x64xf32, #tpu.memory_space<vmem_shared>>
        tpu.enqueue_indirect_dma source(%dma_start3A_123 : memref<10240x64xf32, #tpu.memory_space<vmem_shared>>) target(%arg7 : memref<128x64xf32, #tpu.memory_space<vmem>>) offsets(%dma_start3A_120 : memref<128xi32, #tpu.memory_space<vmem>>) semaphore(%arg11 : memref<!tpu.dma_semaphore, #tpu.memory_space<semaphore_mem>>)
      } else {
      }
      %dma_wait3A_108 = arith.constant 0 : i32
      %dma_wait3A_109 = arith.constant 0 : i32
      %dma_wait3A_110 = tpu.memref_slice %arg4[%dma_wait3A_108, %dma_wait3A_109] : memref<640x64xf32, #tpu.memory_space<hbm>> -> memref<128x64xf32, #tpu.memory_space<hbm>>
      %dma_wait3A_111 = arith.constant 0 : i32
      %dma_wait3A_112 = arith.constant 0 : i32
      %dma_wait3A_113 = tpu.memref_slice %arg4[%dma_wait3A_111, %dma_wait3A_112] : memref<640x64xf32, #tpu.memory_space<hbm>> -> memref<128x64xf32, #tpu.memory_space<hbm>>
      tpu.wait_dma2 semaphore(%arg12 : memref<!tpu.dma_semaphore, #tpu.memory_space<semaphore_mem>>) src(%dma_wait3A_113 : memref<128x64xf32, #tpu.memory_space<hbm>>) dst(%arg8 : memref<128x64xf32, #tpu.memory_space<vmem>>)
      %add3A_114 = arith.constant 1 : i32
      %add3A_115 = arith.addi %mul3A_79, %add3A_114 : i32
      %run_scoped3A_116 = arith.constant 1 : i32
      "tpu.region"() ({
        %run_scoped3A_117 = tpu.sem_alloc : memref<!tpu.dma_semaphore, #tpu.memory_space<semaphore_mem>>
        %dma_start3A_118 = arith.constant 0 : i32
        %dma_start3A_119 = tpu.memref_slice %arg6[%add3A_115, %run_scoped3A_116, %dma_start3A_118] : memref<80x2x128xi32, #tpu.memory_space<vmem>> -> memref<1x1x128xi32, #tpu.memory_space<vmem>>
        %dma_start3A_120 = tpu.memref_squeeze %dma_start3A_119 : memref<1x1x128xi32, #tpu.memory_space<vmem>> -> memref<128xi32, #tpu.memory_space<vmem>>
        %dma_start3A_121 = arith.constant 0 : i32
        %dma_start3A_122 = arith.constant 0 : i32
        %dma_start3A_123 = tpu.memref_slice %arg9[%dma_start3A_121, %dma_start3A_122] : memref<10240x64xf32, #tpu.memory_space<vmem_shared>> -> memref<10240x64xf32, #tpu.memory_space<vmem_shared>>
        tpu.enqueue_indirect_dma source(%arg8 : memref<128x64xf32, #tpu.memory_space<vmem>>) target(%dma_start3A_123 : memref<10240x64xf32, #tpu.memory_space<vmem_shared>>) offsets(%dma_start3A_120 : memref<128xi32, #tpu.memory_space<vmem>>) semaphore(%run_scoped3A_117 : memref<!tpu.dma_semaphore, #tpu.memory_space<semaphore_mem>>) {add = true}
        %dma_wait3A_124 = arith.constant 0 : i32
        %dma_wait3A_125 = tpu.memref_slice %arg6[%add3A_115, %run_scoped3A_116, %dma_wait3A_124] : memref<80x2x128xi32, #tpu.memory_space<vmem>> -> memref<1x1x128xi32, #tpu.memory_space<vmem>>
        %dma_wait3A_126 = tpu.memref_squeeze %dma_wait3A_125 : memref<1x1x128xi32, #tpu.memory_space<vmem>> -> memref<128xi32, #tpu.memory_space<vmem>>
        %dma_wait3A_127 = arith.constant 0 : i32
        %dma_wait3A_128 = arith.constant 0 : i32
        %dma_wait3A_129 = tpu.memref_slice %arg9[%dma_wait3A_127, %dma_wait3A_128] : memref<10240x64xf32, #tpu.memory_space<vmem_shared>> -> memref<10240x64xf32, #tpu.memory_space<vmem_shared>>
        tpu.wait_indirect_dma semaphore(%run_scoped3A_117 : memref<!tpu.dma_semaphore, #tpu.memory_space<semaphore_mem>>) src(%arg8 : memref<128x64xf32, #tpu.memory_space<vmem>>) dst(%dma_wait3A_129 : memref<10240x64xf32, #tpu.memory_space<vmem_shared>>)
        tpu.yield
      }) : () -> ()
    }
    %while3A_71 = arith.constant 1 : i32
    scf.for %while3A_77 = %while3A_69 to %while3A_65 step %while3A_71  : i32 {
      %mul3A_78 = arith.constant 2 : i32
      %mul3A_79 = arith.muli %while3A_77, %mul3A_78 : i32
      %add3A_80 = arith.constant 0 : i32
      %add3A_81 = arith.addi %mul3A_79, %add3A_80 : i32
      %add3A_82 = arith.constant 2 : i32
      %add3A_83 = arith.addi %add3A_81, %add3A_82 : i32
      %sub3A_84 = arith.constant 1 : i32
      %sub3A_85 = arith.subi %add3A_83, %sub3A_84 : i32
      %dma_start3A_86 = arith.constant 0 : i32
      %dma_start3A_87 = arith.constant 0 : i32
      %dma_start3A_88 = tpu.memref_slice %arg6[%sub3A_85, %dma_start3A_86, %dma_start3A_87] : memref<80x2x128xi32, #tpu.memory_space<vmem>> -> memref<1x1x128xi32, #tpu.memory_space<vmem>>
      %dma_start3A_89 = tpu.memref_squeeze %dma_start3A_88 : memref<1x1x128xi32, #tpu.memory_space<vmem>> -> memref<128xi32, #tpu.memory_space<vmem>>
      %dma_start3A_90 = arith.constant 0 : i32
      %dma_start3A_91 = arith.constant 0 : i32
      %dma_start3A_92 = tpu.memref_slice %arg10[%dma_start3A_90, %dma_start3A_91] : memref<10240x64xf32, #tpu.memory_space<vmem_shared>> -> memref<10240x64xf32, #tpu.memory_space<vmem_shared>>
      tpu.enqueue_indirect_dma source(%dma_start3A_92 : memref<10240x64xf32, #tpu.memory_space<vmem_shared>>) target(%arg8 : memref<128x64xf32, #tpu.memory_space<vmem>>) offsets(%dma_start3A_89 : memref<128xi32, #tpu.memory_space<vmem>>) semaphore(%arg12 : memref<!tpu.dma_semaphore, #tpu.memory_space<semaphore_mem>>)
      %dma_wait3A_93 = arith.constant 0 : i32
      %dma_wait3A_94 = arith.constant 0 : i32
      %dma_wait3A_95 = tpu.memref_slice %arg4[%dma_wait3A_93, %dma_wait3A_94] : memref<640x64xf32, #tpu.memory_space<hbm>> -> memref<128x64xf32, #tpu.memory_space<hbm>>
      %dma_wait3A_96 = arith.constant 0 : i32
      %dma_wait3A_97 = arith.constant 0 : i32
      %dma_wait3A_98 = tpu.memref_slice %arg4[%dma_wait3A_96, %dma_wait3A_97] : memref<640x64xf32, #tpu.memory_space<hbm>> -> memref<128x64xf32, #tpu.memory_space<hbm>>
      tpu.wait_dma2 semaphore(%arg11 : memref<!tpu.dma_semaphore, #tpu.memory_space<semaphore_mem>>) src(%dma_wait3A_98 : memref<128x64xf32, #tpu.memory_space<hbm>>) dst(%arg7 : memref<128x64xf32, #tpu.memory_space<vmem>>)
      %add3A_99 = arith.constant 0 : i32
      %add3A_100 = arith.addi %mul3A_79, %add3A_99 : i32
      %run_scoped3A = arith.constant 1 : i32
      "tpu.region"() ({
        %run_scoped3A_117 = tpu.sem_alloc : memref<!tpu.dma_semaphore, #tpu.memory_space<semaphore_mem>>
        %dma_start3A_118 = arith.constant 0 : i32
        %dma_start3A_119 = tpu.memref_slice %arg6[%add3A_100, %run_scoped3A, %dma_start3A_118] : memref<80x2x128xi32, #tpu.memory_space<vmem>> -> memref<1x1x128xi32, #tpu.memory_space<vmem>>
        %dma_start3A_120 = tpu.memref_squeeze %dma_start3A_119 : memref<1x1x128xi32, #tpu.memory_space<vmem>> -> memref<128xi32, #tpu.memory_space<vmem>>
        %dma_start3A_121 = arith.constant 0 : i32
        %dma_start3A_122 = arith.constant 0 : i32
        %dma_start3A_123 = tpu.memref_slice %arg9[%dma_start3A_121, %dma_start3A_122] : memref<10240x64xf32, #tpu.memory_space<vmem_shared>> -> memref<10240x64xf32, #tpu.memory_space<vmem_shared>>
        tpu.enqueue_indirect_dma source(%arg7 : memref<128x64xf32, #tpu.memory_space<vmem>>) target(%dma_start3A_123 : memref<10240x64xf32, #tpu.memory_space<vmem_shared>>) offsets(%dma_start3A_120 : memref<128xi32, #tpu.memory_space<vmem>>) semaphore(%run_scoped3A_117 : memref<!tpu.dma_semaphore, #tpu.memory_space<semaphore_mem>>) {add = true}
        %dma_wait3A_124 = arith.constant 0 : i32
        %dma_wait3A_125 = tpu.memref_slice %arg6[%add3A_100, %run_scoped3A, %dma_wait3A_124] : memref<80x2x128xi32, #tpu.memory_space<vmem>> -> memref<1x1x128xi32, #tpu.memory_space<vmem>>
        %dma_wait3A_126 = tpu.memref_squeeze %dma_wait3A_125 : memref<1x1x128xi32, #tpu.memory_space<vmem>> -> memref<128xi32, #tpu.memory_space<vmem>>
        %dma_wait3A_127 = arith.constant 0 : i32
        %dma_wait3A_128 = arith.constant 0 : i32
        %dma_wait3A_129 = tpu.memref_slice %arg9[%dma_wait3A_127, %dma_wait3A_128] : memref<10240x64xf32, #tpu.memory_space<vmem_shared>> -> memref<10240x64xf32, #tpu.memory_space<vmem_shared>>
        tpu.wait_indirect_dma semaphore(%run_scoped3A_117 : memref<!tpu.dma_semaphore, #tpu.memory_space<semaphore_mem>>) src(%arg7 : memref<128x64xf32, #tpu.memory_space<vmem>>) dst(%dma_wait3A_129 : memref<10240x64xf32, #tpu.memory_space<vmem_shared>>)
        tpu.yield
      }) : () -> ()
      %add3A_101 = arith.constant 1 : i32
      %add3A_102 = arith.addi %mul3A_79, %add3A_101 : i32
      %add3A_103 = arith.constant 2 : i32
      %add3A_104 = arith.addi %add3A_102, %add3A_103 : i32
      %sub3A_105 = arith.constant 1 : i32
      %sub3A_106 = arith.subi %add3A_104, %sub3A_105 : i32
      %lt3A = arith.cmpi slt, %sub3A_106, %select_n3A_8 : i32
      %convert_element_type3A = arith.extui %lt3A : i1 to i32
      %cond3A = arith.constant 0 : i32
      %cond3A_107 = arith.cmpi ne, %convert_element_type3A, %cond3A : i32
      scf.if %cond3A_107 {
        %dma_start3A_117 = arith.constant 0 : i32
        %dma_start3A_118 = arith.constant 0 : i32
        %dma_start3A_119 = tpu.memref_slice %arg6[%sub3A_106, %dma_start3A_117, %dma_start3A_118] : memref<80x2x128xi32, #tpu.memory_space<vmem>> -> memref<1x1x128xi32, #tpu.memory_space<vmem>>
        %dma_start3A_120 = tpu.memref_squeeze %dma_start3A_119 : memref<1x1x128xi32, #tpu.memory_space<vmem>> -> memref<128xi32, #tpu.memory_space<vmem>>
        %dma_start3A_121 = arith.constant 0 : i32
        %dma_start3A_122 = arith.constant 0 : i32
        %dma_start3A_123 = tpu.memref_slice %arg10[%dma_start3A_121, %dma_start3A_122] : memref<10240x64xf32, #tpu.memory_space<vmem_shared>> -> memref<10240x64xf32, #tpu.memory_space<vmem_shared>>
        tpu.enqueue_indirect_dma source(%dma_start3A_123 : memref<10240x64xf32, #tpu.memory_space<vmem_shared>>) target(%arg7 : memref<128x64xf32, #tpu.memory_space<vmem>>) offsets(%dma_start3A_120 : memref<128xi32, #tpu.memory_space<vmem>>) semaphore(%arg11 : memref<!tpu.dma_semaphore, #tpu.memory_space<semaphore_mem>>)
      } else {
      }
      %dma_wait3A_108 = arith.constant 0 : i32
      %dma_wait3A_109 = arith.constant 0 : i32
      %dma_wait3A_110 = tpu.memref_slice %arg4[%dma_wait3A_108, %dma_wait3A_109] : memref<640x64xf32, #tpu.memory_space<hbm>> -> memref<128x64xf32, #tpu.memory_space<hbm>>
      %dma_wait3A_111 = arith.constant 0 : i32
      %dma_wait3A_112 = arith.constant 0 : i32
      %dma_wait3A_113 = tpu.memref_slice %arg4[%dma_wait3A_111, %dma_wait3A_112] : memref<640x64xf32, #tpu.memory_space<hbm>> -> memref<128x64xf32, #tpu.memory_space<hbm>>
      tpu.wait_dma2 semaphore(%arg12 : memref<!tpu.dma_semaphore, #tpu.memory_space<semaphore_mem>>) src(%dma_wait3A_113 : memref<128x64xf32, #tpu.memory_space<hbm>>) dst(%arg8 : memref<128x64xf32, #tpu.memory_space<vmem>>)
      %add3A_114 = arith.constant 1 : i32
      %add3A_115 = arith.addi %mul3A_79, %add3A_114 : i32
      %run_scoped3A_116 = arith.constant 1 : i32
      "tpu.region"() ({
        %run_scoped3A_117 = tpu.sem_alloc : memref<!tpu.dma_semaphore, #tpu.memory_space<semaphore_mem>>
        %dma_start3A_118 = arith.constant 0 : i32
        %dma_start3A_119 = tpu.memref_slice %arg6[%add3A_115, %run_scoped3A_116, %dma_start3A_118] : memref<80x2x128xi32, #tpu.memory_space<vmem>> -> memref<1x1x128xi32, #tpu.memory_space<vmem>>
        %dma_start3A_120 = tpu.memref_squeeze %dma_start3A_119 : memref<1x1x128xi32, #tpu.memory_space<vmem>> -> memref<128xi32, #tpu.memory_space<vmem>>
        %dma_start3A_121 = arith.constant 0 : i32
        %dma_start3A_122 = arith.constant 0 : i32
        %dma_start3A_123 = tpu.memref_slice %arg9[%dma_start3A_121, %dma_start3A_122] : memref<10240x64xf32, #tpu.memory_space<vmem_shared>> -> memref<10240x64xf32, #tpu.memory_space<vmem_shared>>
        tpu.enqueue_indirect_dma source(%arg8 : memref<128x64xf32, #tpu.memory_space<vmem>>) target(%dma_start3A_123 : memref<10240x64xf32, #tpu.memory_space<vmem_shared>>) offsets(%dma_start3A_120 : memref<128xi32, #tpu.memory_space<vmem>>) semaphore(%run_scoped3A_117 : memref<!tpu.dma_semaphore, #tpu.memory_space<semaphore_mem>>) {add = true}
        %dma_wait3A_124 = arith.constant 0 : i32
        %dma_wait3A_125 = tpu.memref_slice %arg6[%add3A_115, %run_scoped3A_116, %dma_wait3A_124] : memref<80x2x128xi32, #tpu.memory_space<vmem>> -> memref<1x1x128xi32, #tpu.memory_space<vmem>>
        %dma_wait3A_126 = tpu.memref_squeeze %dma_wait3A_125 : memref<1x1x128xi32, #tpu.memory_space<vmem>> -> memref<128xi32, #tpu.memory_space<vmem>>
        %dma_wait3A_127 = arith.constant 0 : i32
        %dma_wait3A_128 = arith.constant 0 : i32
        %dma_wait3A_129 = tpu.memref_slice %arg9[%dma_wait3A_127, %dma_wait3A_128] : memref<10240x64xf32, #tpu.memory_space<vmem_shared>> -> memref<10240x64xf32, #tpu.memory_space<vmem_shared>>
        tpu.wait_indirect_dma semaphore(%run_scoped3A_117 : memref<!tpu.dma_semaphore, #tpu.memory_space<semaphore_mem>>) src(%arg8 : memref<128x64xf32, #tpu.memory_space<vmem>>) dst(%dma_wait3A_129 : memref<10240x64xf32, #tpu.memory_space<vmem_shared>>)
        tpu.yield
      }) : () -> ()
    }
    %barrier3A_72 = arith.constant 0 : index
    tpu.barrier barrier_id(%barrier3A_72)
    %mul3A_73 = arith.constant 640 : i32
    %mul3A_74 = arith.muli %arg1, %mul3A_73 : i32
    %mul3A_75 = arith.constant 640 : i32
    %mul3A_76 = arith.muli %arg1, %mul3A_75 : i32
    "tpu.region"() ({
      %run_scoped3A = tpu.sem_alloc : memref<!tpu.dma_semaphore, #tpu.memory_space<semaphore_mem>>
      %dma_start3A_77 = arith.constant 0 : i32
      %dma_start3A_78 = tpu.memref_slice %arg5[%arg0, %mul3A_76, %dma_start3A_77] : memref<2x10240x64xf32, #tpu.memory_space<hbm>> -> memref<1x640x64xf32, #tpu.memory_space<hbm>>
      %dma_start3A_79 = tpu.memref_squeeze %dma_start3A_78 : memref<1x640x64xf32, #tpu.memory_space<hbm>> -> memref<640x64xf32, #tpu.memory_space<hbm>>
      %dma_start3A_80 = arith.constant 0 : i32
      %dma_start3A_81 = tpu.memref_slice %arg9[%mul3A_74, %dma_start3A_80] : memref<10240x64xf32, #tpu.memory_space<vmem_shared>> -> memref<640x64xf32, #tpu.memory_space<vmem_shared>>
      tpu.enqueue_dma source(%dma_start3A_81 : memref<640x64xf32, #tpu.memory_space<vmem_shared>>) target(%dma_start3A_79 : memref<640x64xf32, #tpu.memory_space<hbm>>) target_semaphore(%run_scoped3A : memref<!tpu.dma_semaphore, #tpu.memory_space<semaphore_mem>>)
      %dma_wait3A_82 = arith.constant 0 : i32
      %dma_wait3A_83 = tpu.memref_slice %arg5[%arg0, %mul3A_76, %dma_wait3A_82] : memref<2x10240x64xf32, #tpu.memory_space<hbm>> -> memref<1x640x64xf32, #tpu.memory_space<hbm>>
      %dma_wait3A_84 = tpu.memref_squeeze %dma_wait3A_83 : memref<1x640x64xf32, #tpu.memory_space<hbm>> -> memref<640x64xf32, #tpu.memory_space<hbm>>
      %dma_wait3A_85 = arith.constant 0 : i32
      %dma_wait3A_86 = tpu.memref_slice %arg9[%mul3A_74, %dma_wait3A_85] : memref<10240x64xf32, #tpu.memory_space<vmem_shared>> -> memref<640x64xf32, #tpu.memory_space<vmem_shared>>
      tpu.wait_dma2 semaphore(%run_scoped3A : memref<!tpu.dma_semaphore, #tpu.memory_space<semaphore_mem>>) src(%dma_wait3A_86 : memref<640x64xf32, #tpu.memory_space<vmem_shared>>) dst(%dma_wait3A_84 : memref<640x64xf32, #tpu.memory_space<hbm>>)
      tpu.yield
    }) : () -> ()
    return
  }
}

#map = affine_map<(d0, d1) -> (0, 0)>
#map1 = affine_map<(d0, d1) -> (0, 0, 0)>
module attributes {stable_mosaic.version = 14 : i64} {
  func.func @_segsum(%arg0: i32, %arg1: i32, %arg2: memref<10240x64xf32, #tpu.memory_space<hbm>>, %arg3: memref<2560x2x128xi32, #tpu.memory_space<hbm>>, %arg4: memref<640x64xf32, #tpu.memory_space<hbm>>, %arg5: memref<2x10240x64xf32, #tpu.memory_space<hbm>>, %arg6: memref<80x2x128xi32, #tpu.memory_space<vmem>>, %arg7: memref<128x64xf32, #tpu.memory_space<vmem>>, %arg8: memref<128x64xf32, #tpu.memory_space<vmem>>, %arg9: memref<10240x64xf32, #tpu.memory_space<vmem_shared>>, %arg10: memref<10240x64xf32, #tpu.memory_space<vmem_shared>>, %arg11: memref<!tpu.dma_semaphore, #tpu.memory_space<semaphore_mem>>, %arg12: memref<!tpu.dma_semaphore, #tpu.memory_space<semaphore_mem>>) attributes {dimension_semantics = [#tpu.dimension_semantics<core_parallel>, #tpu.dimension_semantics<subcore_parallel>], iteration_bounds = array<i64: 2, 16>, scalar_prefetch = 0 : i64, scratch_operands = 7 : i64, tpu.core_type = #tpu.core_type<sc_vector_subcore>, window_params = [{transform_indices = #map}, {transform_indices = #map1}, {transform_indices = #map}, {transform_indices = #map1}]} {
    %eq3A = arith.constant 0 : i32
    %eq3A_0 = arith.cmpi eq, %arg0, %eq3A : i32
    %mul3A = arith.constant 80 : i32
    %mul3A_1 = arith.muli %arg1, %mul3A : i32
    %mul3A_2 = arith.constant 80 : i32
    %mul3A_3 = arith.muli %arg1, %mul3A_2 : i32
    %add3A = arith.constant 1280 : i32
    %add3A_4 = arith.addi %add3A, %mul3A_3 : i32
    %select_n3A = arith.select %eq3A_0, %mul3A_1, %add3A_4 : i32
    %eq3A_5 = arith.constant 0 : i32
    %eq3A_6 = arith.cmpi eq, %arg0, %eq3A_5 : i32
    %jit3A = arith.constant 80 : i32
    %jit3A_7 = arith.constant 80 : i32
    %select_n3A_8 = arith.select %eq3A_6, %jit3A, %jit3A_7 : i32
    %mul3A_9 = arith.constant 640 : i32
    %mul3A_10 = arith.muli %arg1, %mul3A_9 : i32
    %dma_start3A = arith.constant 0 : i32
    %dma_start3A_11 = tpu.memref_slice %arg9[%mul3A_10, %dma_start3A] : memref<10240x64xf32, #tpu.memory_space<vmem_shared>> -> memref<640x64xf32, #tpu.memory_space<vmem_shared>>
    tpu.enqueue_dma source(%arg4 : memref<640x64xf32, #tpu.memory_space<hbm>>) target(%dma_start3A_11 : memref<640x64xf32, #tpu.memory_space<vmem_shared>>) target_semaphore(%arg11 : memref<!tpu.dma_semaphore, #tpu.memory_space<semaphore_mem>>)
    %mul3A_12 = arith.constant 640 : i32
    %mul3A_13 = arith.muli %arg1, %mul3A_12 : i32
    %mul3A_14 = arith.constant 640 : i32
    %mul3A_15 = arith.muli %arg1, %mul3A_14 : i32
    %dma_start3A_16 = arith.constant 0 : i32
    %dma_start3A_17 = tpu.memref_slice %arg10[%mul3A_15, %dma_start3A_16] : memref<10240x64xf32, #tpu.memory_space<vmem_shared>> -> memref<640x64xf32, #tpu.memory_space<vmem_shared>>
    %dma_start3A_18 = arith.constant 0 : i32
    %dma_start3A_19 = tpu.memref_slice %arg2[%mul3A_13, %dma_start3A_18] : memref<10240x64xf32, #tpu.memory_space<hbm>> -> memref<640x64xf32, #tpu.memory_space<hbm>>
    tpu.enqueue_dma source(%dma_start3A_19 : memref<640x64xf32, #tpu.memory_space<hbm>>) target(%dma_start3A_17 : memref<640x64xf32, #tpu.memory_space<vmem_shared>>) target_semaphore(%arg12 : memref<!tpu.dma_semaphore, #tpu.memory_space<semaphore_mem>>)
    %dma_start3A_20 = arith.constant 0 : i32
    %dma_start3A_21 = arith.constant 0 : i32
    %dma_start3A_22 = tpu.memref_slice %arg3[%select_n3A, %dma_start3A_20, %dma_start3A_21] : memref<2560x2x128xi32, #tpu.memory_space<hbm>> -> memref<80x2x128xi32, #tpu.memory_space<hbm>>
    %dma_start3A_23 = arith.constant 0 : i32
    %dma_start3A_24 = arith.constant 0 : i32
    %dma_start3A_25 = tpu.memref_slice %arg3[%select_n3A, %dma_start3A_23, %dma_start3A_24] : memref<2560x2x128xi32, #tpu.memory_space<hbm>> -> memref<80x2x128xi32, #tpu.memory_space<hbm>>
    tpu.enqueue_dma source(%dma_start3A_25 : memref<80x2x128xi32, #tpu.memory_space<hbm>>) target(%arg6 : memref<80x2x128xi32, #tpu.memory_space<vmem>>) target_semaphore(%arg11 : memref<!tpu.dma_semaphore, #tpu.memory_space<semaphore_mem>>)
    %dma_wait3A = arith.constant 0 : i32
    %dma_wait3A_26 = tpu.memref_slice %arg9[%mul3A_10, %dma_wait3A] : memref<10240x64xf32, #tpu.memory_space<vmem_shared>> -> memref<640x64xf32, #tpu.memory_space<vmem_shared>>
    tpu.wait_dma2 semaphore(%arg11 : memref<!tpu.dma_semaphore, #tpu.memory_space<semaphore_mem>>) src(%arg4 : memref<640x64xf32, #tpu.memory_space<hbm>>) dst(%dma_wait3A_26 : memref<640x64xf32, #tpu.memory_space<vmem_shared>>)
    %dma_wait3A_27 = arith.constant 0 : i32
    %dma_wait3A_28 = tpu.memref_slice %arg10[%mul3A_15, %dma_wait3A_27] : memref<10240x64xf32, #tpu.memory_space<vmem_shared>> -> memref<640x64xf32, #tpu.memory_space<vmem_shared>>
    %dma_wait3A_29 = arith.constant 0 : i32
    %dma_wait3A_30 = tpu.memref_slice %arg2[%mul3A_13, %dma_wait3A_29] : memref<10240x64xf32, #tpu.memory_space<hbm>> -> memref<640x64xf32, #tpu.memory_space<hbm>>
    tpu.wait_dma2 semaphore(%arg12 : memref<!tpu.dma_semaphore, #tpu.memory_space<semaphore_mem>>) src(%dma_wait3A_30 : memref<640x64xf32, #tpu.memory_space<hbm>>) dst(%dma_wait3A_28 : memref<640x64xf32, #tpu.memory_space<vmem_shared>>)
    %dma_wait3A_31 = arith.constant 0 : i32
    %dma_wait3A_32 = arith.constant 0 : i32
    %dma_wait3A_33 = tpu.memref_slice %arg3[%select_n3A, %dma_wait3A_31, %dma_wait3A_32] : memref<2560x2x128xi32, #tpu.memory_space<hbm>> -> memref<80x2x128xi32, #tpu.memory_space<hbm>>
    %dma_wait3A_34 = arith.constant 0 : i32
    %dma_wait3A_35 = arith.constant 0 : i32
    %dma_wait3A_36 = tpu.memref_slice %arg3[%select_n3A, %dma_wait3A_34, %dma_wait3A_35] : memref<2560x2x128xi32, #tpu.memory_space<hbm>> -> memref<80x2x128xi32, #tpu.memory_space<hbm>>
    tpu.wait_dma2 semaphore(%arg11 : memref<!tpu.dma_semaphore, #tpu.memory_space<semaphore_mem>>) src(%dma_wait3A_36 : memref<80x2x128xi32, #tpu.memory_space<hbm>>) dst(%arg6 : memref<80x2x128xi32, #tpu.memory_space<vmem>>)
    %barrier3A = arith.constant 0 : index
    tpu.barrier barrier_id(%barrier3A)
    %dma_start3A_37 = arith.constant 0 : i32
    %dma_start3A_38 = arith.constant 0 : i32
    %dma_start3A_39 = arith.constant 0 : i32
    %dma_start3A_40 = tpu.memref_slice %arg6[%dma_start3A_37, %dma_start3A_38, %dma_start3A_39] : memref<80x2x128xi32, #tpu.memory_space<vmem>> -> memref<1x1x128xi32, #tpu.memory_space<vmem>>
    %dma_start3A_41 = tpu.memref_squeeze %dma_start3A_40 : memref<1x1x128xi32, #tpu.memory_space<vmem>> -> memref<128xi32, #tpu.memory_space<vmem>>
    %dma_start3A_42 = arith.constant 0 : i32
    %dma_start3A_43 = arith.constant 0 : i32
    %dma_start3A_44 = tpu.memref_slice %arg10[%dma_start3A_42, %dma_start3A_43] : memref<10240x64xf32, #tpu.memory_space<vmem_shared>> -> memref<10240x64xf32, #tpu.memory_space<vmem_shared>>
    tpu.enqueue_indirect_dma source(%dma_start3A_44 : memref<10240x64xf32, #tpu.memory_space<vmem_shared>>) target(%arg7 : memref<128x64xf32, #tpu.memory_space<vmem>>) offsets(%dma_start3A_41 : memref<128xi32, #tpu.memory_space<vmem>>) semaphore(%arg11 : memref<!tpu.dma_semaphore, #tpu.memory_space<semaphore_mem>>)
    %jit3A_45 = arith.constant 2 : i32
    %div3A = arith.divsi %select_n3A_8, %jit3A_45 : i32
    %sign3A = arith.constant 0 : i32
    %sign3A_46 = arith.cmpi sgt, %select_n3A_8, %sign3A : i32
    %sign3A_47 = arith.extui %sign3A_46 : i1 to i32
    %sign3A_48 = arith.constant 0 : i32
    %sign3A_49 = arith.cmpi slt, %select_n3A_8, %sign3A_48 : i32
    %sign3A_50 = arith.extui %sign3A_49 : i1 to i32
    %sign3A_51 = arith.subi %sign3A_47, %sign3A_50 : i32
    %sign3A_52 = arith.constant 0 : i32
    %sign3A_53 = arith.cmpi sgt, %jit3A_45, %sign3A_52 : i32
    %sign3A_54 = arith.extui %sign3A_53 : i1 to i32
    %sign3A_55 = arith.constant 0 : i32
    %sign3A_56 = arith.cmpi slt, %jit3A_45, %sign3A_55 : i32
    %sign3A_57 = arith.extui %sign3A_56 : i1 to i32
    %sign3A_58 = arith.subi %sign3A_54, %sign3A_57 : i32
    %ne3A = arith.cmpi ne, %sign3A_51, %sign3A_58 : i32
    %rem3A = arith.remsi %select_n3A_8, %jit3A_45 : i32
    %ne3A_59 = arith.constant 0 : i32
    %ne3A_60 = arith.cmpi ne, %rem3A, %ne3A_59 : i32
    %and3A = arith.andi %ne3A, %ne3A_60 : i1
    %sub3A = arith.constant 1 : i32
    %sub3A_61 = arith.subi %div3A, %sub3A : i32
    %select_n3A_62 = arith.select %and3A, %sub3A_61, %div3A : i32
    %while3A = arith.constant 0 : i32
    %while3A_63 = arith.constant 0 : i32
    %while3A_64 = arith.subi %select_n3A_62, %while3A_63 : i32
    %while3A_65 = arith.addi %while3A_63, %while3A_64 : i32
    %while3A_66 = arith.constant 1 : i32
    %while3A_67 = arith.divsi %while3A_64, %while3A_66 : i32
    %while3A_68 = arith.muli %while3A_67, %while3A_66 : i32
    %while3A_69 = arith.addi %while3A_63, %while3A_68 : i32
    %while3A_70 = arith.constant 1 : i32
    scf.for %while3A_77 = %while3A_63 to %while3A_69 step %while3A_70  : i32 {
      %mul3A_78 = arith.constant 2 : i32
      %mul3A_79 = arith.muli %while3A_77, %mul3A_78 : i32
      %add3A_80 = arith.constant 0 : i32
      %add3A_81 = arith.addi %mul3A_79, %add3A_80 : i32
      %add3A_82 = arith.constant 2 : i32
      %add3A_83 = arith.addi %add3A_81, %add3A_82 : i32
      %sub3A_84 = arith.constant 1 : i32
      %sub3A_85 = arith.subi %add3A_83, %sub3A_84 : i32
      %dma_start3A_86 = arith.constant 0 : i32
      %dma_start3A_87 = arith.constant 0 : i32
      %dma_start3A_88 = tpu.memref_slice %arg6[%sub3A_85, %dma_start3A_86, %dma_start3A_87] : memref<80x2x128xi32, #tpu.memory_space<vmem>> -> memref<1x1x128xi32, #tpu.memory_space<vmem>>
      %dma_start3A_89 = tpu.memref_squeeze %dma_start3A_88 : memref<1x1x128xi32, #tpu.memory_space<vmem>> -> memref<128xi32, #tpu.memory_space<vmem>>
      %dma_start3A_90 = arith.constant 0 : i32
      %dma_start3A_91 = arith.constant 0 : i32
      %dma_start3A_92 = tpu.memref_slice %arg10[%dma_start3A_90, %dma_start3A_91] : memref<10240x64xf32, #tpu.memory_space<vmem_shared>> -> memref<10240x64xf32, #tpu.memory_space<vmem_shared>>
      tpu.enqueue_indirect_dma source(%dma_start3A_92 : memref<10240x64xf32, #tpu.memory_space<vmem_shared>>) target(%arg8 : memref<128x64xf32, #tpu.memory_space<vmem>>) offsets(%dma_start3A_89 : memref<128xi32, #tpu.memory_space<vmem>>) semaphore(%arg12 : memref<!tpu.dma_semaphore, #tpu.memory_space<semaphore_mem>>)
      %dma_wait3A_93 = arith.constant 0 : i32
      %dma_wait3A_94 = arith.constant 0 : i32
      %dma_wait3A_95 = tpu.memref_slice %arg4[%dma_wait3A_93, %dma_wait3A_94] : memref<640x64xf32, #tpu.memory_space<hbm>> -> memref<128x64xf32, #tpu.memory_space<hbm>>
      %dma_wait3A_96 = arith.constant 0 : i32
      %dma_wait3A_97 = arith.constant 0 : i32
      %dma_wait3A_98 = tpu.memref_slice %arg4[%dma_wait3A_96, %dma_wait3A_97] : memref<640x64xf32, #tpu.memory_space<hbm>> -> memref<128x64xf32, #tpu.memory_space<hbm>>
      tpu.wait_dma2 semaphore(%arg11 : memref<!tpu.dma_semaphore, #tpu.memory_space<semaphore_mem>>) src(%dma_wait3A_98 : memref<128x64xf32, #tpu.memory_space<hbm>>) dst(%arg7 : memref<128x64xf32, #tpu.memory_space<vmem>>)
      %add3A_99 = arith.constant 0 : i32
      %add3A_100 = arith.addi %mul3A_79, %add3A_99 : i32
      %run_scoped3A = arith.constant 1 : i32
      "tpu.region"() ({
        %run_scoped3A_117 = tpu.sem_alloc : memref<!tpu.dma_semaphore, #tpu.memory_space<semaphore_mem>>
        %dma_start3A_118 = arith.constant 0 : i32
        %dma_start3A_119 = tpu.memref_slice %arg6[%add3A_100, %run_scoped3A, %dma_start3A_118] : memref<80x2x128xi32, #tpu.memory_space<vmem>> -> memref<1x1x128xi32, #tpu.memory_space<vmem>>
        %dma_start3A_120 = tpu.memref_squeeze %dma_start3A_119 : memref<1x1x128xi32, #tpu.memory_space<vmem>> -> memref<128xi32, #tpu.memory_space<vmem>>
        %dma_start3A_121 = arith.constant 0 : i32
        %dma_start3A_122 = arith.constant 0 : i32
        %dma_start3A_123 = tpu.memref_slice %arg9[%dma_start3A_121, %dma_start3A_122] : memref<10240x64xf32, #tpu.memory_space<vmem_shared>> -> memref<10240x64xf32, #tpu.memory_space<vmem_shared>>
        tpu.enqueue_indirect_dma source(%arg7 : memref<128x64xf32, #tpu.memory_space<vmem>>) target(%dma_start3A_123 : memref<10240x64xf32, #tpu.memory_space<vmem_shared>>) offsets(%dma_start3A_120 : memref<128xi32, #tpu.memory_space<vmem>>) semaphore(%run_scoped3A_117 : memref<!tpu.dma_semaphore, #tpu.memory_space<semaphore_mem>>) {add = true}
        %dma_wait3A_124 = arith.constant 0 : i32
        %dma_wait3A_125 = tpu.memref_slice %arg6[%add3A_100, %run_scoped3A, %dma_wait3A_124] : memref<80x2x128xi32, #tpu.memory_space<vmem>> -> memref<1x1x128xi32, #tpu.memory_space<vmem>>
        %dma_wait3A_126 = tpu.memref_squeeze %dma_wait3A_125 : memref<1x1x128xi32, #tpu.memory_space<vmem>> -> memref<128xi32, #tpu.memory_space<vmem>>
        %dma_wait3A_127 = arith.constant 0 : i32
        %dma_wait3A_128 = arith.constant 0 : i32
        %dma_wait3A_129 = tpu.memref_slice %arg9[%dma_wait3A_127, %dma_wait3A_128] : memref<10240x64xf32, #tpu.memory_space<vmem_shared>> -> memref<10240x64xf32, #tpu.memory_space<vmem_shared>>
        tpu.wait_indirect_dma semaphore(%run_scoped3A_117 : memref<!tpu.dma_semaphore, #tpu.memory_space<semaphore_mem>>) src(%arg7 : memref<128x64xf32, #tpu.memory_space<vmem>>) dst(%dma_wait3A_129 : memref<10240x64xf32, #tpu.memory_space<vmem_shared>>)
        tpu.yield
      }) : () -> ()
      %add3A_101 = arith.constant 1 : i32
      %add3A_102 = arith.addi %mul3A_79, %add3A_101 : i32
      %add3A_103 = arith.constant 2 : i32
      %add3A_104 = arith.addi %add3A_102, %add3A_103 : i32
      %sub3A_105 = arith.constant 1 : i32
      %sub3A_106 = arith.subi %add3A_104, %sub3A_105 : i32
      %lt3A = arith.cmpi slt, %sub3A_106, %select_n3A_8 : i32
      %convert_element_type3A = arith.extui %lt3A : i1 to i32
      %cond3A = arith.constant 0 : i32
      %cond3A_107 = arith.cmpi ne, %convert_element_type3A, %cond3A : i32
      scf.if %cond3A_107 {
        %dma_start3A_117 = arith.constant 0 : i32
        %dma_start3A_118 = arith.constant 0 : i32
        %dma_start3A_119 = tpu.memref_slice %arg6[%sub3A_106, %dma_start3A_117, %dma_start3A_118] : memref<80x2x128xi32, #tpu.memory_space<vmem>> -> memref<1x1x128xi32, #tpu.memory_space<vmem>>
        %dma_start3A_120 = tpu.memref_squeeze %dma_start3A_119 : memref<1x1x128xi32, #tpu.memory_space<vmem>> -> memref<128xi32, #tpu.memory_space<vmem>>
        %dma_start3A_121 = arith.constant 0 : i32
        %dma_start3A_122 = arith.constant 0 : i32
        %dma_start3A_123 = tpu.memref_slice %arg10[%dma_start3A_121, %dma_start3A_122] : memref<10240x64xf32, #tpu.memory_space<vmem_shared>> -> memref<10240x64xf32, #tpu.memory_space<vmem_shared>>
        tpu.enqueue_indirect_dma source(%dma_start3A_123 : memref<10240x64xf32, #tpu.memory_space<vmem_shared>>) target(%arg7 : memref<128x64xf32, #tpu.memory_space<vmem>>) offsets(%dma_start3A_120 : memref<128xi32, #tpu.memory_space<vmem>>) semaphore(%arg11 : memref<!tpu.dma_semaphore, #tpu.memory_space<semaphore_mem>>)
      } else {
      }
      %dma_wait3A_108 = arith.constant 0 : i32
      %dma_wait3A_109 = arith.constant 0 : i32
      %dma_wait3A_110 = tpu.memref_slice %arg4[%dma_wait3A_108, %dma_wait3A_109] : memref<640x64xf32, #tpu.memory_space<hbm>> -> memref<128x64xf32, #tpu.memory_space<hbm>>
      %dma_wait3A_111 = arith.constant 0 : i32
      %dma_wait3A_112 = arith.constant 0 : i32
      %dma_wait3A_113 = tpu.memref_slice %arg4[%dma_wait3A_111, %dma_wait3A_112] : memref<640x64xf32, #tpu.memory_space<hbm>> -> memref<128x64xf32, #tpu.memory_space<hbm>>
      tpu.wait_dma2 semaphore(%arg12 : memref<!tpu.dma_semaphore, #tpu.memory_space<semaphore_mem>>) src(%dma_wait3A_113 : memref<128x64xf32, #tpu.memory_space<hbm>>) dst(%arg8 : memref<128x64xf32, #tpu.memory_space<vmem>>)
      %add3A_114 = arith.constant 1 : i32
      %add3A_115 = arith.addi %mul3A_79, %add3A_114 : i32
      %run_scoped3A_116 = arith.constant 1 : i32
      "tpu.region"() ({
        %run_scoped3A_117 = tpu.sem_alloc : memref<!tpu.dma_semaphore, #tpu.memory_space<semaphore_mem>>
        %dma_start3A_118 = arith.constant 0 : i32
        %dma_start3A_119 = tpu.memref_slice %arg6[%add3A_115, %run_scoped3A_116, %dma_start3A_118] : memref<80x2x128xi32, #tpu.memory_space<vmem>> -> memref<1x1x128xi32, #tpu.memory_space<vmem>>
        %dma_start3A_120 = tpu.memref_squeeze %dma_start3A_119 : memref<1x1x128xi32, #tpu.memory_space<vmem>> -> memref<128xi32, #tpu.memory_space<vmem>>
        %dma_start3A_121 = arith.constant 0 : i32
        %dma_start3A_122 = arith.constant 0 : i32
        %dma_start3A_123 = tpu.memref_slice %arg9[%dma_start3A_121, %dma_start3A_122] : memref<10240x64xf32, #tpu.memory_space<vmem_shared>> -> memref<10240x64xf32, #tpu.memory_space<vmem_shared>>
        tpu.enqueue_indirect_dma source(%arg8 : memref<128x64xf32, #tpu.memory_space<vmem>>) target(%dma_start3A_123 : memref<10240x64xf32, #tpu.memory_space<vmem_shared>>) offsets(%dma_start3A_120 : memref<128xi32, #tpu.memory_space<vmem>>) semaphore(%run_scoped3A_117 : memref<!tpu.dma_semaphore, #tpu.memory_space<semaphore_mem>>) {add = true}
        %dma_wait3A_124 = arith.constant 0 : i32
        %dma_wait3A_125 = tpu.memref_slice %arg6[%add3A_115, %run_scoped3A_116, %dma_wait3A_124] : memref<80x2x128xi32, #tpu.memory_space<vmem>> -> memref<1x1x128xi32, #tpu.memory_space<vmem>>
        %dma_wait3A_126 = tpu.memref_squeeze %dma_wait3A_125 : memref<1x1x128xi32, #tpu.memory_space<vmem>> -> memref<128xi32, #tpu.memory_space<vmem>>
        %dma_wait3A_127 = arith.constant 0 : i32
        %dma_wait3A_128 = arith.constant 0 : i32
        %dma_wait3A_129 = tpu.memref_slice %arg9[%dma_wait3A_127, %dma_wait3A_128] : memref<10240x64xf32, #tpu.memory_space<vmem_shared>> -> memref<10240x64xf32, #tpu.memory_space<vmem_shared>>
        tpu.wait_indirect_dma semaphore(%run_scoped3A_117 : memref<!tpu.dma_semaphore, #tpu.memory_space<semaphore_mem>>) src(%arg8 : memref<128x64xf32, #tpu.memory_space<vmem>>) dst(%dma_wait3A_129 : memref<10240x64xf32, #tpu.memory_space<vmem_shared>>)
        tpu.yield
      }) : () -> ()
    }
    %while3A_71 = arith.constant 1 : i32
    scf.for %while3A_77 = %while3A_69 to %while3A_65 step %while3A_71  : i32 {
      %mul3A_78 = arith.constant 2 : i32
      %mul3A_79 = arith.muli %while3A_77, %mul3A_78 : i32
      %add3A_80 = arith.constant 0 : i32
      %add3A_81 = arith.addi %mul3A_79, %add3A_80 : i32
      %add3A_82 = arith.constant 2 : i32
      %add3A_83 = arith.addi %add3A_81, %add3A_82 : i32
      %sub3A_84 = arith.constant 1 : i32
      %sub3A_85 = arith.subi %add3A_83, %sub3A_84 : i32
      %dma_start3A_86 = arith.constant 0 : i32
      %dma_start3A_87 = arith.constant 0 : i32
      %dma_start3A_88 = tpu.memref_slice %arg6[%sub3A_85, %dma_start3A_86, %dma_start3A_87] : memref<80x2x128xi32, #tpu.memory_space<vmem>> -> memref<1x1x128xi32, #tpu.memory_space<vmem>>
      %dma_start3A_89 = tpu.memref_squeeze %dma_start3A_88 : memref<1x1x128xi32, #tpu.memory_space<vmem>> -> memref<128xi32, #tpu.memory_space<vmem>>
      %dma_start3A_90 = arith.constant 0 : i32
      %dma_start3A_91 = arith.constant 0 : i32
      %dma_start3A_92 = tpu.memref_slice %arg10[%dma_start3A_90, %dma_start3A_91] : memref<10240x64xf32, #tpu.memory_space<vmem_shared>> -> memref<10240x64xf32, #tpu.memory_space<vmem_shared>>
      tpu.enqueue_indirect_dma source(%dma_start3A_92 : memref<10240x64xf32, #tpu.memory_space<vmem_shared>>) target(%arg8 : memref<128x64xf32, #tpu.memory_space<vmem>>) offsets(%dma_start3A_89 : memref<128xi32, #tpu.memory_space<vmem>>) semaphore(%arg12 : memref<!tpu.dma_semaphore, #tpu.memory_space<semaphore_mem>>)
      %dma_wait3A_93 = arith.constant 0 : i32
      %dma_wait3A_94 = arith.constant 0 : i32
      %dma_wait3A_95 = tpu.memref_slice %arg4[%dma_wait3A_93, %dma_wait3A_94] : memref<640x64xf32, #tpu.memory_space<hbm>> -> memref<128x64xf32, #tpu.memory_space<hbm>>
      %dma_wait3A_96 = arith.constant 0 : i32
      %dma_wait3A_97 = arith.constant 0 : i32
      %dma_wait3A_98 = tpu.memref_slice %arg4[%dma_wait3A_96, %dma_wait3A_97] : memref<640x64xf32, #tpu.memory_space<hbm>> -> memref<128x64xf32, #tpu.memory_space<hbm>>
      tpu.wait_dma2 semaphore(%arg11 : memref<!tpu.dma_semaphore, #tpu.memory_space<semaphore_mem>>) src(%dma_wait3A_98 : memref<128x64xf32, #tpu.memory_space<hbm>>) dst(%arg7 : memref<128x64xf32, #tpu.memory_space<vmem>>)
      %add3A_99 = arith.constant 0 : i32
      %add3A_100 = arith.addi %mul3A_79, %add3A_99 : i32
      %run_scoped3A = arith.constant 1 : i32
      "tpu.region"() ({
        %run_scoped3A_117 = tpu.sem_alloc : memref<!tpu.dma_semaphore, #tpu.memory_space<semaphore_mem>>
        %dma_start3A_118 = arith.constant 0 : i32
        %dma_start3A_119 = tpu.memref_slice %arg6[%add3A_100, %run_scoped3A, %dma_start3A_118] : memref<80x2x128xi32, #tpu.memory_space<vmem>> -> memref<1x1x128xi32, #tpu.memory_space<vmem>>
        %dma_start3A_120 = tpu.memref_squeeze %dma_start3A_119 : memref<1x1x128xi32, #tpu.memory_space<vmem>> -> memref<128xi32, #tpu.memory_space<vmem>>
        %dma_start3A_121 = arith.constant 0 : i32
        %dma_start3A_122 = arith.constant 0 : i32
        %dma_start3A_123 = tpu.memref_slice %arg9[%dma_start3A_121, %dma_start3A_122] : memref<10240x64xf32, #tpu.memory_space<vmem_shared>> -> memref<10240x64xf32, #tpu.memory_space<vmem_shared>>
        tpu.enqueue_indirect_dma source(%arg7 : memref<128x64xf32, #tpu.memory_space<vmem>>) target(%dma_start3A_123 : memref<10240x64xf32, #tpu.memory_space<vmem_shared>>) offsets(%dma_start3A_120 : memref<128xi32, #tpu.memory_space<vmem>>) semaphore(%run_scoped3A_117 : memref<!tpu.dma_semaphore, #tpu.memory_space<semaphore_mem>>) {add = true}
        %dma_wait3A_124 = arith.constant 0 : i32
        %dma_wait3A_125 = tpu.memref_slice %arg6[%add3A_100, %run_scoped3A, %dma_wait3A_124] : memref<80x2x128xi32, #tpu.memory_space<vmem>> -> memref<1x1x128xi32, #tpu.memory_space<vmem>>
        %dma_wait3A_126 = tpu.memref_squeeze %dma_wait3A_125 : memref<1x1x128xi32, #tpu.memory_space<vmem>> -> memref<128xi32, #tpu.memory_space<vmem>>
        %dma_wait3A_127 = arith.constant 0 : i32
        %dma_wait3A_128 = arith.constant 0 : i32
        %dma_wait3A_129 = tpu.memref_slice %arg9[%dma_wait3A_127, %dma_wait3A_128] : memref<10240x64xf32, #tpu.memory_space<vmem_shared>> -> memref<10240x64xf32, #tpu.memory_space<vmem_shared>>
        tpu.wait_indirect_dma semaphore(%run_scoped3A_117 : memref<!tpu.dma_semaphore, #tpu.memory_space<semaphore_mem>>) src(%arg7 : memref<128x64xf32, #tpu.memory_space<vmem>>) dst(%dma_wait3A_129 : memref<10240x64xf32, #tpu.memory_space<vmem_shared>>)
        tpu.yield
      }) : () -> ()
      %add3A_101 = arith.constant 1 : i32
      %add3A_102 = arith.addi %mul3A_79, %add3A_101 : i32
      %add3A_103 = arith.constant 2 : i32
      %add3A_104 = arith.addi %add3A_102, %add3A_103 : i32
      %sub3A_105 = arith.constant 1 : i32
      %sub3A_106 = arith.subi %add3A_104, %sub3A_105 : i32
      %lt3A = arith.cmpi slt, %sub3A_106, %select_n3A_8 : i32
      %convert_element_type3A = arith.extui %lt3A : i1 to i32
      %cond3A = arith.constant 0 : i32
      %cond3A_107 = arith.cmpi ne, %convert_element_type3A, %cond3A : i32
      scf.if %cond3A_107 {
        %dma_start3A_117 = arith.constant 0 : i32
        %dma_start3A_118 = arith.constant 0 : i32
        %dma_start3A_119 = tpu.memref_slice %arg6[%sub3A_106, %dma_start3A_117, %dma_start3A_118] : memref<80x2x128xi32, #tpu.memory_space<vmem>> -> memref<1x1x128xi32, #tpu.memory_space<vmem>>
        %dma_start3A_120 = tpu.memref_squeeze %dma_start3A_119 : memref<1x1x128xi32, #tpu.memory_space<vmem>> -> memref<128xi32, #tpu.memory_space<vmem>>
        %dma_start3A_121 = arith.constant 0 : i32
        %dma_start3A_122 = arith.constant 0 : i32
        %dma_start3A_123 = tpu.memref_slice %arg10[%dma_start3A_121, %dma_start3A_122] : memref<10240x64xf32, #tpu.memory_space<vmem_shared>> -> memref<10240x64xf32, #tpu.memory_space<vmem_shared>>
        tpu.enqueue_indirect_dma source(%dma_start3A_123 : memref<10240x64xf32, #tpu.memory_space<vmem_shared>>) target(%arg7 : memref<128x64xf32, #tpu.memory_space<vmem>>) offsets(%dma_start3A_120 : memref<128xi32, #tpu.memory_space<vmem>>) semaphore(%arg11 : memref<!tpu.dma_semaphore, #tpu.memory_space<semaphore_mem>>)
      } else {
      }
      %dma_wait3A_108 = arith.constant 0 : i32
      %dma_wait3A_109 = arith.constant 0 : i32
      %dma_wait3A_110 = tpu.memref_slice %arg4[%dma_wait3A_108, %dma_wait3A_109] : memref<640x64xf32, #tpu.memory_space<hbm>> -> memref<128x64xf32, #tpu.memory_space<hbm>>
      %dma_wait3A_111 = arith.constant 0 : i32
      %dma_wait3A_112 = arith.constant 0 : i32
      %dma_wait3A_113 = tpu.memref_slice %arg4[%dma_wait3A_111, %dma_wait3A_112] : memref<640x64xf32, #tpu.memory_space<hbm>> -> memref<128x64xf32, #tpu.memory_space<hbm>>
      tpu.wait_dma2 semaphore(%arg12 : memref<!tpu.dma_semaphore, #tpu.memory_space<semaphore_mem>>) src(%dma_wait3A_113 : memref<128x64xf32, #tpu.memory_space<hbm>>) dst(%arg8 : memref<128x64xf32, #tpu.memory_space<vmem>>)
      %add3A_114 = arith.constant 1 : i32
      %add3A_115 = arith.addi %mul3A_79, %add3A_114 : i32
      %run_scoped3A_116 = arith.constant 1 : i32
      "tpu.region"() ({
        %run_scoped3A_117 = tpu.sem_alloc : memref<!tpu.dma_semaphore, #tpu.memory_space<semaphore_mem>>
        %dma_start3A_118 = arith.constant 0 : i32
        %dma_start3A_119 = tpu.memref_slice %arg6[%add3A_115, %run_scoped3A_116, %dma_start3A_118] : memref<80x2x128xi32, #tpu.memory_space<vmem>> -> memref<1x1x128xi32, #tpu.memory_space<vmem>>
        %dma_start3A_120 = tpu.memref_squeeze %dma_start3A_119 : memref<1x1x128xi32, #tpu.memory_space<vmem>> -> memref<128xi32, #tpu.memory_space<vmem>>
        %dma_start3A_121 = arith.constant 0 : i32
        %dma_start3A_122 = arith.constant 0 : i32
        %dma_start3A_123 = tpu.memref_slice %arg9[%dma_start3A_121, %dma_start3A_122] : memref<10240x64xf32, #tpu.memory_space<vmem_shared>> -> memref<10240x64xf32, #tpu.memory_space<vmem_shared>>
        tpu.enqueue_indirect_dma source(%arg8 : memref<128x64xf32, #tpu.memory_space<vmem>>) target(%dma_start3A_123 : memref<10240x64xf32, #tpu.memory_space<vmem_shared>>) offsets(%dma_start3A_120 : memref<128xi32, #tpu.memory_space<vmem>>) semaphore(%run_scoped3A_117 : memref<!tpu.dma_semaphore, #tpu.memory_space<semaphore_mem>>) {add = true}
        %dma_wait3A_124 = arith.constant 0 : i32
        %dma_wait3A_125 = tpu.memref_slice %arg6[%add3A_115, %run_scoped3A_116, %dma_wait3A_124] : memref<80x2x128xi32, #tpu.memory_space<vmem>> -> memref<1x1x128xi32, #tpu.memory_space<vmem>>
        %dma_wait3A_126 = tpu.memref_squeeze %dma_wait3A_125 : memref<1x1x128xi32, #tpu.memory_space<vmem>> -> memref<128xi32, #tpu.memory_space<vmem>>
        %dma_wait3A_127 = arith.constant 0 : i32
        %dma_wait3A_128 = arith.constant 0 : i32
        %dma_wait3A_129 = tpu.memref_slice %arg9[%dma_wait3A_127, %dma_wait3A_128] : memref<10240x64xf32, #tpu.memory_space<vmem_shared>> -> memref<10240x64xf32, #tpu.memory_space<vmem_shared>>
        tpu.wait_indirect_dma semaphore(%run_scoped3A_117 : memref<!tpu.dma_semaphore, #tpu.memory_space<semaphore_mem>>) src(%arg8 : memref<128x64xf32, #tpu.memory_space<vmem>>) dst(%dma_wait3A_129 : memref<10240x64xf32, #tpu.memory_space<vmem_shared>>)
        tpu.yield
      }) : () -> ()
    }
    %barrier3A_72 = arith.constant 0 : index
    tpu.barrier barrier_id(%barrier3A_72)
    %mul3A_73 = arith.constant 640 : i32
    %mul3A_74 = arith.muli %arg1, %mul3A_73 : i32
    %mul3A_75 = arith.constant 640 : i32
    %mul3A_76 = arith.muli %arg1, %mul3A_75 : i32
    "tpu.region"() ({
      %run_scoped3A = tpu.sem_alloc : memref<!tpu.dma_semaphore, #tpu.memory_space<semaphore_mem>>
      %dma_start3A_77 = arith.constant 0 : i32
      %dma_start3A_78 = tpu.memref_slice %arg5[%arg0, %mul3A_76, %dma_start3A_77] : memref<2x10240x64xf32, #tpu.memory_space<hbm>> -> memref<1x640x64xf32, #tpu.memory_space<hbm>>
      %dma_start3A_79 = tpu.memref_squeeze %dma_start3A_78 : memref<1x640x64xf32, #tpu.memory_space<hbm>> -> memref<640x64xf32, #tpu.memory_space<hbm>>
      %dma_start3A_80 = arith.constant 0 : i32
      %dma_start3A_81 = tpu.memref_slice %arg9[%mul3A_74, %dma_start3A_80] : memref<10240x64xf32, #tpu.memory_space<vmem_shared>> -> memref<640x64xf32, #tpu.memory_space<vmem_shared>>
      tpu.enqueue_dma source(%dma_start3A_81 : memref<640x64xf32, #tpu.memory_space<vmem_shared>>) target(%dma_start3A_79 : memref<640x64xf32, #tpu.memory_space<hbm>>) target_semaphore(%run_scoped3A : memref<!tpu.dma_semaphore, #tpu.memory_space<semaphore_mem>>)
      %dma_wait3A_82 = arith.constant 0 : i32
      %dma_wait3A_83 = tpu.memref_slice %arg5[%arg0, %mul3A_76, %dma_wait3A_82] : memref<2x10240x64xf32, #tpu.memory_space<hbm>> -> memref<1x640x64xf32, #tpu.memory_space<hbm>>
      %dma_wait3A_84 = tpu.memref_squeeze %dma_wait3A_83 : memref<1x640x64xf32, #tpu.memory_space<hbm>> -> memref<640x64xf32, #tpu.memory_space<hbm>>
      %dma_wait3A_85 = arith.constant 0 : i32
      %dma_wait3A_86 = tpu.memref_slice %arg9[%mul3A_74, %dma_wait3A_85] : memref<10240x64xf32, #tpu.memory_space<vmem_shared>> -> memref<640x64xf32, #tpu.memory_space<vmem_shared>>
      tpu.wait_dma2 semaphore(%run_scoped3A : memref<!tpu.dma_semaphore, #tpu.memory_space<semaphore_mem>>) src(%dma_wait3A_86 : memref<640x64xf32, #tpu.memory_space<vmem_shared>>) dst(%dma_wait3A_84 : memref<640x64xf32, #tpu.memory_space<hbm>>)
      tpu.yield
    }) : () -> ()
    return
  }
}

#map = affine_map<(d0, d1) -> (0, 0)>
#map1 = affine_map<(d0, d1) -> (0, 0, 0)>
module attributes {stable_mosaic.version = 14 : i64} {
  func.func @_segsum(%arg0: i32, %arg1: i32, %arg2: memref<10240x64xf32, #tpu.memory_space<hbm>>, %arg3: memref<2560x2x128xi32, #tpu.memory_space<hbm>>, %arg4: memref<640x64xf32, #tpu.memory_space<hbm>>, %arg5: memref<2x10240x64xf32, #tpu.memory_space<hbm>>, %arg6: memref<80x2x128xi32, #tpu.memory_space<vmem>>, %arg7: memref<128x64xf32, #tpu.memory_space<vmem>>, %arg8: memref<128x64xf32, #tpu.memory_space<vmem>>, %arg9: memref<10240x64xf32, #tpu.memory_space<vmem_shared>>, %arg10: memref<10240x64xf32, #tpu.memory_space<vmem_shared>>, %arg11: memref<!tpu.dma_semaphore, #tpu.memory_space<semaphore_mem>>, %arg12: memref<!tpu.dma_semaphore, #tpu.memory_space<semaphore_mem>>) attributes {dimension_semantics = [#tpu.dimension_semantics<core_parallel>, #tpu.dimension_semantics<subcore_parallel>], iteration_bounds = array<i64: 2, 16>, scalar_prefetch = 0 : i64, scratch_operands = 7 : i64, tpu.core_type = #tpu.core_type<sc_vector_subcore>, window_params = [{transform_indices = #map}, {transform_indices = #map1}, {transform_indices = #map}, {transform_indices = #map1}]} {
    %eq3A = arith.constant 0 : i32
    %eq3A_0 = arith.cmpi eq, %arg0, %eq3A : i32
    %mul3A = arith.constant 80 : i32
    %mul3A_1 = arith.muli %arg1, %mul3A : i32
    %mul3A_2 = arith.constant 80 : i32
    %mul3A_3 = arith.muli %arg1, %mul3A_2 : i32
    %add3A = arith.constant 1280 : i32
    %add3A_4 = arith.addi %add3A, %mul3A_3 : i32
    %select_n3A = arith.select %eq3A_0, %mul3A_1, %add3A_4 : i32
    %eq3A_5 = arith.constant 0 : i32
    %eq3A_6 = arith.cmpi eq, %arg0, %eq3A_5 : i32
    %jit3A = arith.constant 80 : i32
    %jit3A_7 = arith.constant 80 : i32
    %select_n3A_8 = arith.select %eq3A_6, %jit3A, %jit3A_7 : i32
    %mul3A_9 = arith.constant 640 : i32
    %mul3A_10 = arith.muli %arg1, %mul3A_9 : i32
    %dma_start3A = arith.constant 0 : i32
    %dma_start3A_11 = tpu.memref_slice %arg9[%mul3A_10, %dma_start3A] : memref<10240x64xf32, #tpu.memory_space<vmem_shared>> -> memref<640x64xf32, #tpu.memory_space<vmem_shared>>
    tpu.enqueue_dma source(%arg4 : memref<640x64xf32, #tpu.memory_space<hbm>>) target(%dma_start3A_11 : memref<640x64xf32, #tpu.memory_space<vmem_shared>>) target_semaphore(%arg11 : memref<!tpu.dma_semaphore, #tpu.memory_space<semaphore_mem>>)
    %mul3A_12 = arith.constant 640 : i32
    %mul3A_13 = arith.muli %arg1, %mul3A_12 : i32
    %mul3A_14 = arith.constant 640 : i32
    %mul3A_15 = arith.muli %arg1, %mul3A_14 : i32
    %dma_start3A_16 = arith.constant 0 : i32
    %dma_start3A_17 = tpu.memref_slice %arg10[%mul3A_15, %dma_start3A_16] : memref<10240x64xf32, #tpu.memory_space<vmem_shared>> -> memref<640x64xf32, #tpu.memory_space<vmem_shared>>
    %dma_start3A_18 = arith.constant 0 : i32
    %dma_start3A_19 = tpu.memref_slice %arg2[%mul3A_13, %dma_start3A_18] : memref<10240x64xf32, #tpu.memory_space<hbm>> -> memref<640x64xf32, #tpu.memory_space<hbm>>
    tpu.enqueue_dma source(%dma_start3A_19 : memref<640x64xf32, #tpu.memory_space<hbm>>) target(%dma_start3A_17 : memref<640x64xf32, #tpu.memory_space<vmem_shared>>) target_semaphore(%arg12 : memref<!tpu.dma_semaphore, #tpu.memory_space<semaphore_mem>>)
    %dma_start3A_20 = arith.constant 0 : i32
    %dma_start3A_21 = arith.constant 0 : i32
    %dma_start3A_22 = tpu.memref_slice %arg3[%select_n3A, %dma_start3A_20, %dma_start3A_21] : memref<2560x2x128xi32, #tpu.memory_space<hbm>> -> memref<80x2x128xi32, #tpu.memory_space<hbm>>
    %dma_start3A_23 = arith.constant 0 : i32
    %dma_start3A_24 = arith.constant 0 : i32
    %dma_start3A_25 = tpu.memref_slice %arg3[%select_n3A, %dma_start3A_23, %dma_start3A_24] : memref<2560x2x128xi32, #tpu.memory_space<hbm>> -> memref<80x2x128xi32, #tpu.memory_space<hbm>>
    tpu.enqueue_dma source(%dma_start3A_25 : memref<80x2x128xi32, #tpu.memory_space<hbm>>) target(%arg6 : memref<80x2x128xi32, #tpu.memory_space<vmem>>) target_semaphore(%arg11 : memref<!tpu.dma_semaphore, #tpu.memory_space<semaphore_mem>>)
    %dma_wait3A = arith.constant 0 : i32
    %dma_wait3A_26 = tpu.memref_slice %arg9[%mul3A_10, %dma_wait3A] : memref<10240x64xf32, #tpu.memory_space<vmem_shared>> -> memref<640x64xf32, #tpu.memory_space<vmem_shared>>
    tpu.wait_dma2 semaphore(%arg11 : memref<!tpu.dma_semaphore, #tpu.memory_space<semaphore_mem>>) src(%arg4 : memref<640x64xf32, #tpu.memory_space<hbm>>) dst(%dma_wait3A_26 : memref<640x64xf32, #tpu.memory_space<vmem_shared>>)
    %dma_wait3A_27 = arith.constant 0 : i32
    %dma_wait3A_28 = tpu.memref_slice %arg10[%mul3A_15, %dma_wait3A_27] : memref<10240x64xf32, #tpu.memory_space<vmem_shared>> -> memref<640x64xf32, #tpu.memory_space<vmem_shared>>
    %dma_wait3A_29 = arith.constant 0 : i32
    %dma_wait3A_30 = tpu.memref_slice %arg2[%mul3A_13, %dma_wait3A_29] : memref<10240x64xf32, #tpu.memory_space<hbm>> -> memref<640x64xf32, #tpu.memory_space<hbm>>
    tpu.wait_dma2 semaphore(%arg12 : memref<!tpu.dma_semaphore, #tpu.memory_space<semaphore_mem>>) src(%dma_wait3A_30 : memref<640x64xf32, #tpu.memory_space<hbm>>) dst(%dma_wait3A_28 : memref<640x64xf32, #tpu.memory_space<vmem_shared>>)
    %dma_wait3A_31 = arith.constant 0 : i32
    %dma_wait3A_32 = arith.constant 0 : i32
    %dma_wait3A_33 = tpu.memref_slice %arg3[%select_n3A, %dma_wait3A_31, %dma_wait3A_32] : memref<2560x2x128xi32, #tpu.memory_space<hbm>> -> memref<80x2x128xi32, #tpu.memory_space<hbm>>
    %dma_wait3A_34 = arith.constant 0 : i32
    %dma_wait3A_35 = arith.constant 0 : i32
    %dma_wait3A_36 = tpu.memref_slice %arg3[%select_n3A, %dma_wait3A_34, %dma_wait3A_35] : memref<2560x2x128xi32, #tpu.memory_space<hbm>> -> memref<80x2x128xi32, #tpu.memory_space<hbm>>
    tpu.wait_dma2 semaphore(%arg11 : memref<!tpu.dma_semaphore, #tpu.memory_space<semaphore_mem>>) src(%dma_wait3A_36 : memref<80x2x128xi32, #tpu.memory_space<hbm>>) dst(%arg6 : memref<80x2x128xi32, #tpu.memory_space<vmem>>)
    %barrier3A = arith.constant 0 : index
    tpu.barrier barrier_id(%barrier3A)
    %dma_start3A_37 = arith.constant 0 : i32
    %dma_start3A_38 = arith.constant 0 : i32
    %dma_start3A_39 = arith.constant 0 : i32
    %dma_start3A_40 = tpu.memref_slice %arg6[%dma_start3A_37, %dma_start3A_38, %dma_start3A_39] : memref<80x2x128xi32, #tpu.memory_space<vmem>> -> memref<1x1x128xi32, #tpu.memory_space<vmem>>
    %dma_start3A_41 = tpu.memref_squeeze %dma_start3A_40 : memref<1x1x128xi32, #tpu.memory_space<vmem>> -> memref<128xi32, #tpu.memory_space<vmem>>
    %dma_start3A_42 = arith.constant 0 : i32
    %dma_start3A_43 = arith.constant 0 : i32
    %dma_start3A_44 = tpu.memref_slice %arg10[%dma_start3A_42, %dma_start3A_43] : memref<10240x64xf32, #tpu.memory_space<vmem_shared>> -> memref<10240x64xf32, #tpu.memory_space<vmem_shared>>
    tpu.enqueue_indirect_dma source(%dma_start3A_44 : memref<10240x64xf32, #tpu.memory_space<vmem_shared>>) target(%arg7 : memref<128x64xf32, #tpu.memory_space<vmem>>) offsets(%dma_start3A_41 : memref<128xi32, #tpu.memory_space<vmem>>) semaphore(%arg11 : memref<!tpu.dma_semaphore, #tpu.memory_space<semaphore_mem>>)
    %jit3A_45 = arith.constant 2 : i32
    %div3A = arith.divsi %select_n3A_8, %jit3A_45 : i32
    %sign3A = arith.constant 0 : i32
    %sign3A_46 = arith.cmpi sgt, %select_n3A_8, %sign3A : i32
    %sign3A_47 = arith.extui %sign3A_46 : i1 to i32
    %sign3A_48 = arith.constant 0 : i32
    %sign3A_49 = arith.cmpi slt, %select_n3A_8, %sign3A_48 : i32
    %sign3A_50 = arith.extui %sign3A_49 : i1 to i32
    %sign3A_51 = arith.subi %sign3A_47, %sign3A_50 : i32
    %sign3A_52 = arith.constant 0 : i32
    %sign3A_53 = arith.cmpi sgt, %jit3A_45, %sign3A_52 : i32
    %sign3A_54 = arith.extui %sign3A_53 : i1 to i32
    %sign3A_55 = arith.constant 0 : i32
    %sign3A_56 = arith.cmpi slt, %jit3A_45, %sign3A_55 : i32
    %sign3A_57 = arith.extui %sign3A_56 : i1 to i32
    %sign3A_58 = arith.subi %sign3A_54, %sign3A_57 : i32
    %ne3A = arith.cmpi ne, %sign3A_51, %sign3A_58 : i32
    %rem3A = arith.remsi %select_n3A_8, %jit3A_45 : i32
    %ne3A_59 = arith.constant 0 : i32
    %ne3A_60 = arith.cmpi ne, %rem3A, %ne3A_59 : i32
    %and3A = arith.andi %ne3A, %ne3A_60 : i1
    %sub3A = arith.constant 1 : i32
    %sub3A_61 = arith.subi %div3A, %sub3A : i32
    %select_n3A_62 = arith.select %and3A, %sub3A_61, %div3A : i32
    %while3A = arith.constant 0 : i32
    %while3A_63 = arith.constant 0 : i32
    %while3A_64 = arith.subi %select_n3A_62, %while3A_63 : i32
    %while3A_65 = arith.addi %while3A_63, %while3A_64 : i32
    %while3A_66 = arith.constant 1 : i32
    %while3A_67 = arith.divsi %while3A_64, %while3A_66 : i32
    %while3A_68 = arith.muli %while3A_67, %while3A_66 : i32
    %while3A_69 = arith.addi %while3A_63, %while3A_68 : i32
    %while3A_70 = arith.constant 1 : i32
    scf.for %while3A_77 = %while3A_63 to %while3A_69 step %while3A_70  : i32 {
      %mul3A_78 = arith.constant 2 : i32
      %mul3A_79 = arith.muli %while3A_77, %mul3A_78 : i32
      %add3A_80 = arith.constant 0 : i32
      %add3A_81 = arith.addi %mul3A_79, %add3A_80 : i32
      %add3A_82 = arith.constant 2 : i32
      %add3A_83 = arith.addi %add3A_81, %add3A_82 : i32
      %sub3A_84 = arith.constant 1 : i32
      %sub3A_85 = arith.subi %add3A_83, %sub3A_84 : i32
      %dma_start3A_86 = arith.constant 0 : i32
      %dma_start3A_87 = arith.constant 0 : i32
      %dma_start3A_88 = tpu.memref_slice %arg6[%sub3A_85, %dma_start3A_86, %dma_start3A_87] : memref<80x2x128xi32, #tpu.memory_space<vmem>> -> memref<1x1x128xi32, #tpu.memory_space<vmem>>
      %dma_start3A_89 = tpu.memref_squeeze %dma_start3A_88 : memref<1x1x128xi32, #tpu.memory_space<vmem>> -> memref<128xi32, #tpu.memory_space<vmem>>
      %dma_start3A_90 = arith.constant 0 : i32
      %dma_start3A_91 = arith.constant 0 : i32
      %dma_start3A_92 = tpu.memref_slice %arg10[%dma_start3A_90, %dma_start3A_91] : memref<10240x64xf32, #tpu.memory_space<vmem_shared>> -> memref<10240x64xf32, #tpu.memory_space<vmem_shared>>
      tpu.enqueue_indirect_dma source(%dma_start3A_92 : memref<10240x64xf32, #tpu.memory_space<vmem_shared>>) target(%arg8 : memref<128x64xf32, #tpu.memory_space<vmem>>) offsets(%dma_start3A_89 : memref<128xi32, #tpu.memory_space<vmem>>) semaphore(%arg12 : memref<!tpu.dma_semaphore, #tpu.memory_space<semaphore_mem>>)
      %dma_wait3A_93 = arith.constant 0 : i32
      %dma_wait3A_94 = arith.constant 0 : i32
      %dma_wait3A_95 = tpu.memref_slice %arg4[%dma_wait3A_93, %dma_wait3A_94] : memref<640x64xf32, #tpu.memory_space<hbm>> -> memref<128x64xf32, #tpu.memory_space<hbm>>
      %dma_wait3A_96 = arith.constant 0 : i32
      %dma_wait3A_97 = arith.constant 0 : i32
      %dma_wait3A_98 = tpu.memref_slice %arg4[%dma_wait3A_96, %dma_wait3A_97] : memref<640x64xf32, #tpu.memory_space<hbm>> -> memref<128x64xf32, #tpu.memory_space<hbm>>
      tpu.wait_dma2 semaphore(%arg11 : memref<!tpu.dma_semaphore, #tpu.memory_space<semaphore_mem>>) src(%dma_wait3A_98 : memref<128x64xf32, #tpu.memory_space<hbm>>) dst(%arg7 : memref<128x64xf32, #tpu.memory_space<vmem>>)
      %add3A_99 = arith.constant 0 : i32
      %add3A_100 = arith.addi %mul3A_79, %add3A_99 : i32
      %run_scoped3A = arith.constant 1 : i32
      "tpu.region"() ({
        %run_scoped3A_117 = tpu.sem_alloc : memref<!tpu.dma_semaphore, #tpu.memory_space<semaphore_mem>>
        %dma_start3A_118 = arith.constant 0 : i32
        %dma_start3A_119 = tpu.memref_slice %arg6[%add3A_100, %run_scoped3A, %dma_start3A_118] : memref<80x2x128xi32, #tpu.memory_space<vmem>> -> memref<1x1x128xi32, #tpu.memory_space<vmem>>
        %dma_start3A_120 = tpu.memref_squeeze %dma_start3A_119 : memref<1x1x128xi32, #tpu.memory_space<vmem>> -> memref<128xi32, #tpu.memory_space<vmem>>
        %dma_start3A_121 = arith.constant 0 : i32
        %dma_start3A_122 = arith.constant 0 : i32
        %dma_start3A_123 = tpu.memref_slice %arg9[%dma_start3A_121, %dma_start3A_122] : memref<10240x64xf32, #tpu.memory_space<vmem_shared>> -> memref<10240x64xf32, #tpu.memory_space<vmem_shared>>
        tpu.enqueue_indirect_dma source(%arg7 : memref<128x64xf32, #tpu.memory_space<vmem>>) target(%dma_start3A_123 : memref<10240x64xf32, #tpu.memory_space<vmem_shared>>) offsets(%dma_start3A_120 : memref<128xi32, #tpu.memory_space<vmem>>) semaphore(%run_scoped3A_117 : memref<!tpu.dma_semaphore, #tpu.memory_space<semaphore_mem>>) {add = true}
        %dma_wait3A_124 = arith.constant 0 : i32
        %dma_wait3A_125 = tpu.memref_slice %arg6[%add3A_100, %run_scoped3A, %dma_wait3A_124] : memref<80x2x128xi32, #tpu.memory_space<vmem>> -> memref<1x1x128xi32, #tpu.memory_space<vmem>>
        %dma_wait3A_126 = tpu.memref_squeeze %dma_wait3A_125 : memref<1x1x128xi32, #tpu.memory_space<vmem>> -> memref<128xi32, #tpu.memory_space<vmem>>
        %dma_wait3A_127 = arith.constant 0 : i32
        %dma_wait3A_128 = arith.constant 0 : i32
        %dma_wait3A_129 = tpu.memref_slice %arg9[%dma_wait3A_127, %dma_wait3A_128] : memref<10240x64xf32, #tpu.memory_space<vmem_shared>> -> memref<10240x64xf32, #tpu.memory_space<vmem_shared>>
        tpu.wait_indirect_dma semaphore(%run_scoped3A_117 : memref<!tpu.dma_semaphore, #tpu.memory_space<semaphore_mem>>) src(%arg7 : memref<128x64xf32, #tpu.memory_space<vmem>>) dst(%dma_wait3A_129 : memref<10240x64xf32, #tpu.memory_space<vmem_shared>>)
        tpu.yield
      }) : () -> ()
      %add3A_101 = arith.constant 1 : i32
      %add3A_102 = arith.addi %mul3A_79, %add3A_101 : i32
      %add3A_103 = arith.constant 2 : i32
      %add3A_104 = arith.addi %add3A_102, %add3A_103 : i32
      %sub3A_105 = arith.constant 1 : i32
      %sub3A_106 = arith.subi %add3A_104, %sub3A_105 : i32
      %lt3A = arith.cmpi slt, %sub3A_106, %select_n3A_8 : i32
      %convert_element_type3A = arith.extui %lt3A : i1 to i32
      %cond3A = arith.constant 0 : i32
      %cond3A_107 = arith.cmpi ne, %convert_element_type3A, %cond3A : i32
      scf.if %cond3A_107 {
        %dma_start3A_117 = arith.constant 0 : i32
        %dma_start3A_118 = arith.constant 0 : i32
        %dma_start3A_119 = tpu.memref_slice %arg6[%sub3A_106, %dma_start3A_117, %dma_start3A_118] : memref<80x2x128xi32, #tpu.memory_space<vmem>> -> memref<1x1x128xi32, #tpu.memory_space<vmem>>
        %dma_start3A_120 = tpu.memref_squeeze %dma_start3A_119 : memref<1x1x128xi32, #tpu.memory_space<vmem>> -> memref<128xi32, #tpu.memory_space<vmem>>
        %dma_start3A_121 = arith.constant 0 : i32
        %dma_start3A_122 = arith.constant 0 : i32
        %dma_start3A_123 = tpu.memref_slice %arg10[%dma_start3A_121, %dma_start3A_122] : memref<10240x64xf32, #tpu.memory_space<vmem_shared>> -> memref<10240x64xf32, #tpu.memory_space<vmem_shared>>
        tpu.enqueue_indirect_dma source(%dma_start3A_123 : memref<10240x64xf32, #tpu.memory_space<vmem_shared>>) target(%arg7 : memref<128x64xf32, #tpu.memory_space<vmem>>) offsets(%dma_start3A_120 : memref<128xi32, #tpu.memory_space<vmem>>) semaphore(%arg11 : memref<!tpu.dma_semaphore, #tpu.memory_space<semaphore_mem>>)
      } else {
      }
      %dma_wait3A_108 = arith.constant 0 : i32
      %dma_wait3A_109 = arith.constant 0 : i32
      %dma_wait3A_110 = tpu.memref_slice %arg4[%dma_wait3A_108, %dma_wait3A_109] : memref<640x64xf32, #tpu.memory_space<hbm>> -> memref<128x64xf32, #tpu.memory_space<hbm>>
      %dma_wait3A_111 = arith.constant 0 : i32
      %dma_wait3A_112 = arith.constant 0 : i32
      %dma_wait3A_113 = tpu.memref_slice %arg4[%dma_wait3A_111, %dma_wait3A_112] : memref<640x64xf32, #tpu.memory_space<hbm>> -> memref<128x64xf32, #tpu.memory_space<hbm>>
      tpu.wait_dma2 semaphore(%arg12 : memref<!tpu.dma_semaphore, #tpu.memory_space<semaphore_mem>>) src(%dma_wait3A_113 : memref<128x64xf32, #tpu.memory_space<hbm>>) dst(%arg8 : memref<128x64xf32, #tpu.memory_space<vmem>>)
      %add3A_114 = arith.constant 1 : i32
      %add3A_115 = arith.addi %mul3A_79, %add3A_114 : i32
      %run_scoped3A_116 = arith.constant 1 : i32
      "tpu.region"() ({
        %run_scoped3A_117 = tpu.sem_alloc : memref<!tpu.dma_semaphore, #tpu.memory_space<semaphore_mem>>
        %dma_start3A_118 = arith.constant 0 : i32
        %dma_start3A_119 = tpu.memref_slice %arg6[%add3A_115, %run_scoped3A_116, %dma_start3A_118] : memref<80x2x128xi32, #tpu.memory_space<vmem>> -> memref<1x1x128xi32, #tpu.memory_space<vmem>>
        %dma_start3A_120 = tpu.memref_squeeze %dma_start3A_119 : memref<1x1x128xi32, #tpu.memory_space<vmem>> -> memref<128xi32, #tpu.memory_space<vmem>>
        %dma_start3A_121 = arith.constant 0 : i32
        %dma_start3A_122 = arith.constant 0 : i32
        %dma_start3A_123 = tpu.memref_slice %arg9[%dma_start3A_121, %dma_start3A_122] : memref<10240x64xf32, #tpu.memory_space<vmem_shared>> -> memref<10240x64xf32, #tpu.memory_space<vmem_shared>>
        tpu.enqueue_indirect_dma source(%arg8 : memref<128x64xf32, #tpu.memory_space<vmem>>) target(%dma_start3A_123 : memref<10240x64xf32, #tpu.memory_space<vmem_shared>>) offsets(%dma_start3A_120 : memref<128xi32, #tpu.memory_space<vmem>>) semaphore(%run_scoped3A_117 : memref<!tpu.dma_semaphore, #tpu.memory_space<semaphore_mem>>) {add = true}
        %dma_wait3A_124 = arith.constant 0 : i32
        %dma_wait3A_125 = tpu.memref_slice %arg6[%add3A_115, %run_scoped3A_116, %dma_wait3A_124] : memref<80x2x128xi32, #tpu.memory_space<vmem>> -> memref<1x1x128xi32, #tpu.memory_space<vmem>>
        %dma_wait3A_126 = tpu.memref_squeeze %dma_wait3A_125 : memref<1x1x128xi32, #tpu.memory_space<vmem>> -> memref<128xi32, #tpu.memory_space<vmem>>
        %dma_wait3A_127 = arith.constant 0 : i32
        %dma_wait3A_128 = arith.constant 0 : i32
        %dma_wait3A_129 = tpu.memref_slice %arg9[%dma_wait3A_127, %dma_wait3A_128] : memref<10240x64xf32, #tpu.memory_space<vmem_shared>> -> memref<10240x64xf32, #tpu.memory_space<vmem_shared>>
        tpu.wait_indirect_dma semaphore(%run_scoped3A_117 : memref<!tpu.dma_semaphore, #tpu.memory_space<semaphore_mem>>) src(%arg8 : memref<128x64xf32, #tpu.memory_space<vmem>>) dst(%dma_wait3A_129 : memref<10240x64xf32, #tpu.memory_space<vmem_shared>>)
        tpu.yield
      }) : () -> ()
    }
    %while3A_71 = arith.constant 1 : i32
    scf.for %while3A_77 = %while3A_69 to %while3A_65 step %while3A_71  : i32 {
      %mul3A_78 = arith.constant 2 : i32
      %mul3A_79 = arith.muli %while3A_77, %mul3A_78 : i32
      %add3A_80 = arith.constant 0 : i32
      %add3A_81 = arith.addi %mul3A_79, %add3A_80 : i32
      %add3A_82 = arith.constant 2 : i32
      %add3A_83 = arith.addi %add3A_81, %add3A_82 : i32
      %sub3A_84 = arith.constant 1 : i32
      %sub3A_85 = arith.subi %add3A_83, %sub3A_84 : i32
      %dma_start3A_86 = arith.constant 0 : i32
      %dma_start3A_87 = arith.constant 0 : i32
      %dma_start3A_88 = tpu.memref_slice %arg6[%sub3A_85, %dma_start3A_86, %dma_start3A_87] : memref<80x2x128xi32, #tpu.memory_space<vmem>> -> memref<1x1x128xi32, #tpu.memory_space<vmem>>
      %dma_start3A_89 = tpu.memref_squeeze %dma_start3A_88 : memref<1x1x128xi32, #tpu.memory_space<vmem>> -> memref<128xi32, #tpu.memory_space<vmem>>
      %dma_start3A_90 = arith.constant 0 : i32
      %dma_start3A_91 = arith.constant 0 : i32
      %dma_start3A_92 = tpu.memref_slice %arg10[%dma_start3A_90, %dma_start3A_91] : memref<10240x64xf32, #tpu.memory_space<vmem_shared>> -> memref<10240x64xf32, #tpu.memory_space<vmem_shared>>
      tpu.enqueue_indirect_dma source(%dma_start3A_92 : memref<10240x64xf32, #tpu.memory_space<vmem_shared>>) target(%arg8 : memref<128x64xf32, #tpu.memory_space<vmem>>) offsets(%dma_start3A_89 : memref<128xi32, #tpu.memory_space<vmem>>) semaphore(%arg12 : memref<!tpu.dma_semaphore, #tpu.memory_space<semaphore_mem>>)
      %dma_wait3A_93 = arith.constant 0 : i32
      %dma_wait3A_94 = arith.constant 0 : i32
      %dma_wait3A_95 = tpu.memref_slice %arg4[%dma_wait3A_93, %dma_wait3A_94] : memref<640x64xf32, #tpu.memory_space<hbm>> -> memref<128x64xf32, #tpu.memory_space<hbm>>
      %dma_wait3A_96 = arith.constant 0 : i32
      %dma_wait3A_97 = arith.constant 0 : i32
      %dma_wait3A_98 = tpu.memref_slice %arg4[%dma_wait3A_96, %dma_wait3A_97] : memref<640x64xf32, #tpu.memory_space<hbm>> -> memref<128x64xf32, #tpu.memory_space<hbm>>
      tpu.wait_dma2 semaphore(%arg11 : memref<!tpu.dma_semaphore, #tpu.memory_space<semaphore_mem>>) src(%dma_wait3A_98 : memref<128x64xf32, #tpu.memory_space<hbm>>) dst(%arg7 : memref<128x64xf32, #tpu.memory_space<vmem>>)
      %add3A_99 = arith.constant 0 : i32
      %add3A_100 = arith.addi %mul3A_79, %add3A_99 : i32
      %run_scoped3A = arith.constant 1 : i32
      "tpu.region"() ({
        %run_scoped3A_117 = tpu.sem_alloc : memref<!tpu.dma_semaphore, #tpu.memory_space<semaphore_mem>>
        %dma_start3A_118 = arith.constant 0 : i32
        %dma_start3A_119 = tpu.memref_slice %arg6[%add3A_100, %run_scoped3A, %dma_start3A_118] : memref<80x2x128xi32, #tpu.memory_space<vmem>> -> memref<1x1x128xi32, #tpu.memory_space<vmem>>
        %dma_start3A_120 = tpu.memref_squeeze %dma_start3A_119 : memref<1x1x128xi32, #tpu.memory_space<vmem>> -> memref<128xi32, #tpu.memory_space<vmem>>
        %dma_start3A_121 = arith.constant 0 : i32
        %dma_start3A_122 = arith.constant 0 : i32
        %dma_start3A_123 = tpu.memref_slice %arg9[%dma_start3A_121, %dma_start3A_122] : memref<10240x64xf32, #tpu.memory_space<vmem_shared>> -> memref<10240x64xf32, #tpu.memory_space<vmem_shared>>
        tpu.enqueue_indirect_dma source(%arg7 : memref<128x64xf32, #tpu.memory_space<vmem>>) target(%dma_start3A_123 : memref<10240x64xf32, #tpu.memory_space<vmem_shared>>) offsets(%dma_start3A_120 : memref<128xi32, #tpu.memory_space<vmem>>) semaphore(%run_scoped3A_117 : memref<!tpu.dma_semaphore, #tpu.memory_space<semaphore_mem>>) {add = true}
        %dma_wait3A_124 = arith.constant 0 : i32
        %dma_wait3A_125 = tpu.memref_slice %arg6[%add3A_100, %run_scoped3A, %dma_wait3A_124] : memref<80x2x128xi32, #tpu.memory_space<vmem>> -> memref<1x1x128xi32, #tpu.memory_space<vmem>>
        %dma_wait3A_126 = tpu.memref_squeeze %dma_wait3A_125 : memref<1x1x128xi32, #tpu.memory_space<vmem>> -> memref<128xi32, #tpu.memory_space<vmem>>
        %dma_wait3A_127 = arith.constant 0 : i32
        %dma_wait3A_128 = arith.constant 0 : i32
        %dma_wait3A_129 = tpu.memref_slice %arg9[%dma_wait3A_127, %dma_wait3A_128] : memref<10240x64xf32, #tpu.memory_space<vmem_shared>> -> memref<10240x64xf32, #tpu.memory_space<vmem_shared>>
        tpu.wait_indirect_dma semaphore(%run_scoped3A_117 : memref<!tpu.dma_semaphore, #tpu.memory_space<semaphore_mem>>) src(%arg7 : memref<128x64xf32, #tpu.memory_space<vmem>>) dst(%dma_wait3A_129 : memref<10240x64xf32, #tpu.memory_space<vmem_shared>>)
        tpu.yield
      }) : () -> ()
      %add3A_101 = arith.constant 1 : i32
      %add3A_102 = arith.addi %mul3A_79, %add3A_101 : i32
      %add3A_103 = arith.constant 2 : i32
      %add3A_104 = arith.addi %add3A_102, %add3A_103 : i32
      %sub3A_105 = arith.constant 1 : i32
      %sub3A_106 = arith.subi %add3A_104, %sub3A_105 : i32
      %lt3A = arith.cmpi slt, %sub3A_106, %select_n3A_8 : i32
      %convert_element_type3A = arith.extui %lt3A : i1 to i32
      %cond3A = arith.constant 0 : i32
      %cond3A_107 = arith.cmpi ne, %convert_element_type3A, %cond3A : i32
      scf.if %cond3A_107 {
        %dma_start3A_117 = arith.constant 0 : i32
        %dma_start3A_118 = arith.constant 0 : i32
        %dma_start3A_119 = tpu.memref_slice %arg6[%sub3A_106, %dma_start3A_117, %dma_start3A_118] : memref<80x2x128xi32, #tpu.memory_space<vmem>> -> memref<1x1x128xi32, #tpu.memory_space<vmem>>
        %dma_start3A_120 = tpu.memref_squeeze %dma_start3A_119 : memref<1x1x128xi32, #tpu.memory_space<vmem>> -> memref<128xi32, #tpu.memory_space<vmem>>
        %dma_start3A_121 = arith.constant 0 : i32
        %dma_start3A_122 = arith.constant 0 : i32
        %dma_start3A_123 = tpu.memref_slice %arg10[%dma_start3A_121, %dma_start3A_122] : memref<10240x64xf32, #tpu.memory_space<vmem_shared>> -> memref<10240x64xf32, #tpu.memory_space<vmem_shared>>
        tpu.enqueue_indirect_dma source(%dma_start3A_123 : memref<10240x64xf32, #tpu.memory_space<vmem_shared>>) target(%arg7 : memref<128x64xf32, #tpu.memory_space<vmem>>) offsets(%dma_start3A_120 : memref<128xi32, #tpu.memory_space<vmem>>) semaphore(%arg11 : memref<!tpu.dma_semaphore, #tpu.memory_space<semaphore_mem>>)
      } else {
      }
      %dma_wait3A_108 = arith.constant 0 : i32
      %dma_wait3A_109 = arith.constant 0 : i32
      %dma_wait3A_110 = tpu.memref_slice %arg4[%dma_wait3A_108, %dma_wait3A_109] : memref<640x64xf32, #tpu.memory_space<hbm>> -> memref<128x64xf32, #tpu.memory_space<hbm>>
      %dma_wait3A_111 = arith.constant 0 : i32
      %dma_wait3A_112 = arith.constant 0 : i32
      %dma_wait3A_113 = tpu.memref_slice %arg4[%dma_wait3A_111, %dma_wait3A_112] : memref<640x64xf32, #tpu.memory_space<hbm>> -> memref<128x64xf32, #tpu.memory_space<hbm>>
      tpu.wait_dma2 semaphore(%arg12 : memref<!tpu.dma_semaphore, #tpu.memory_space<semaphore_mem>>) src(%dma_wait3A_113 : memref<128x64xf32, #tpu.memory_space<hbm>>) dst(%arg8 : memref<128x64xf32, #tpu.memory_space<vmem>>)
      %add3A_114 = arith.constant 1 : i32
      %add3A_115 = arith.addi %mul3A_79, %add3A_114 : i32
      %run_scoped3A_116 = arith.constant 1 : i32
      "tpu.region"() ({
        %run_scoped3A_117 = tpu.sem_alloc : memref<!tpu.dma_semaphore, #tpu.memory_space<semaphore_mem>>
        %dma_start3A_118 = arith.constant 0 : i32
        %dma_start3A_119 = tpu.memref_slice %arg6[%add3A_115, %run_scoped3A_116, %dma_start3A_118] : memref<80x2x128xi32, #tpu.memory_space<vmem>> -> memref<1x1x128xi32, #tpu.memory_space<vmem>>
        %dma_start3A_120 = tpu.memref_squeeze %dma_start3A_119 : memref<1x1x128xi32, #tpu.memory_space<vmem>> -> memref<128xi32, #tpu.memory_space<vmem>>
        %dma_start3A_121 = arith.constant 0 : i32
        %dma_start3A_122 = arith.constant 0 : i32
        %dma_start3A_123 = tpu.memref_slice %arg9[%dma_start3A_121, %dma_start3A_122] : memref<10240x64xf32, #tpu.memory_space<vmem_shared>> -> memref<10240x64xf32, #tpu.memory_space<vmem_shared>>
        tpu.enqueue_indirect_dma source(%arg8 : memref<128x64xf32, #tpu.memory_space<vmem>>) target(%dma_start3A_123 : memref<10240x64xf32, #tpu.memory_space<vmem_shared>>) offsets(%dma_start3A_120 : memref<128xi32, #tpu.memory_space<vmem>>) semaphore(%run_scoped3A_117 : memref<!tpu.dma_semaphore, #tpu.memory_space<semaphore_mem>>) {add = true}
        %dma_wait3A_124 = arith.constant 0 : i32
        %dma_wait3A_125 = tpu.memref_slice %arg6[%add3A_115, %run_scoped3A_116, %dma_wait3A_124] : memref<80x2x128xi32, #tpu.memory_space<vmem>> -> memref<1x1x128xi32, #tpu.memory_space<vmem>>
        %dma_wait3A_126 = tpu.memref_squeeze %dma_wait3A_125 : memref<1x1x128xi32, #tpu.memory_space<vmem>> -> memref<128xi32, #tpu.memory_space<vmem>>
        %dma_wait3A_127 = arith.constant 0 : i32
        %dma_wait3A_128 = arith.constant 0 : i32
        %dma_wait3A_129 = tpu.memref_slice %arg9[%dma_wait3A_127, %dma_wait3A_128] : memref<10240x64xf32, #tpu.memory_space<vmem_shared>> -> memref<10240x64xf32, #tpu.memory_space<vmem_shared>>
        tpu.wait_indirect_dma semaphore(%run_scoped3A_117 : memref<!tpu.dma_semaphore, #tpu.memory_space<semaphore_mem>>) src(%arg8 : memref<128x64xf32, #tpu.memory_space<vmem>>) dst(%dma_wait3A_129 : memref<10240x64xf32, #tpu.memory_space<vmem_shared>>)
        tpu.yield
      }) : () -> ()
    }
    %barrier3A_72 = arith.constant 0 : index
    tpu.barrier barrier_id(%barrier3A_72)
    %mul3A_73 = arith.constant 640 : i32
    %mul3A_74 = arith.muli %arg1, %mul3A_73 : i32
    %mul3A_75 = arith.constant 640 : i32
    %mul3A_76 = arith.muli %arg1, %mul3A_75 : i32
    "tpu.region"() ({
      %run_scoped3A = tpu.sem_alloc : memref<!tpu.dma_semaphore, #tpu.memory_space<semaphore_mem>>
      %dma_start3A_77 = arith.constant 0 : i32
      %dma_start3A_78 = tpu.memref_slice %arg5[%arg0, %mul3A_76, %dma_start3A_77] : memref<2x10240x64xf32, #tpu.memory_space<hbm>> -> memref<1x640x64xf32, #tpu.memory_space<hbm>>
      %dma_start3A_79 = tpu.memref_squeeze %dma_start3A_78 : memref<1x640x64xf32, #tpu.memory_space<hbm>> -> memref<640x64xf32, #tpu.memory_space<hbm>>
      %dma_start3A_80 = arith.constant 0 : i32
      %dma_start3A_81 = tpu.memref_slice %arg9[%mul3A_74, %dma_start3A_80] : memref<10240x64xf32, #tpu.memory_space<vmem_shared>> -> memref<640x64xf32, #tpu.memory_space<vmem_shared>>
      tpu.enqueue_dma source(%dma_start3A_81 : memref<640x64xf32, #tpu.memory_space<vmem_shared>>) target(%dma_start3A_79 : memref<640x64xf32, #tpu.memory_space<hbm>>) target_semaphore(%run_scoped3A : memref<!tpu.dma_semaphore, #tpu.memory_space<semaphore_mem>>)
      %dma_wait3A_82 = arith.constant 0 : i32
      %dma_wait3A_83 = tpu.memref_slice %arg5[%arg0, %mul3A_76, %dma_wait3A_82] : memref<2x10240x64xf32, #tpu.memory_space<hbm>> -> memref<1x640x64xf32, #tpu.memory_space<hbm>>
      %dma_wait3A_84 = tpu.memref_squeeze %dma_wait3A_83 : memref<1x640x64xf32, #tpu.memory_space<hbm>> -> memref<640x64xf32, #tpu.memory_space<hbm>>
      %dma_wait3A_85 = arith.constant 0 : i32
      %dma_wait3A_86 = tpu.memref_slice %arg9[%mul3A_74, %dma_wait3A_85] : memref<10240x64xf32, #tpu.memory_space<vmem_shared>> -> memref<640x64xf32, #tpu.memory_space<vmem_shared>>
      tpu.wait_dma2 semaphore(%run_scoped3A : memref<!tpu.dma_semaphore, #tpu.memory_space<semaphore_mem>>) src(%dma_wait3A_86 : memref<640x64xf32, #tpu.memory_space<vmem_shared>>) dst(%dma_wait3A_84 : memref<640x64xf32, #tpu.memory_space<hbm>>)
      tpu.yield
    }) : () -> ()
    return
  }
}

#map = affine_map<(d0, d1) -> (0, 0)>
#map1 = affine_map<(d0, d1) -> (0, 0, 0)>
module attributes {stable_mosaic.version = 14 : i64} {
  func.func @_segsum(%arg0: i32, %arg1: i32, %arg2: memref<10240x64xf32, #tpu.memory_space<hbm>>, %arg3: memref<2560x2x128xi32, #tpu.memory_space<hbm>>, %arg4: memref<640x64xf32, #tpu.memory_space<hbm>>, %arg5: memref<2x10240x64xf32, #tpu.memory_space<hbm>>, %arg6: memref<80x2x128xi32, #tpu.memory_space<vmem>>, %arg7: memref<128x64xf32, #tpu.memory_space<vmem>>, %arg8: memref<128x64xf32, #tpu.memory_space<vmem>>, %arg9: memref<10240x64xf32, #tpu.memory_space<vmem_shared>>, %arg10: memref<10240x64xf32, #tpu.memory_space<vmem_shared>>, %arg11: memref<!tpu.dma_semaphore, #tpu.memory_space<semaphore_mem>>, %arg12: memref<!tpu.dma_semaphore, #tpu.memory_space<semaphore_mem>>) attributes {dimension_semantics = [#tpu.dimension_semantics<core_parallel>, #tpu.dimension_semantics<subcore_parallel>], iteration_bounds = array<i64: 2, 16>, scalar_prefetch = 0 : i64, scratch_operands = 7 : i64, tpu.core_type = #tpu.core_type<sc_vector_subcore>, window_params = [{transform_indices = #map}, {transform_indices = #map1}, {transform_indices = #map}, {transform_indices = #map1}]} {
    %eq3A = arith.constant 0 : i32
    %eq3A_0 = arith.cmpi eq, %arg0, %eq3A : i32
    %mul3A = arith.constant 80 : i32
    %mul3A_1 = arith.muli %arg1, %mul3A : i32
    %mul3A_2 = arith.constant 80 : i32
    %mul3A_3 = arith.muli %arg1, %mul3A_2 : i32
    %add3A = arith.constant 1280 : i32
    %add3A_4 = arith.addi %add3A, %mul3A_3 : i32
    %select_n3A = arith.select %eq3A_0, %mul3A_1, %add3A_4 : i32
    %eq3A_5 = arith.constant 0 : i32
    %eq3A_6 = arith.cmpi eq, %arg0, %eq3A_5 : i32
    %jit3A = arith.constant 80 : i32
    %jit3A_7 = arith.constant 80 : i32
    %select_n3A_8 = arith.select %eq3A_6, %jit3A, %jit3A_7 : i32
    %mul3A_9 = arith.constant 640 : i32
    %mul3A_10 = arith.muli %arg1, %mul3A_9 : i32
    %dma_start3A = arith.constant 0 : i32
    %dma_start3A_11 = tpu.memref_slice %arg9[%mul3A_10, %dma_start3A] : memref<10240x64xf32, #tpu.memory_space<vmem_shared>> -> memref<640x64xf32, #tpu.memory_space<vmem_shared>>
    tpu.enqueue_dma source(%arg4 : memref<640x64xf32, #tpu.memory_space<hbm>>) target(%dma_start3A_11 : memref<640x64xf32, #tpu.memory_space<vmem_shared>>) target_semaphore(%arg11 : memref<!tpu.dma_semaphore, #tpu.memory_space<semaphore_mem>>)
    %mul3A_12 = arith.constant 640 : i32
    %mul3A_13 = arith.muli %arg1, %mul3A_12 : i32
    %mul3A_14 = arith.constant 640 : i32
    %mul3A_15 = arith.muli %arg1, %mul3A_14 : i32
    %dma_start3A_16 = arith.constant 0 : i32
    %dma_start3A_17 = tpu.memref_slice %arg10[%mul3A_15, %dma_start3A_16] : memref<10240x64xf32, #tpu.memory_space<vmem_shared>> -> memref<640x64xf32, #tpu.memory_space<vmem_shared>>
    %dma_start3A_18 = arith.constant 0 : i32
    %dma_start3A_19 = tpu.memref_slice %arg2[%mul3A_13, %dma_start3A_18] : memref<10240x64xf32, #tpu.memory_space<hbm>> -> memref<640x64xf32, #tpu.memory_space<hbm>>
    tpu.enqueue_dma source(%dma_start3A_19 : memref<640x64xf32, #tpu.memory_space<hbm>>) target(%dma_start3A_17 : memref<640x64xf32, #tpu.memory_space<vmem_shared>>) target_semaphore(%arg12 : memref<!tpu.dma_semaphore, #tpu.memory_space<semaphore_mem>>)
    %dma_start3A_20 = arith.constant 0 : i32
    %dma_start3A_21 = arith.constant 0 : i32
    %dma_start3A_22 = tpu.memref_slice %arg3[%select_n3A, %dma_start3A_20, %dma_start3A_21] : memref<2560x2x128xi32, #tpu.memory_space<hbm>> -> memref<80x2x128xi32, #tpu.memory_space<hbm>>
    %dma_start3A_23 = arith.constant 0 : i32
    %dma_start3A_24 = arith.constant 0 : i32
    %dma_start3A_25 = tpu.memref_slice %arg3[%select_n3A, %dma_start3A_23, %dma_start3A_24] : memref<2560x2x128xi32, #tpu.memory_space<hbm>> -> memref<80x2x128xi32, #tpu.memory_space<hbm>>
    tpu.enqueue_dma source(%dma_start3A_25 : memref<80x2x128xi32, #tpu.memory_space<hbm>>) target(%arg6 : memref<80x2x128xi32, #tpu.memory_space<vmem>>) target_semaphore(%arg11 : memref<!tpu.dma_semaphore, #tpu.memory_space<semaphore_mem>>)
    %dma_wait3A = arith.constant 0 : i32
    %dma_wait3A_26 = tpu.memref_slice %arg9[%mul3A_10, %dma_wait3A] : memref<10240x64xf32, #tpu.memory_space<vmem_shared>> -> memref<640x64xf32, #tpu.memory_space<vmem_shared>>
    tpu.wait_dma2 semaphore(%arg11 : memref<!tpu.dma_semaphore, #tpu.memory_space<semaphore_mem>>) src(%arg4 : memref<640x64xf32, #tpu.memory_space<hbm>>) dst(%dma_wait3A_26 : memref<640x64xf32, #tpu.memory_space<vmem_shared>>)
    %dma_wait3A_27 = arith.constant 0 : i32
    %dma_wait3A_28 = tpu.memref_slice %arg10[%mul3A_15, %dma_wait3A_27] : memref<10240x64xf32, #tpu.memory_space<vmem_shared>> -> memref<640x64xf32, #tpu.memory_space<vmem_shared>>
    %dma_wait3A_29 = arith.constant 0 : i32
    %dma_wait3A_30 = tpu.memref_slice %arg2[%mul3A_13, %dma_wait3A_29] : memref<10240x64xf32, #tpu.memory_space<hbm>> -> memref<640x64xf32, #tpu.memory_space<hbm>>
    tpu.wait_dma2 semaphore(%arg12 : memref<!tpu.dma_semaphore, #tpu.memory_space<semaphore_mem>>) src(%dma_wait3A_30 : memref<640x64xf32, #tpu.memory_space<hbm>>) dst(%dma_wait3A_28 : memref<640x64xf32, #tpu.memory_space<vmem_shared>>)
    %dma_wait3A_31 = arith.constant 0 : i32
    %dma_wait3A_32 = arith.constant 0 : i32
    %dma_wait3A_33 = tpu.memref_slice %arg3[%select_n3A, %dma_wait3A_31, %dma_wait3A_32] : memref<2560x2x128xi32, #tpu.memory_space<hbm>> -> memref<80x2x128xi32, #tpu.memory_space<hbm>>
    %dma_wait3A_34 = arith.constant 0 : i32
    %dma_wait3A_35 = arith.constant 0 : i32
    %dma_wait3A_36 = tpu.memref_slice %arg3[%select_n3A, %dma_wait3A_34, %dma_wait3A_35] : memref<2560x2x128xi32, #tpu.memory_space<hbm>> -> memref<80x2x128xi32, #tpu.memory_space<hbm>>
    tpu.wait_dma2 semaphore(%arg11 : memref<!tpu.dma_semaphore, #tpu.memory_space<semaphore_mem>>) src(%dma_wait3A_36 : memref<80x2x128xi32, #tpu.memory_space<hbm>>) dst(%arg6 : memref<80x2x128xi32, #tpu.memory_space<vmem>>)
    %barrier3A = arith.constant 0 : index
    tpu.barrier barrier_id(%barrier3A)
    %dma_start3A_37 = arith.constant 0 : i32
    %dma_start3A_38 = arith.constant 0 : i32
    %dma_start3A_39 = arith.constant 0 : i32
    %dma_start3A_40 = tpu.memref_slice %arg6[%dma_start3A_37, %dma_start3A_38, %dma_start3A_39] : memref<80x2x128xi32, #tpu.memory_space<vmem>> -> memref<1x1x128xi32, #tpu.memory_space<vmem>>
    %dma_start3A_41 = tpu.memref_squeeze %dma_start3A_40 : memref<1x1x128xi32, #tpu.memory_space<vmem>> -> memref<128xi32, #tpu.memory_space<vmem>>
    %dma_start3A_42 = arith.constant 0 : i32
    %dma_start3A_43 = arith.constant 0 : i32
    %dma_start3A_44 = tpu.memref_slice %arg10[%dma_start3A_42, %dma_start3A_43] : memref<10240x64xf32, #tpu.memory_space<vmem_shared>> -> memref<10240x64xf32, #tpu.memory_space<vmem_shared>>
    tpu.enqueue_indirect_dma source(%dma_start3A_44 : memref<10240x64xf32, #tpu.memory_space<vmem_shared>>) target(%arg7 : memref<128x64xf32, #tpu.memory_space<vmem>>) offsets(%dma_start3A_41 : memref<128xi32, #tpu.memory_space<vmem>>) semaphore(%arg11 : memref<!tpu.dma_semaphore, #tpu.memory_space<semaphore_mem>>)
    %jit3A_45 = arith.constant 2 : i32
    %div3A = arith.divsi %select_n3A_8, %jit3A_45 : i32
    %sign3A = arith.constant 0 : i32
    %sign3A_46 = arith.cmpi sgt, %select_n3A_8, %sign3A : i32
    %sign3A_47 = arith.extui %sign3A_46 : i1 to i32
    %sign3A_48 = arith.constant 0 : i32
    %sign3A_49 = arith.cmpi slt, %select_n3A_8, %sign3A_48 : i32
    %sign3A_50 = arith.extui %sign3A_49 : i1 to i32
    %sign3A_51 = arith.subi %sign3A_47, %sign3A_50 : i32
    %sign3A_52 = arith.constant 0 : i32
    %sign3A_53 = arith.cmpi sgt, %jit3A_45, %sign3A_52 : i32
    %sign3A_54 = arith.extui %sign3A_53 : i1 to i32
    %sign3A_55 = arith.constant 0 : i32
    %sign3A_56 = arith.cmpi slt, %jit3A_45, %sign3A_55 : i32
    %sign3A_57 = arith.extui %sign3A_56 : i1 to i32
    %sign3A_58 = arith.subi %sign3A_54, %sign3A_57 : i32
    %ne3A = arith.cmpi ne, %sign3A_51, %sign3A_58 : i32
    %rem3A = arith.remsi %select_n3A_8, %jit3A_45 : i32
    %ne3A_59 = arith.constant 0 : i32
    %ne3A_60 = arith.cmpi ne, %rem3A, %ne3A_59 : i32
    %and3A = arith.andi %ne3A, %ne3A_60 : i1
    %sub3A = arith.constant 1 : i32
    %sub3A_61 = arith.subi %div3A, %sub3A : i32
    %select_n3A_62 = arith.select %and3A, %sub3A_61, %div3A : i32
    %while3A = arith.constant 0 : i32
    %while3A_63 = arith.constant 0 : i32
    %while3A_64 = arith.subi %select_n3A_62, %while3A_63 : i32
    %while3A_65 = arith.addi %while3A_63, %while3A_64 : i32
    %while3A_66 = arith.constant 1 : i32
    %while3A_67 = arith.divsi %while3A_64, %while3A_66 : i32
    %while3A_68 = arith.muli %while3A_67, %while3A_66 : i32
    %while3A_69 = arith.addi %while3A_63, %while3A_68 : i32
    %while3A_70 = arith.constant 1 : i32
    scf.for %while3A_77 = %while3A_63 to %while3A_69 step %while3A_70  : i32 {
      %mul3A_78 = arith.constant 2 : i32
      %mul3A_79 = arith.muli %while3A_77, %mul3A_78 : i32
      %add3A_80 = arith.constant 0 : i32
      %add3A_81 = arith.addi %mul3A_79, %add3A_80 : i32
      %add3A_82 = arith.constant 2 : i32
      %add3A_83 = arith.addi %add3A_81, %add3A_82 : i32
      %sub3A_84 = arith.constant 1 : i32
      %sub3A_85 = arith.subi %add3A_83, %sub3A_84 : i32
      %dma_start3A_86 = arith.constant 0 : i32
      %dma_start3A_87 = arith.constant 0 : i32
      %dma_start3A_88 = tpu.memref_slice %arg6[%sub3A_85, %dma_start3A_86, %dma_start3A_87] : memref<80x2x128xi32, #tpu.memory_space<vmem>> -> memref<1x1x128xi32, #tpu.memory_space<vmem>>
      %dma_start3A_89 = tpu.memref_squeeze %dma_start3A_88 : memref<1x1x128xi32, #tpu.memory_space<vmem>> -> memref<128xi32, #tpu.memory_space<vmem>>
      %dma_start3A_90 = arith.constant 0 : i32
      %dma_start3A_91 = arith.constant 0 : i32
      %dma_start3A_92 = tpu.memref_slice %arg10[%dma_start3A_90, %dma_start3A_91] : memref<10240x64xf32, #tpu.memory_space<vmem_shared>> -> memref<10240x64xf32, #tpu.memory_space<vmem_shared>>
      tpu.enqueue_indirect_dma source(%dma_start3A_92 : memref<10240x64xf32, #tpu.memory_space<vmem_shared>>) target(%arg8 : memref<128x64xf32, #tpu.memory_space<vmem>>) offsets(%dma_start3A_89 : memref<128xi32, #tpu.memory_space<vmem>>) semaphore(%arg12 : memref<!tpu.dma_semaphore, #tpu.memory_space<semaphore_mem>>)
      %dma_wait3A_93 = arith.constant 0 : i32
      %dma_wait3A_94 = arith.constant 0 : i32
      %dma_wait3A_95 = tpu.memref_slice %arg4[%dma_wait3A_93, %dma_wait3A_94] : memref<640x64xf32, #tpu.memory_space<hbm>> -> memref<128x64xf32, #tpu.memory_space<hbm>>
      %dma_wait3A_96 = arith.constant 0 : i32
      %dma_wait3A_97 = arith.constant 0 : i32
      %dma_wait3A_98 = tpu.memref_slice %arg4[%dma_wait3A_96, %dma_wait3A_97] : memref<640x64xf32, #tpu.memory_space<hbm>> -> memref<128x64xf32, #tpu.memory_space<hbm>>
      tpu.wait_dma2 semaphore(%arg11 : memref<!tpu.dma_semaphore, #tpu.memory_space<semaphore_mem>>) src(%dma_wait3A_98 : memref<128x64xf32, #tpu.memory_space<hbm>>) dst(%arg7 : memref<128x64xf32, #tpu.memory_space<vmem>>)
      %add3A_99 = arith.constant 0 : i32
      %add3A_100 = arith.addi %mul3A_79, %add3A_99 : i32
      %run_scoped3A = arith.constant 1 : i32
      "tpu.region"() ({
        %run_scoped3A_117 = tpu.sem_alloc : memref<!tpu.dma_semaphore, #tpu.memory_space<semaphore_mem>>
        %dma_start3A_118 = arith.constant 0 : i32
        %dma_start3A_119 = tpu.memref_slice %arg6[%add3A_100, %run_scoped3A, %dma_start3A_118] : memref<80x2x128xi32, #tpu.memory_space<vmem>> -> memref<1x1x128xi32, #tpu.memory_space<vmem>>
        %dma_start3A_120 = tpu.memref_squeeze %dma_start3A_119 : memref<1x1x128xi32, #tpu.memory_space<vmem>> -> memref<128xi32, #tpu.memory_space<vmem>>
        %dma_start3A_121 = arith.constant 0 : i32
        %dma_start3A_122 = arith.constant 0 : i32
        %dma_start3A_123 = tpu.memref_slice %arg9[%dma_start3A_121, %dma_start3A_122] : memref<10240x64xf32, #tpu.memory_space<vmem_shared>> -> memref<10240x64xf32, #tpu.memory_space<vmem_shared>>
        tpu.enqueue_indirect_dma source(%arg7 : memref<128x64xf32, #tpu.memory_space<vmem>>) target(%dma_start3A_123 : memref<10240x64xf32, #tpu.memory_space<vmem_shared>>) offsets(%dma_start3A_120 : memref<128xi32, #tpu.memory_space<vmem>>) semaphore(%run_scoped3A_117 : memref<!tpu.dma_semaphore, #tpu.memory_space<semaphore_mem>>) {add = true}
        %dma_wait3A_124 = arith.constant 0 : i32
        %dma_wait3A_125 = tpu.memref_slice %arg6[%add3A_100, %run_scoped3A, %dma_wait3A_124] : memref<80x2x128xi32, #tpu.memory_space<vmem>> -> memref<1x1x128xi32, #tpu.memory_space<vmem>>
        %dma_wait3A_126 = tpu.memref_squeeze %dma_wait3A_125 : memref<1x1x128xi32, #tpu.memory_space<vmem>> -> memref<128xi32, #tpu.memory_space<vmem>>
        %dma_wait3A_127 = arith.constant 0 : i32
        %dma_wait3A_128 = arith.constant 0 : i32
        %dma_wait3A_129 = tpu.memref_slice %arg9[%dma_wait3A_127, %dma_wait3A_128] : memref<10240x64xf32, #tpu.memory_space<vmem_shared>> -> memref<10240x64xf32, #tpu.memory_space<vmem_shared>>
        tpu.wait_indirect_dma semaphore(%run_scoped3A_117 : memref<!tpu.dma_semaphore, #tpu.memory_space<semaphore_mem>>) src(%arg7 : memref<128x64xf32, #tpu.memory_space<vmem>>) dst(%dma_wait3A_129 : memref<10240x64xf32, #tpu.memory_space<vmem_shared>>)
        tpu.yield
      }) : () -> ()
      %add3A_101 = arith.constant 1 : i32
      %add3A_102 = arith.addi %mul3A_79, %add3A_101 : i32
      %add3A_103 = arith.constant 2 : i32
      %add3A_104 = arith.addi %add3A_102, %add3A_103 : i32
      %sub3A_105 = arith.constant 1 : i32
      %sub3A_106 = arith.subi %add3A_104, %sub3A_105 : i32
      %lt3A = arith.cmpi slt, %sub3A_106, %select_n3A_8 : i32
      %convert_element_type3A = arith.extui %lt3A : i1 to i32
      %cond3A = arith.constant 0 : i32
      %cond3A_107 = arith.cmpi ne, %convert_element_type3A, %cond3A : i32
      scf.if %cond3A_107 {
        %dma_start3A_117 = arith.constant 0 : i32
        %dma_start3A_118 = arith.constant 0 : i32
        %dma_start3A_119 = tpu.memref_slice %arg6[%sub3A_106, %dma_start3A_117, %dma_start3A_118] : memref<80x2x128xi32, #tpu.memory_space<vmem>> -> memref<1x1x128xi32, #tpu.memory_space<vmem>>
        %dma_start3A_120 = tpu.memref_squeeze %dma_start3A_119 : memref<1x1x128xi32, #tpu.memory_space<vmem>> -> memref<128xi32, #tpu.memory_space<vmem>>
        %dma_start3A_121 = arith.constant 0 : i32
        %dma_start3A_122 = arith.constant 0 : i32
        %dma_start3A_123 = tpu.memref_slice %arg10[%dma_start3A_121, %dma_start3A_122] : memref<10240x64xf32, #tpu.memory_space<vmem_shared>> -> memref<10240x64xf32, #tpu.memory_space<vmem_shared>>
        tpu.enqueue_indirect_dma source(%dma_start3A_123 : memref<10240x64xf32, #tpu.memory_space<vmem_shared>>) target(%arg7 : memref<128x64xf32, #tpu.memory_space<vmem>>) offsets(%dma_start3A_120 : memref<128xi32, #tpu.memory_space<vmem>>) semaphore(%arg11 : memref<!tpu.dma_semaphore, #tpu.memory_space<semaphore_mem>>)
      } else {
      }
      %dma_wait3A_108 = arith.constant 0 : i32
      %dma_wait3A_109 = arith.constant 0 : i32
      %dma_wait3A_110 = tpu.memref_slice %arg4[%dma_wait3A_108, %dma_wait3A_109] : memref<640x64xf32, #tpu.memory_space<hbm>> -> memref<128x64xf32, #tpu.memory_space<hbm>>
      %dma_wait3A_111 = arith.constant 0 : i32
      %dma_wait3A_112 = arith.constant 0 : i32
      %dma_wait3A_113 = tpu.memref_slice %arg4[%dma_wait3A_111, %dma_wait3A_112] : memref<640x64xf32, #tpu.memory_space<hbm>> -> memref<128x64xf32, #tpu.memory_space<hbm>>
      tpu.wait_dma2 semaphore(%arg12 : memref<!tpu.dma_semaphore, #tpu.memory_space<semaphore_mem>>) src(%dma_wait3A_113 : memref<128x64xf32, #tpu.memory_space<hbm>>) dst(%arg8 : memref<128x64xf32, #tpu.memory_space<vmem>>)
      %add3A_114 = arith.constant 1 : i32
      %add3A_115 = arith.addi %mul3A_79, %add3A_114 : i32
      %run_scoped3A_116 = arith.constant 1 : i32
      "tpu.region"() ({
        %run_scoped3A_117 = tpu.sem_alloc : memref<!tpu.dma_semaphore, #tpu.memory_space<semaphore_mem>>
        %dma_start3A_118 = arith.constant 0 : i32
        %dma_start3A_119 = tpu.memref_slice %arg6[%add3A_115, %run_scoped3A_116, %dma_start3A_118] : memref<80x2x128xi32, #tpu.memory_space<vmem>> -> memref<1x1x128xi32, #tpu.memory_space<vmem>>
        %dma_start3A_120 = tpu.memref_squeeze %dma_start3A_119 : memref<1x1x128xi32, #tpu.memory_space<vmem>> -> memref<128xi32, #tpu.memory_space<vmem>>
        %dma_start3A_121 = arith.constant 0 : i32
        %dma_start3A_122 = arith.constant 0 : i32
        %dma_start3A_123 = tpu.memref_slice %arg9[%dma_start3A_121, %dma_start3A_122] : memref<10240x64xf32, #tpu.memory_space<vmem_shared>> -> memref<10240x64xf32, #tpu.memory_space<vmem_shared>>
        tpu.enqueue_indirect_dma source(%arg8 : memref<128x64xf32, #tpu.memory_space<vmem>>) target(%dma_start3A_123 : memref<10240x64xf32, #tpu.memory_space<vmem_shared>>) offsets(%dma_start3A_120 : memref<128xi32, #tpu.memory_space<vmem>>) semaphore(%run_scoped3A_117 : memref<!tpu.dma_semaphore, #tpu.memory_space<semaphore_mem>>) {add = true}
        %dma_wait3A_124 = arith.constant 0 : i32
        %dma_wait3A_125 = tpu.memref_slice %arg6[%add3A_115, %run_scoped3A_116, %dma_wait3A_124] : memref<80x2x128xi32, #tpu.memory_space<vmem>> -> memref<1x1x128xi32, #tpu.memory_space<vmem>>
        %dma_wait3A_126 = tpu.memref_squeeze %dma_wait3A_125 : memref<1x1x128xi32, #tpu.memory_space<vmem>> -> memref<128xi32, #tpu.memory_space<vmem>>
        %dma_wait3A_127 = arith.constant 0 : i32
        %dma_wait3A_128 = arith.constant 0 : i32
        %dma_wait3A_129 = tpu.memref_slice %arg9[%dma_wait3A_127, %dma_wait3A_128] : memref<10240x64xf32, #tpu.memory_space<vmem_shared>> -> memref<10240x64xf32, #tpu.memory_space<vmem_shared>>
        tpu.wait_indirect_dma semaphore(%run_scoped3A_117 : memref<!tpu.dma_semaphore, #tpu.memory_space<semaphore_mem>>) src(%arg8 : memref<128x64xf32, #tpu.memory_space<vmem>>) dst(%dma_wait3A_129 : memref<10240x64xf32, #tpu.memory_space<vmem_shared>>)
        tpu.yield
      }) : () -> ()
    }
    %while3A_71 = arith.constant 1 : i32
    scf.for %while3A_77 = %while3A_69 to %while3A_65 step %while3A_71  : i32 {
      %mul3A_78 = arith.constant 2 : i32
      %mul3A_79 = arith.muli %while3A_77, %mul3A_78 : i32
      %add3A_80 = arith.constant 0 : i32
      %add3A_81 = arith.addi %mul3A_79, %add3A_80 : i32
      %add3A_82 = arith.constant 2 : i32
      %add3A_83 = arith.addi %add3A_81, %add3A_82 : i32
      %sub3A_84 = arith.constant 1 : i32
      %sub3A_85 = arith.subi %add3A_83, %sub3A_84 : i32
      %dma_start3A_86 = arith.constant 0 : i32
      %dma_start3A_87 = arith.constant 0 : i32
      %dma_start3A_88 = tpu.memref_slice %arg6[%sub3A_85, %dma_start3A_86, %dma_start3A_87] : memref<80x2x128xi32, #tpu.memory_space<vmem>> -> memref<1x1x128xi32, #tpu.memory_space<vmem>>
      %dma_start3A_89 = tpu.memref_squeeze %dma_start3A_88 : memref<1x1x128xi32, #tpu.memory_space<vmem>> -> memref<128xi32, #tpu.memory_space<vmem>>
      %dma_start3A_90 = arith.constant 0 : i32
      %dma_start3A_91 = arith.constant 0 : i32
      %dma_start3A_92 = tpu.memref_slice %arg10[%dma_start3A_90, %dma_start3A_91] : memref<10240x64xf32, #tpu.memory_space<vmem_shared>> -> memref<10240x64xf32, #tpu.memory_space<vmem_shared>>
      tpu.enqueue_indirect_dma source(%dma_start3A_92 : memref<10240x64xf32, #tpu.memory_space<vmem_shared>>) target(%arg8 : memref<128x64xf32, #tpu.memory_space<vmem>>) offsets(%dma_start3A_89 : memref<128xi32, #tpu.memory_space<vmem>>) semaphore(%arg12 : memref<!tpu.dma_semaphore, #tpu.memory_space<semaphore_mem>>)
      %dma_wait3A_93 = arith.constant 0 : i32
      %dma_wait3A_94 = arith.constant 0 : i32
      %dma_wait3A_95 = tpu.memref_slice %arg4[%dma_wait3A_93, %dma_wait3A_94] : memref<640x64xf32, #tpu.memory_space<hbm>> -> memref<128x64xf32, #tpu.memory_space<hbm>>
      %dma_wait3A_96 = arith.constant 0 : i32
      %dma_wait3A_97 = arith.constant 0 : i32
      %dma_wait3A_98 = tpu.memref_slice %arg4[%dma_wait3A_96, %dma_wait3A_97] : memref<640x64xf32, #tpu.memory_space<hbm>> -> memref<128x64xf32, #tpu.memory_space<hbm>>
      tpu.wait_dma2 semaphore(%arg11 : memref<!tpu.dma_semaphore, #tpu.memory_space<semaphore_mem>>) src(%dma_wait3A_98 : memref<128x64xf32, #tpu.memory_space<hbm>>) dst(%arg7 : memref<128x64xf32, #tpu.memory_space<vmem>>)
      %add3A_99 = arith.constant 0 : i32
      %add3A_100 = arith.addi %mul3A_79, %add3A_99 : i32
      %run_scoped3A = arith.constant 1 : i32
      "tpu.region"() ({
        %run_scoped3A_117 = tpu.sem_alloc : memref<!tpu.dma_semaphore, #tpu.memory_space<semaphore_mem>>
        %dma_start3A_118 = arith.constant 0 : i32
        %dma_start3A_119 = tpu.memref_slice %arg6[%add3A_100, %run_scoped3A, %dma_start3A_118] : memref<80x2x128xi32, #tpu.memory_space<vmem>> -> memref<1x1x128xi32, #tpu.memory_space<vmem>>
        %dma_start3A_120 = tpu.memref_squeeze %dma_start3A_119 : memref<1x1x128xi32, #tpu.memory_space<vmem>> -> memref<128xi32, #tpu.memory_space<vmem>>
        %dma_start3A_121 = arith.constant 0 : i32
        %dma_start3A_122 = arith.constant 0 : i32
        %dma_start3A_123 = tpu.memref_slice %arg9[%dma_start3A_121, %dma_start3A_122] : memref<10240x64xf32, #tpu.memory_space<vmem_shared>> -> memref<10240x64xf32, #tpu.memory_space<vmem_shared>>
        tpu.enqueue_indirect_dma source(%arg7 : memref<128x64xf32, #tpu.memory_space<vmem>>) target(%dma_start3A_123 : memref<10240x64xf32, #tpu.memory_space<vmem_shared>>) offsets(%dma_start3A_120 : memref<128xi32, #tpu.memory_space<vmem>>) semaphore(%run_scoped3A_117 : memref<!tpu.dma_semaphore, #tpu.memory_space<semaphore_mem>>) {add = true}
        %dma_wait3A_124 = arith.constant 0 : i32
        %dma_wait3A_125 = tpu.memref_slice %arg6[%add3A_100, %run_scoped3A, %dma_wait3A_124] : memref<80x2x128xi32, #tpu.memory_space<vmem>> -> memref<1x1x128xi32, #tpu.memory_space<vmem>>
        %dma_wait3A_126 = tpu.memref_squeeze %dma_wait3A_125 : memref<1x1x128xi32, #tpu.memory_space<vmem>> -> memref<128xi32, #tpu.memory_space<vmem>>
        %dma_wait3A_127 = arith.constant 0 : i32
        %dma_wait3A_128 = arith.constant 0 : i32
        %dma_wait3A_129 = tpu.memref_slice %arg9[%dma_wait3A_127, %dma_wait3A_128] : memref<10240x64xf32, #tpu.memory_space<vmem_shared>> -> memref<10240x64xf32, #tpu.memory_space<vmem_shared>>
        tpu.wait_indirect_dma semaphore(%run_scoped3A_117 : memref<!tpu.dma_semaphore, #tpu.memory_space<semaphore_mem>>) src(%arg7 : memref<128x64xf32, #tpu.memory_space<vmem>>) dst(%dma_wait3A_129 : memref<10240x64xf32, #tpu.memory_space<vmem_shared>>)
        tpu.yield
      }) : () -> ()
      %add3A_101 = arith.constant 1 : i32
      %add3A_102 = arith.addi %mul3A_79, %add3A_101 : i32
      %add3A_103 = arith.constant 2 : i32
      %add3A_104 = arith.addi %add3A_102, %add3A_103 : i32
      %sub3A_105 = arith.constant 1 : i32
      %sub3A_106 = arith.subi %add3A_104, %sub3A_105 : i32
      %lt3A = arith.cmpi slt, %sub3A_106, %select_n3A_8 : i32
      %convert_element_type3A = arith.extui %lt3A : i1 to i32
      %cond3A = arith.constant 0 : i32
      %cond3A_107 = arith.cmpi ne, %convert_element_type3A, %cond3A : i32
      scf.if %cond3A_107 {
        %dma_start3A_117 = arith.constant 0 : i32
        %dma_start3A_118 = arith.constant 0 : i32
        %dma_start3A_119 = tpu.memref_slice %arg6[%sub3A_106, %dma_start3A_117, %dma_start3A_118] : memref<80x2x128xi32, #tpu.memory_space<vmem>> -> memref<1x1x128xi32, #tpu.memory_space<vmem>>
        %dma_start3A_120 = tpu.memref_squeeze %dma_start3A_119 : memref<1x1x128xi32, #tpu.memory_space<vmem>> -> memref<128xi32, #tpu.memory_space<vmem>>
        %dma_start3A_121 = arith.constant 0 : i32
        %dma_start3A_122 = arith.constant 0 : i32
        %dma_start3A_123 = tpu.memref_slice %arg10[%dma_start3A_121, %dma_start3A_122] : memref<10240x64xf32, #tpu.memory_space<vmem_shared>> -> memref<10240x64xf32, #tpu.memory_space<vmem_shared>>
        tpu.enqueue_indirect_dma source(%dma_start3A_123 : memref<10240x64xf32, #tpu.memory_space<vmem_shared>>) target(%arg7 : memref<128x64xf32, #tpu.memory_space<vmem>>) offsets(%dma_start3A_120 : memref<128xi32, #tpu.memory_space<vmem>>) semaphore(%arg11 : memref<!tpu.dma_semaphore, #tpu.memory_space<semaphore_mem>>)
      } else {
      }
      %dma_wait3A_108 = arith.constant 0 : i32
      %dma_wait3A_109 = arith.constant 0 : i32
      %dma_wait3A_110 = tpu.memref_slice %arg4[%dma_wait3A_108, %dma_wait3A_109] : memref<640x64xf32, #tpu.memory_space<hbm>> -> memref<128x64xf32, #tpu.memory_space<hbm>>
      %dma_wait3A_111 = arith.constant 0 : i32
      %dma_wait3A_112 = arith.constant 0 : i32
      %dma_wait3A_113 = tpu.memref_slice %arg4[%dma_wait3A_111, %dma_wait3A_112] : memref<640x64xf32, #tpu.memory_space<hbm>> -> memref<128x64xf32, #tpu.memory_space<hbm>>
      tpu.wait_dma2 semaphore(%arg12 : memref<!tpu.dma_semaphore, #tpu.memory_space<semaphore_mem>>) src(%dma_wait3A_113 : memref<128x64xf32, #tpu.memory_space<hbm>>) dst(%arg8 : memref<128x64xf32, #tpu.memory_space<vmem>>)
      %add3A_114 = arith.constant 1 : i32
      %add3A_115 = arith.addi %mul3A_79, %add3A_114 : i32
      %run_scoped3A_116 = arith.constant 1 : i32
      "tpu.region"() ({
        %run_scoped3A_117 = tpu.sem_alloc : memref<!tpu.dma_semaphore, #tpu.memory_space<semaphore_mem>>
        %dma_start3A_118 = arith.constant 0 : i32
        %dma_start3A_119 = tpu.memref_slice %arg6[%add3A_115, %run_scoped3A_116, %dma_start3A_118] : memref<80x2x128xi32, #tpu.memory_space<vmem>> -> memref<1x1x128xi32, #tpu.memory_space<vmem>>
        %dma_start3A_120 = tpu.memref_squeeze %dma_start3A_119 : memref<1x1x128xi32, #tpu.memory_space<vmem>> -> memref<128xi32, #tpu.memory_space<vmem>>
        %dma_start3A_121 = arith.constant 0 : i32
        %dma_start3A_122 = arith.constant 0 : i32
        %dma_start3A_123 = tpu.memref_slice %arg9[%dma_start3A_121, %dma_start3A_122] : memref<10240x64xf32, #tpu.memory_space<vmem_shared>> -> memref<10240x64xf32, #tpu.memory_space<vmem_shared>>
        tpu.enqueue_indirect_dma source(%arg8 : memref<128x64xf32, #tpu.memory_space<vmem>>) target(%dma_start3A_123 : memref<10240x64xf32, #tpu.memory_space<vmem_shared>>) offsets(%dma_start3A_120 : memref<128xi32, #tpu.memory_space<vmem>>) semaphore(%run_scoped3A_117 : memref<!tpu.dma_semaphore, #tpu.memory_space<semaphore_mem>>) {add = true}
        %dma_wait3A_124 = arith.constant 0 : i32
        %dma_wait3A_125 = tpu.memref_slice %arg6[%add3A_115, %run_scoped3A_116, %dma_wait3A_124] : memref<80x2x128xi32, #tpu.memory_space<vmem>> -> memref<1x1x128xi32, #tpu.memory_space<vmem>>
        %dma_wait3A_126 = tpu.memref_squeeze %dma_wait3A_125 : memref<1x1x128xi32, #tpu.memory_space<vmem>> -> memref<128xi32, #tpu.memory_space<vmem>>
        %dma_wait3A_127 = arith.constant 0 : i32
        %dma_wait3A_128 = arith.constant 0 : i32
        %dma_wait3A_129 = tpu.memref_slice %arg9[%dma_wait3A_127, %dma_wait3A_128] : memref<10240x64xf32, #tpu.memory_space<vmem_shared>> -> memref<10240x64xf32, #tpu.memory_space<vmem_shared>>
        tpu.wait_indirect_dma semaphore(%run_scoped3A_117 : memref<!tpu.dma_semaphore, #tpu.memory_space<semaphore_mem>>) src(%arg8 : memref<128x64xf32, #tpu.memory_space<vmem>>) dst(%dma_wait3A_129 : memref<10240x64xf32, #tpu.memory_space<vmem_shared>>)
        tpu.yield
      }) : () -> ()
    }
    %barrier3A_72 = arith.constant 0 : index
    tpu.barrier barrier_id(%barrier3A_72)
    %mul3A_73 = arith.constant 640 : i32
    %mul3A_74 = arith.muli %arg1, %mul3A_73 : i32
    %mul3A_75 = arith.constant 640 : i32
    %mul3A_76 = arith.muli %arg1, %mul3A_75 : i32
    "tpu.region"() ({
      %run_scoped3A = tpu.sem_alloc : memref<!tpu.dma_semaphore, #tpu.memory_space<semaphore_mem>>
      %dma_start3A_77 = arith.constant 0 : i32
      %dma_start3A_78 = tpu.memref_slice %arg5[%arg0, %mul3A_76, %dma_start3A_77] : memref<2x10240x64xf32, #tpu.memory_space<hbm>> -> memref<1x640x64xf32, #tpu.memory_space<hbm>>
      %dma_start3A_79 = tpu.memref_squeeze %dma_start3A_78 : memref<1x640x64xf32, #tpu.memory_space<hbm>> -> memref<640x64xf32, #tpu.memory_space<hbm>>
      %dma_start3A_80 = arith.constant 0 : i32
      %dma_start3A_81 = tpu.memref_slice %arg9[%mul3A_74, %dma_start3A_80] : memref<10240x64xf32, #tpu.memory_space<vmem_shared>> -> memref<640x64xf32, #tpu.memory_space<vmem_shared>>
      tpu.enqueue_dma source(%dma_start3A_81 : memref<640x64xf32, #tpu.memory_space<vmem_shared>>) target(%dma_start3A_79 : memref<640x64xf32, #tpu.memory_space<hbm>>) target_semaphore(%run_scoped3A : memref<!tpu.dma_semaphore, #tpu.memory_space<semaphore_mem>>)
      %dma_wait3A_82 = arith.constant 0 : i32
      %dma_wait3A_83 = tpu.memref_slice %arg5[%arg0, %mul3A_76, %dma_wait3A_82] : memref<2x10240x64xf32, #tpu.memory_space<hbm>> -> memref<1x640x64xf32, #tpu.memory_space<hbm>>
      %dma_wait3A_84 = tpu.memref_squeeze %dma_wait3A_83 : memref<1x640x64xf32, #tpu.memory_space<hbm>> -> memref<640x64xf32, #tpu.memory_space<hbm>>
      %dma_wait3A_85 = arith.constant 0 : i32
      %dma_wait3A_86 = tpu.memref_slice %arg9[%mul3A_74, %dma_wait3A_85] : memref<10240x64xf32, #tpu.memory_space<vmem_shared>> -> memref<640x64xf32, #tpu.memory_space<vmem_shared>>
      tpu.wait_dma2 semaphore(%run_scoped3A : memref<!tpu.dma_semaphore, #tpu.memory_space<semaphore_mem>>) src(%dma_wait3A_86 : memref<640x64xf32, #tpu.memory_space<vmem_shared>>) dst(%dma_wait3A_84 : memref<640x64xf32, #tpu.memory_space<hbm>>)
      tpu.yield
    }) : () -> ()
    return
  }
}

module attributes {stable_mosaic.version = 14 : i64} {
  func.func @_in_proj_body(%arg0: i32, %arg1: memref<640x256xf32, #tpu.memory_space<vmem>>, %arg2: memref<256x64xf32, #tpu.memory_space<vmem>>, %arg3: memref<640x64xf32, #tpu.memory_space<vmem>>) attributes {dimension_semantics = [#tpu.dimension_semantics<arbitrary>], iteration_bounds = array<i64: 16>, scalar_prefetch = 0 : i64, scratch_operands = 0 : i64, tpu.core_type = #tpu.core_type<tc>, window_params = [{transform_indices = @transform_0, window_bounds = array<i64: 640, 256>}, {pipeline_mode = #tpu.pipeline_mode<synchronous>, transform_indices = @transform_1, window_bounds = array<i64: 256, 64>}, {transform_indices = @transform_2, window_bounds = array<i64: 640, 64>}]} {
    %get3A = arith.constant 0 : index
    %get3A_0 = arith.constant 0 : index
    %get3A_1 = vector.load %arg1[%get3A, %get3A_0] : memref<640x256xf32, #tpu.memory_space<vmem>>, vector<640x256xf32>
    %get3A_2 = arith.constant 0 : index
    %get3A_3 = arith.constant 0 : index
    %get3A_4 = vector.load %arg2[%get3A_2, %get3A_3] : memref<256x64xf32, #tpu.memory_space<vmem>>, vector<256x64xf32>
    %dot_general3A = arith.constant dense<0.000000e+00> : vector<640x64xf32>
    %dot_general3A_5 = tpu.matmul %get3A_1, %get3A_4, %dot_general3A {dimension_numbers = #tpu.dot_dimension_numbers<[1], [0], [0], [1], [0, 0, 1, 1], [], []>, transpose_lhs_hint = false} : vector<640x256xf32>, vector<256x64xf32>, vector<640x64xf32> -> vector<640x64xf32>
    %mul3A = arith.constant 640 : i32
    %mul3A_6 = arith.muli %arg0, %mul3A : i32
    %iota3A = tpu.iota {dimensions = array<i32: 0>} : vector<640x1xi32>
    %add3A = vector.broadcast %mul3A_6 : i32 to vector<640x1xi32>
    %add3A_7 = arith.addi %add3A, %iota3A : vector<640x1xi32>
    %lt3A = arith.constant 10000 : i32
    %lt3A_8 = vector.broadcast %lt3A : i32 to vector<640x1xi32>
    %lt3A_9 = arith.cmpi slt, %add3A_7, %lt3A_8 : vector<640x1xi32>
    %jit3A = arith.constant 0.000000e+00 : f32
    %broadcast_in_dim3A = vector.shape_cast %lt3A_9 : vector<640x1xi1> to vector<640x1xi1>
    %broadcast_in_dim3A_10 = vector.broadcast %broadcast_in_dim3A : vector<640x1xi1> to vector<640x64xi1>
    %broadcast_in_dim3A_11 = vector.broadcast %jit3A : f32 to vector<640x64xf32>
    %select_n3A = arith.select %broadcast_in_dim3A_10, %dot_general3A_5, %broadcast_in_dim3A_11 : vector<640x64xi1>, vector<640x64xf32>
    %swap3A = arith.constant 0 : index
    %swap3A_12 = arith.constant 0 : index
    %swap3A_13 = vector.load %arg3[%swap3A, %swap3A_12] : memref<640x64xf32, #tpu.memory_space<vmem>>, vector<640x64xf32>
    tpu.vector_store %arg3[%swap3A, %swap3A_12], %select_n3A {strides = array<i32>} : memref<640x64xf32, #tpu.memory_space<vmem>>, vector<640x64xf32>,
    return
  }
  func.func @transform_0(%arg0: i32) -> (i32, i32) {
    %c0_i32 = arith.constant 0 : i32
    %c0_i32_0 = arith.constant 0 : i32
    return %arg0, %c0_i32 : i32, i32
  }
  func.func @transform_1(%arg0: i32) -> (i32, i32) {
    %c0_i32 = arith.constant 0 : i32
    %c0_i32_0 = arith.constant 0 : i32
    %c0_i32_1 = arith.constant 0 : i32
    return %c0_i32, %c0_i32_0 : i32, i32
  }
  func.func @transform_2(%arg0: i32) -> (i32, i32) {
    %c0_i32 = arith.constant 0 : i32
    %c0_i32_0 = arith.constant 0 : i32
    return %arg0, %c0_i32 : i32, i32
  }
}

module attributes {stable_mosaic.version = 14 : i64} {
  func.func @_bias_relu_body(%arg0: i32, %arg1: memref<2x640x64xf32, #tpu.memory_space<vmem>>, %arg2: memref<1x64xf32, #tpu.memory_space<vmem>>, %arg3: memref<640x64xf32, #tpu.memory_space<vmem>>) attributes {dimension_semantics = [#tpu.dimension_semantics<arbitrary>], iteration_bounds = array<i64: 16>, scalar_prefetch = 0 : i64, scratch_operands = 0 : i64, tpu.core_type = #tpu.core_type<tc>, window_params = [{transform_indices = @transform_0, window_bounds = array<i64: 2, 640, 64>}, {pipeline_mode = #tpu.pipeline_mode<synchronous>, transform_indices = @transform_1, window_bounds = array<i64: 1, 64>}, {transform_indices = @transform_2, window_bounds = array<i64: 640, 64>}]} {
    %get3A = arith.constant 0 : index
    %get3A_0 = arith.constant 0 : index
    %get3A_1 = arith.constant 0 : index
    %get3A_2 = vector.load %arg1[%get3A, %get3A_0, %get3A_1] : memref<2x640x64xf32, #tpu.memory_space<vmem>>, vector<1x640x64xf32>
    %get3A_3 = vector.shape_cast %get3A_2 : vector<1x640x64xf32> to vector<640x64xf32>
    %get3A_4 = arith.constant 1 : index
    %get3A_5 = arith.constant 0 : index
    %get3A_6 = arith.constant 0 : index
    %get3A_7 = vector.load %arg1[%get3A_4, %get3A_5, %get3A_6] : memref<2x640x64xf32, #tpu.memory_space<vmem>>, vector<1x640x64xf32>
    %get3A_8 = vector.shape_cast %get3A_7 : vector<1x640x64xf32> to vector<640x64xf32>
    %add3A = arith.addf %get3A_3, %get3A_8 : vector<640x64xf32>
    %get3A_9 = arith.constant 0 : index
    %get3A_10 = arith.constant 0 : index
    %get3A_11 = vector.load %arg2[%get3A_9, %get3A_10] : memref<1x64xf32, #tpu.memory_space<vmem>>, vector<1x64xf32>
    %add3A_12 = vector.broadcast %get3A_11 : vector<1x64xf32> to vector<640x64xf32>
    %add3A_13 = arith.addf %add3A, %add3A_12 : vector<640x64xf32>
    %max3A = arith.constant 0.000000e+00 : f32
    %max3A_14 = vector.broadcast %max3A : f32 to vector<640x64xf32>
    %max3A_15 = arith.maximumf %add3A_13, %max3A_14 : vector<640x64xf32>
    %mul3A = arith.constant 640 : i32
    %mul3A_16 = arith.muli %arg0, %mul3A : i32
    %iota3A = tpu.iota {dimensions = array<i32: 0>} : vector<640x1xi32>
    %add3A_17 = vector.broadcast %mul3A_16 : i32 to vector<640x1xi32>
    %add3A_18 = arith.addi %add3A_17, %iota3A : vector<640x1xi32>
    %lt3A = arith.constant 10000 : i32
    %lt3A_19 = vector.broadcast %lt3A : i32 to vector<640x1xi32>
    %lt3A_20 = arith.cmpi slt, %add3A_18, %lt3A_19 : vector<640x1xi32>
    %jit3A = arith.constant 0.000000e+00 : f32
    %broadcast_in_dim3A = vector.shape_cast %lt3A_20 : vector<640x1xi1> to vector<640x1xi1>
    %broadcast_in_dim3A_21 = vector.broadcast %broadcast_in_dim3A : vector<640x1xi1> to vector<640x64xi1>
    %broadcast_in_dim3A_22 = vector.broadcast %jit3A : f32 to vector<640x64xf32>
    %select_n3A = arith.select %broadcast_in_dim3A_21, %max3A_15, %broadcast_in_dim3A_22 : vector<640x64xi1>, vector<640x64xf32>
    %swap3A = arith.constant 0 : index
    %swap3A_23 = arith.constant 0 : index
    %swap3A_24 = vector.load %arg3[%swap3A, %swap3A_23] : memref<640x64xf32, #tpu.memory_space<vmem>>, vector<640x64xf32>
    tpu.vector_store %arg3[%swap3A, %swap3A_23], %select_n3A {strides = array<i32>} : memref<640x64xf32, #tpu.memory_space<vmem>>, vector<640x64xf32>,
    return
  }
  func.func @transform_0(%arg0: i32) -> (i32, i32, i32) {
    %c0_i32 = arith.constant 0 : i32
    %c0_i32_0 = arith.constant 0 : i32
    %c0_i32_1 = arith.constant 0 : i32
    return %c0_i32, %arg0, %c0_i32_0 : i32, i32, i32
  }
  func.func @transform_1(%arg0: i32) -> (i32, i32) {
    %c0_i32 = arith.constant 0 : i32
    %c0_i32_0 = arith.constant 0 : i32
    %c0_i32_1 = arith.constant 0 : i32
    return %c0_i32, %c0_i32_0 : i32, i32
  }
  func.func @transform_2(%arg0: i32) -> (i32, i32) {
    %c0_i32 = arith.constant 0 : i32
    %c0_i32_0 = arith.constant 0 : i32
    return %arg0, %c0_i32 : i32, i32
  }
}

module attributes {stable_mosaic.version = 14 : i64} {
  func.func @_mm_relu_body(%arg0: i32, %arg1: memref<2x640x64xf32, #tpu.memory_space<vmem>>, %arg2: memref<64x64xf32, #tpu.memory_space<vmem>>, %arg3: memref<1x64xf32, #tpu.memory_space<vmem>>, %arg4: memref<640x64xf32, #tpu.memory_space<vmem>>) attributes {dimension_semantics = [#tpu.dimension_semantics<arbitrary>], iteration_bounds = array<i64: 16>, scalar_prefetch = 0 : i64, scratch_operands = 0 : i64, tpu.core_type = #tpu.core_type<tc>, window_params = [{transform_indices = @transform_0, window_bounds = array<i64: 2, 640, 64>}, {pipeline_mode = #tpu.pipeline_mode<synchronous>, transform_indices = @transform_1, window_bounds = array<i64: 64, 64>}, {pipeline_mode = #tpu.pipeline_mode<synchronous>, transform_indices = @transform_2, window_bounds = array<i64: 1, 64>}, {transform_indices = @transform_3, window_bounds = array<i64: 640, 64>}]} {
    %get3A = arith.constant 0 : index
    %get3A_0 = arith.constant 0 : index
    %get3A_1 = arith.constant 0 : index
    %get3A_2 = vector.load %arg1[%get3A, %get3A_0, %get3A_1] : memref<2x640x64xf32, #tpu.memory_space<vmem>>, vector<1x640x64xf32>
    %get3A_3 = vector.shape_cast %get3A_2 : vector<1x640x64xf32> to vector<640x64xf32>
    %get3A_4 = arith.constant 1 : index
    %get3A_5 = arith.constant 0 : index
    %get3A_6 = arith.constant 0 : index
    %get3A_7 = vector.load %arg1[%get3A_4, %get3A_5, %get3A_6] : memref<2x640x64xf32, #tpu.memory_space<vmem>>, vector<1x640x64xf32>
    %get3A_8 = vector.shape_cast %get3A_7 : vector<1x640x64xf32> to vector<640x64xf32>
    %add3A = arith.addf %get3A_3, %get3A_8 : vector<640x64xf32>
    %get3A_9 = arith.constant 0 : index
    %get3A_10 = arith.constant 0 : index
    %get3A_11 = vector.load %arg2[%get3A_9, %get3A_10] : memref<64x64xf32, #tpu.memory_space<vmem>>, vector<64x64xf32>
    %dot_general3A = arith.constant dense<0.000000e+00> : vector<640x64xf32>
    %dot_general3A_12 = tpu.matmul %add3A, %get3A_11, %dot_general3A {dimension_numbers = #tpu.dot_dimension_numbers<[1], [0], [0], [1], [0, 0, 1, 1], [], []>, transpose_lhs_hint = false} : vector<640x64xf32>, vector<64x64xf32>, vector<640x64xf32> -> vector<640x64xf32>
    %get3A_13 = arith.constant 0 : index
    %get3A_14 = arith.constant 0 : index
    %get3A_15 = vector.load %arg3[%get3A_13, %get3A_14] : memref<1x64xf32, #tpu.memory_space<vmem>>, vector<1x64xf32>
    %add3A_16 = vector.broadcast %get3A_15 : vector<1x64xf32> to vector<640x64xf32>
    %add3A_17 = arith.addf %dot_general3A_12, %add3A_16 : vector<640x64xf32>
    %max3A = arith.constant 0.000000e+00 : f32
    %max3A_18 = vector.broadcast %max3A : f32 to vector<640x64xf32>
    %max3A_19 = arith.maximumf %add3A_17, %max3A_18 : vector<640x64xf32>
    %mul3A = arith.constant 640 : i32
    %mul3A_20 = arith.muli %arg0, %mul3A : i32
    %iota3A = tpu.iota {dimensions = array<i32: 0>} : vector<640x1xi32>
    %add3A_21 = vector.broadcast %mul3A_20 : i32 to vector<640x1xi32>
    %add3A_22 = arith.addi %add3A_21, %iota3A : vector<640x1xi32>
    %lt3A = arith.constant 10000 : i32
    %lt3A_23 = vector.broadcast %lt3A : i32 to vector<640x1xi32>
    %lt3A_24 = arith.cmpi slt, %add3A_22, %lt3A_23 : vector<640x1xi32>
    %jit3A = arith.constant 0.000000e+00 : f32
    %broadcast_in_dim3A = vector.shape_cast %lt3A_24 : vector<640x1xi1> to vector<640x1xi1>
    %broadcast_in_dim3A_25 = vector.broadcast %broadcast_in_dim3A : vector<640x1xi1> to vector<640x64xi1>
    %broadcast_in_dim3A_26 = vector.broadcast %jit3A : f32 to vector<640x64xf32>
    %select_n3A = arith.select %broadcast_in_dim3A_25, %max3A_19, %broadcast_in_dim3A_26 : vector<640x64xi1>, vector<640x64xf32>
    %swap3A = arith.constant 0 : index
    %swap3A_27 = arith.constant 0 : index
    %swap3A_28 = vector.load %arg4[%swap3A, %swap3A_27] : memref<640x64xf32, #tpu.memory_space<vmem>>, vector<640x64xf32>
    tpu.vector_store %arg4[%swap3A, %swap3A_27], %select_n3A {strides = array<i32>} : memref<640x64xf32, #tpu.memory_space<vmem>>, vector<640x64xf32>,
    return
  }
  func.func @transform_0(%arg0: i32) -> (i32, i32, i32) {
    %c0_i32 = arith.constant 0 : i32
    %c0_i32_0 = arith.constant 0 : i32
    %c0_i32_1 = arith.constant 0 : i32
    return %c0_i32, %arg0, %c0_i32_0 : i32, i32, i32
  }
  func.func @transform_1(%arg0: i32) -> (i32, i32) {
    %c0_i32 = arith.constant 0 : i32
    %c0_i32_0 = arith.constant 0 : i32
    %c0_i32_1 = arith.constant 0 : i32
    return %c0_i32, %c0_i32_0 : i32, i32
  }
  func.func @transform_2(%arg0: i32) -> (i32, i32) {
    %c0_i32 = arith.constant 0 : i32
    %c0_i32_0 = arith.constant 0 : i32
    %c0_i32_1 = arith.constant 0 : i32
    return %c0_i32, %c0_i32_0 : i32, i32
  }
  func.func @transform_3(%arg0: i32) -> (i32, i32) {
    %c0_i32 = arith.constant 0 : i32
    %c0_i32_0 = arith.constant 0 : i32
    return %arg0, %c0_i32 : i32, i32
  }
}

module attributes {stable_mosaic.version = 14 : i64} {
  func.func @_dual_mm_relu_body(%arg0: i32, %arg1: memref<2x640x64xf32, #tpu.memory_space<vmem>>, %arg2: memref<64x64xf32, #tpu.memory_space<vmem>>, %arg3: memref<1x64xf32, #tpu.memory_space<vmem>>, %arg4: memref<64x64xf32, #tpu.memory_space<vmem>>, %arg5: memref<1x64xf32, #tpu.memory_space<vmem>>, %arg6: memref<640x64xf32, #tpu.memory_space<vmem>>, %arg7: memref<640x64xf32, #tpu.memory_space<vmem>>) attributes {dimension_semantics = [#tpu.dimension_semantics<arbitrary>], iteration_bounds = array<i64: 16>, scalar_prefetch = 0 : i64, scratch_operands = 0 : i64, tpu.core_type = #tpu.core_type<tc>, window_params = [{transform_indices = @transform_0, window_bounds = array<i64: 2, 640, 64>}, {pipeline_mode = #tpu.pipeline_mode<synchronous>, transform_indices = @transform_1, window_bounds = array<i64: 64, 64>}, {pipeline_mode = #tpu.pipeline_mode<synchronous>, transform_indices = @transform_2, window_bounds = array<i64: 1, 64>}, {pipeline_mode = #tpu.pipeline_mode<synchronous>, transform_indices = @transform_3, window_bounds = array<i64: 64, 64>}, {pipeline_mode = #tpu.pipeline_mode<synchronous>, transform_indices = @transform_4, window_bounds = array<i64: 1, 64>}, {transform_indices = @transform_5, window_bounds = array<i64: 640, 64>}, {transform_indices = @transform_6, window_bounds = array<i64: 640, 64>}]} {
    %get3A = arith.constant 0 : index
    %get3A_0 = arith.constant 0 : index
    %get3A_1 = arith.constant 0 : index
    %get3A_2 = vector.load %arg1[%get3A, %get3A_0, %get3A_1] : memref<2x640x64xf32, #tpu.memory_space<vmem>>, vector<1x640x64xf32>
    %get3A_3 = vector.shape_cast %get3A_2 : vector<1x640x64xf32> to vector<640x64xf32>
    %get3A_4 = arith.constant 1 : index
    %get3A_5 = arith.constant 0 : index
    %get3A_6 = arith.constant 0 : index
    %get3A_7 = vector.load %arg1[%get3A_4, %get3A_5, %get3A_6] : memref<2x640x64xf32, #tpu.memory_space<vmem>>, vector<1x640x64xf32>
    %get3A_8 = vector.shape_cast %get3A_7 : vector<1x640x64xf32> to vector<640x64xf32>
    %add3A = arith.addf %get3A_3, %get3A_8 : vector<640x64xf32>
    %get3A_9 = arith.constant 0 : index
    %get3A_10 = arith.constant 0 : index
    %get3A_11 = vector.load %arg2[%get3A_9, %get3A_10] : memref<64x64xf32, #tpu.memory_space<vmem>>, vector<64x64xf32>
    %dot_general3A = arith.constant dense<0.000000e+00> : vector<640x64xf32>
    %dot_general3A_12 = tpu.matmul %add3A, %get3A_11, %dot_general3A {dimension_numbers = #tpu.dot_dimension_numbers<[1], [0], [0], [1], [0, 0, 1, 1], [], []>, transpose_lhs_hint = false} : vector<640x64xf32>, vector<64x64xf32>, vector<640x64xf32> -> vector<640x64xf32>
    %get3A_13 = arith.constant 0 : index
    %get3A_14 = arith.constant 0 : index
    %get3A_15 = vector.load %arg3[%get3A_13, %get3A_14] : memref<1x64xf32, #tpu.memory_space<vmem>>, vector<1x64xf32>
    %add3A_16 = vector.broadcast %get3A_15 : vector<1x64xf32> to vector<640x64xf32>
    %add3A_17 = arith.addf %dot_general3A_12, %add3A_16 : vector<640x64xf32>
    %max3A = arith.constant 0.000000e+00 : f32
    %max3A_18 = vector.broadcast %max3A : f32 to vector<640x64xf32>
    %max3A_19 = arith.maximumf %add3A_17, %max3A_18 : vector<640x64xf32>
    %get3A_20 = arith.constant 0 : index
    %get3A_21 = arith.constant 0 : index
    %get3A_22 = vector.load %arg4[%get3A_20, %get3A_21] : memref<64x64xf32, #tpu.memory_space<vmem>>, vector<64x64xf32>
    %dot_general3A_23 = arith.constant dense<0.000000e+00> : vector<640x64xf32>
    %dot_general3A_24 = tpu.matmul %add3A, %get3A_22, %dot_general3A_23 {dimension_numbers = #tpu.dot_dimension_numbers<[1], [0], [0], [1], [0, 0, 1, 1], [], []>, transpose_lhs_hint = false} : vector<640x64xf32>, vector<64x64xf32>, vector<640x64xf32> -> vector<640x64xf32>
    %get3A_25 = arith.constant 0 : index
    %get3A_26 = arith.constant 0 : index
    %get3A_27 = vector.load %arg5[%get3A_25, %get3A_26] : memref<1x64xf32, #tpu.memory_space<vmem>>, vector<1x64xf32>
    %add3A_28 = vector.broadcast %get3A_27 : vector<1x64xf32> to vector<640x64xf32>
    %add3A_29 = arith.addf %dot_general3A_24, %add3A_28 : vector<640x64xf32>
    %max3A_30 = arith.constant 0.000000e+00 : f32
    %max3A_31 = vector.broadcast %max3A_30 : f32 to vector<640x64xf32>
    %max3A_32 = arith.maximumf %add3A_29, %max3A_31 : vector<640x64xf32>
    %mul3A = arith.constant 640 : i32
    %mul3A_33 = arith.muli %arg0, %mul3A : i32
    %iota3A = tpu.iota {dimensions = array<i32: 0>} : vector<640x1xi32>
    %add3A_34 = vector.broadcast %mul3A_33 : i32 to vector<640x1xi32>
    %add3A_35 = arith.addi %add3A_34, %iota3A : vector<640x1xi32>
    %lt3A = arith.constant 10000 : i32
    %lt3A_36 = vector.broadcast %lt3A : i32 to vector<640x1xi32>
    %lt3A_37 = arith.cmpi slt, %add3A_35, %lt3A_36 : vector<640x1xi32>
    %jit3A = arith.constant 0.000000e+00 : f32
    %broadcast_in_dim3A = vector.shape_cast %lt3A_37 : vector<640x1xi1> to vector<640x1xi1>
    %broadcast_in_dim3A_38 = vector.broadcast %broadcast_in_dim3A : vector<640x1xi1> to vector<640x64xi1>
    %broadcast_in_dim3A_39 = vector.broadcast %jit3A : f32 to vector<640x64xf32>
    %select_n3A = arith.select %broadcast_in_dim3A_38, %max3A_19, %broadcast_in_dim3A_39 : vector<640x64xi1>, vector<640x64xf32>
    %swap3A = arith.constant 0 : index
    %swap3A_40 = arith.constant 0 : index
    %swap3A_41 = vector.load %arg6[%swap3A, %swap3A_40] : memref<640x64xf32, #tpu.memory_space<vmem>>, vector<640x64xf32>
    tpu.vector_store %arg6[%swap3A, %swap3A_40], %select_n3A {strides = array<i32>} : memref<640x64xf32, #tpu.memory_space<vmem>>, vector<640x64xf32>,
    %mul3A_42 = arith.constant 640 : i32
    %mul3A_43 = arith.muli %arg0, %mul3A_42 : i32
    %iota3A_44 = tpu.iota {dimensions = array<i32: 0>} : vector<640x1xi32>
    %add3A_45 = vector.broadcast %mul3A_43 : i32 to vector<640x1xi32>
    %add3A_46 = arith.addi %add3A_45, %iota3A_44 : vector<640x1xi32>
    %lt3A_47 = arith.constant 10000 : i32
    %lt3A_48 = vector.broadcast %lt3A_47 : i32 to vector<640x1xi32>
    %lt3A_49 = arith.cmpi slt, %add3A_46, %lt3A_48 : vector<640x1xi32>
    %jit3A_50 = arith.constant 0.000000e+00 : f32
    %broadcast_in_dim3A_51 = vector.shape_cast %lt3A_49 : vector<640x1xi1> to vector<640x1xi1>
    %broadcast_in_dim3A_52 = vector.broadcast %broadcast_in_dim3A_51 : vector<640x1xi1> to vector<640x64xi1>
    %broadcast_in_dim3A_53 = vector.broadcast %jit3A_50 : f32 to vector<640x64xf32>
    %select_n3A_54 = arith.select %broadcast_in_dim3A_52, %max3A_32, %broadcast_in_dim3A_53 : vector<640x64xi1>, vector<640x64xf32>
    %swap3A_55 = arith.constant 0 : index
    %swap3A_56 = arith.constant 0 : index
    %swap3A_57 = vector.load %arg7[%swap3A_55, %swap3A_56] : memref<640x64xf32, #tpu.memory_space<vmem>>, vector<640x64xf32>
    tpu.vector_store %arg7[%swap3A_55, %swap3A_56], %select_n3A_54 {strides = array<i32>} : memref<640x64xf32, #tpu.memory_space<vmem>>, vector<640x64xf32>,
    return
  }
  func.func @transform_0(%arg0: i32) -> (i32, i32, i32) {
    %c0_i32 = arith.constant 0 : i32
    %c0_i32_0 = arith.constant 0 : i32
    %c0_i32_1 = arith.constant 0 : i32
    return %c0_i32, %arg0, %c0_i32_0 : i32, i32, i32
  }
  func.func @transform_1(%arg0: i32) -> (i32, i32) {
    %c0_i32 = arith.constant 0 : i32
    %c0_i32_0 = arith.constant 0 : i32
    %c0_i32_1 = arith.constant 0 : i32
    return %c0_i32, %c0_i32_0 : i32, i32
  }
  func.func @transform_2(%arg0: i32) -> (i32, i32) {
    %c0_i32 = arith.constant 0 : i32
    %c0_i32_0 = arith.constant 0 : i32
    %c0_i32_1 = arith.constant 0 : i32
    return %c0_i32, %c0_i32_0 : i32, i32
  }
  func.func @transform_3(%arg0: i32) -> (i32, i32) {
    %c0_i32 = arith.constant 0 : i32
    %c0_i32_0 = arith.constant 0 : i32
    %c0_i32_1 = arith.constant 0 : i32
    return %c0_i32, %c0_i32_0 : i32, i32
  }
  func.func @transform_4(%arg0: i32) -> (i32, i32) {
    %c0_i32 = arith.constant 0 : i32
    %c0_i32_0 = arith.constant 0 : i32
    %c0_i32_1 = arith.constant 0 : i32
    return %c0_i32, %c0_i32_0 : i32, i32
  }
  func.func @transform_5(%arg0: i32) -> (i32, i32) {
    %c0_i32 = arith.constant 0 : i32
    %c0_i32_0 = arith.constant 0 : i32
    return %arg0, %c0_i32 : i32, i32
  }
  func.func @transform_6(%arg0: i32) -> (i32, i32) {
    %c0_i32 = arith.constant 0 : i32
    %c0_i32_0 = arith.constant 0 : i32
    return %arg0, %c0_i32 : i32, i32
  }
}

module attributes {stable_mosaic.version = 14 : i64} {
  func.func @_struct_body(%arg0: i32, %arg1: i32, %arg2: memref<1024x64xf32, #tpu.memory_space<vmem>>, %arg3: memref<1024x64xf32, #tpu.memory_space<vmem>>, %arg4: memref<1024x1024xf32, #tpu.memory_space<vmem>>) attributes {dimension_semantics = [#tpu.dimension_semantics<arbitrary>, #tpu.dimension_semantics<arbitrary>], iteration_bounds = array<i64: 10, 10>, scalar_prefetch = 0 : i64, scratch_operands = 0 : i64, tpu.core_type = #tpu.core_type<tc>, window_params = [{transform_indices = @transform_0, window_bounds = array<i64: 1024, 64>}, {transform_indices = @transform_1, window_bounds = array<i64: 1024, 64>}, {transform_indices = @transform_2, window_bounds = array<i64: 1024, 1024>}]} {
    %get3A = arith.constant 0 : index
    %get3A_0 = arith.constant 0 : index
    %get3A_1 = vector.load %arg2[%get3A, %get3A_0] : memref<1024x64xf32, #tpu.memory_space<vmem>>, vector<1024x64xf32>
    %get3A_2 = arith.constant 0 : index
    %get3A_3 = arith.constant 0 : index
    %get3A_4 = vector.load %arg3[%get3A_2, %get3A_3] : memref<1024x64xf32, #tpu.memory_space<vmem>>, vector<1024x64xf32>
    %dot_general3A = arith.constant dense<0.000000e+00> : vector<1024x1024xf32>
    %dot_general3A_5 = tpu.matmul %get3A_1, %get3A_4, %dot_general3A {dimension_numbers = #tpu.dot_dimension_numbers<[1], [1], [0], [0], [0, 0, 1, 0], [], []>, transpose_lhs_hint = false} : vector<1024x64xf32>, vector<1024x64xf32>, vector<1024x1024xf32> -> vector<1024x1024xf32>
    %swap3A = arith.constant 0 : index
    %swap3A_6 = arith.constant 0 : index
    %swap3A_7 = vector.load %arg4[%swap3A, %swap3A_6] : memref<1024x1024xf32, #tpu.memory_space<vmem>>, vector<1024x1024xf32>
    tpu.vector_store %arg4[%swap3A, %swap3A_6], %dot_general3A_5 {strides = array<i32>} : memref<1024x1024xf32, #tpu.memory_space<vmem>>, vector<1024x1024xf32>,
    return
  }
  func.func @transform_0(%arg0: i32, %arg1: i32) -> (i32, i32) {
    %c0_i32 = arith.constant 0 : i32
    %c0_i32_0 = arith.constant 0 : i32
    return %arg0, %c0_i32 : i32, i32
  }
  func.func @transform_1(%arg0: i32, %arg1: i32) -> (i32, i32) {
    %c0_i32 = arith.constant 0 : i32
    %c0_i32_0 = arith.constant 0 : i32
    return %arg1, %c0_i32 : i32, i32
  }
  func.func @transform_2(%arg0: i32, %arg1: i32) -> (i32, i32) {
    %c0_i32 = arith.constant 0 : i32
    return %arg0, %arg1 : i32, i32
  }
}

module attributes {stable_mosaic.version = 14 : i64} {
  func.func @_out_proj_body(%arg0: i32, %arg1: memref<2x400x64xf32, #tpu.memory_space<vmem>>, %arg2: memref<64x256xf32, #tpu.memory_space<vmem>>, %arg3: memref<1x256xf32, #tpu.memory_space<vmem>>, %arg4: memref<400x256xf32, #tpu.memory_space<vmem>>) attributes {dimension_semantics = [#tpu.dimension_semantics<arbitrary>], iteration_bounds = array<i64: 25>, scalar_prefetch = 0 : i64, scratch_operands = 0 : i64, tpu.core_type = #tpu.core_type<tc>, window_params = [{transform_indices = @transform_0, window_bounds = array<i64: 2, 400, 64>}, {pipeline_mode = #tpu.pipeline_mode<synchronous>, transform_indices = @transform_1, window_bounds = array<i64: 64, 256>}, {pipeline_mode = #tpu.pipeline_mode<synchronous>, transform_indices = @transform_2, window_bounds = array<i64: 1, 256>}, {transform_indices = @transform_3, window_bounds = array<i64: 400, 256>}]} {
    %get3A = arith.constant 0 : index
    %get3A_0 = arith.constant 0 : index
    %get3A_1 = arith.constant 0 : index
    %get3A_2 = vector.load %arg1[%get3A, %get3A_0, %get3A_1] : memref<2x400x64xf32, #tpu.memory_space<vmem>>, vector<1x400x64xf32>
    %get3A_3 = vector.shape_cast %get3A_2 : vector<1x400x64xf32> to vector<400x64xf32>
    %get3A_4 = arith.constant 1 : index
    %get3A_5 = arith.constant 0 : index
    %get3A_6 = arith.constant 0 : index
    %get3A_7 = vector.load %arg1[%get3A_4, %get3A_5, %get3A_6] : memref<2x400x64xf32, #tpu.memory_space<vmem>>, vector<1x400x64xf32>
    %get3A_8 = vector.shape_cast %get3A_7 : vector<1x400x64xf32> to vector<400x64xf32>
    %add3A = arith.addf %get3A_3, %get3A_8 : vector<400x64xf32>
    %get3A_9 = arith.constant 0 : index
    %get3A_10 = arith.constant 0 : index
    %get3A_11 = vector.load %arg2[%get3A_9, %get3A_10] : memref<64x256xf32, #tpu.memory_space<vmem>>, vector<64x256xf32>
    %dot_general3A = arith.constant dense<0.000000e+00> : vector<400x256xf32>
    %dot_general3A_12 = tpu.matmul %add3A, %get3A_11, %dot_general3A {dimension_numbers = #tpu.dot_dimension_numbers<[1], [0], [0], [1], [0, 0, 1, 1], [], []>, transpose_lhs_hint = false} : vector<400x64xf32>, vector<64x256xf32>, vector<400x256xf32> -> vector<400x256xf32>
    %get3A_13 = arith.constant 0 : index
    %get3A_14 = arith.constant 0 : index
    %get3A_15 = vector.load %arg3[%get3A_13, %get3A_14] : memref<1x256xf32, #tpu.memory_space<vmem>>, vector<1x256xf32>
    %add3A_16 = vector.broadcast %get3A_15 : vector<1x256xf32> to vector<400x256xf32>
    %add3A_17 = arith.addf %dot_general3A_12, %add3A_16 : vector<400x256xf32>
    %max3A = arith.constant 0.000000e+00 : f32
    %max3A_18 = vector.broadcast %max3A : f32 to vector<400x256xf32>
    %max3A_19 = arith.maximumf %add3A_17, %max3A_18 : vector<400x256xf32>
    %swap3A = arith.constant 0 : index
    %swap3A_20 = arith.constant 0 : index
    %swap3A_21 = vector.load %arg4[%swap3A, %swap3A_20] : memref<400x256xf32, #tpu.memory_space<vmem>>, vector<400x256xf32>
    tpu.vector_store %arg4[%swap3A, %swap3A_20], %max3A_19 {strides = array<i32>} : memref<400x256xf32, #tpu.memory_space<vmem>>, vector<400x256xf32>,
    return
  }
  func.func @transform_0(%arg0: i32) -> (i32, i32, i32) {
    %c0_i32 = arith.constant 0 : i32
    %c0_i32_0 = arith.constant 0 : i32
    %c0_i32_1 = arith.constant 0 : i32
    return %c0_i32, %arg0, %c0_i32_0 : i32, i32, i32
  }
  func.func @transform_1(%arg0: i32) -> (i32, i32) {
    %c0_i32 = arith.constant 0 : i32
    %c0_i32_0 = arith.constant 0 : i32
    %c0_i32_1 = arith.constant 0 : i32
    return %c0_i32, %c0_i32_0 : i32, i32
  }
  func.func @transform_2(%arg0: i32) -> (i32, i32) {
    %c0_i32 = arith.constant 0 : i32
    %c0_i32_0 = arith.constant 0 : i32
    %c0_i32_1 = arith.constant 0 : i32
    return %c0_i32, %c0_i32_0 : i32, i32
  }
  func.func @transform_3(%arg0: i32) -> (i32, i32) {
    %c0_i32 = arith.constant 0 : i32
    %c0_i32_0 = arith.constant 0 : i32
    return %arg0, %c0_i32 : i32, i32
  }
}

</mosaic_0001>

<sc_bundles>
// kernel: kernel.12.cloned.1.call-start
scs
__scs_entry_jumppad:
0x0: {  	(pc) =	sbr.rel $0x88, $3  }
0x1: {  	(tag) =	ssettag $0x0;
	lr =	simm.s32 $0x1  }
0x2: {  	[smem:$0x3F95] =	sst lr;
	_ =	strace $0xD0000000  }
0x3: {  	_ = 	snop  }
0x4: {  	_ = 	snop  }
0x5: {  	_ = 	snop  }
0x6: {  	_ = 	snop  }
0x7: {  	_ = 	snop  }
__scs_overlays_trampoline_lowered:
0x8: {  	[smem:$0x3FA4] =	sst s0  }
0x9: {  	[smem:$0x3FA5] =	sst s1  }
0xa: {  	[smem:$0x3FA6] =	sst s2  }
0xb: {  	[smem:$0x3FA7] =	sst s3  }
0xc: {  	[smem:$0x3FA8] =	sst s4  }
0xd: {  	[smem:$0x3FA9] =	sst s5  }
0xe: {  	[smem:$0x3FAA] =	sst s6  }
0xf: {  	[smem:$0x3FAB] =	sst s7  }
0x10: {  	[smem:$0x3FAC] =	sst s8  }
0x11: {  	[smem:$0x3FAD] =	sst s9;
	s0 =	simm.s32 @!p0 $0x0  }
0x12: {  	s1 =	sld [smem:$0x3F93];
	s0 =	simm.s32 @p0 $0x1  }
0x13: {  	[smem:$0x3FAE] =	sst s0;
	s0 =	simm.s32 @!p1 $0x0  }
0x14: {  	s2 =	sld [smem:$0x3F92];
	s0 =	simm.s32 @p1 $0x1  }
0x15: {  	[smem:$0x3FAF] =	sst s0;
	s0 =	simm.s32 @!p2 $0x0  }
0x16: {  	s3 =	sld [smem:$0x3FDB];
	s0 =	simm.s32 @p2 $0x1  }
0x17: {  	s4 =	simm.s32 $0x1BF5;
	[smem:$0x3FB1] =	sst s0  }
0x18: {  	s0 =	sld [smem:$0x3F94];
	_ =	swait.ge [sflag:s4], $0x0  }
0x19: {  	s7 =	sld [smem:$0x3F95]  }
0x1a: {  	s8 =	sadd.s32 $0xFFFFE003, lr  }
0x1b: {  	s9 =	sadd.s32 $0xFFFFFEF7, lr;
	s5 =	simm.s32 $0xFFFFFFFF;
	p2 =	slt.u32 s8, $0xFFFFF086  }
0x1c: {  	p1 =	slt.u32 s9, $0xF7A;
	s5 =	simm.s32 @!p2 $0x0  }
0x1d: {  	s5 =	simm.s32 @p1 $0x1;
	p0 =	seq.s32 s7, s2  }
0x1e: {  	s7 =	smul.u32 @!p0 $0xF7A, s2;
	p2 =	seq.s32 @!p0 s5, $0x0  }
0x1f: {  	s9 =	smul.u32 $0xF7A, s1;
	s8 =	simm.s32 @!p0 $0x1BF5;
	p2 =	por !p2, p0  }
0x20: {  	[sflag:s8] =	ssyncset.s32 @!p0 $0xFFFFF086;
	s6 =	sadd.s32 @!p0 s3, s7;
	s7 =	simm.s32 @!p0 $0x108  }
0x21: {  	s3 =	sadd.s32 s3, s9;
	s6 =	sadd.s32 @!p0 $0x88, s6;
	s7 =	simm.s32 @p2 $0x1082  }
0x22: {  	[simem:s7], [sflag:s8] =	dma.local @!p0 [hbm:s6], $0xF7A  }
0x23: {  	s9 =	sor.u32 $0xD0000000, s2;
	s6 =	simm.s32 $0x108;
	_ =	swait.ge @!p0 [sflag:s8], $0x0  }
0x24: {  	s3 =	sadd.s32 $0x88, s3;
	s6 =	simm.s32 @!p1 $0x1082;
	[sflag:s4] =	ssyncset.s32 $0xFFFFF086  }
0x25: {  	[simem:s6], [sflag:s4] =	dma.local [hbm:s3], $0xF7A  }
0x26: {  	[smem:$0x3F95] =	sst s1;
	(tag) =	ssettag s2;
	_ =	strace s9  }
0x27: {  	s1 =	sld [smem:$0x3FA5]  }
0x28: {  	s2 =	sld [smem:$0x3FA6]  }
0x29: {  	s4 =	sld [smem:$0x3FA8]  }
0x2a: {  	p0 =	seq.s32 s5, $0x0;
	s5 =	sld [smem:$0x3FA9]  }
0x2b: {  	s6 =	sld [smem:$0x3FAA]  }
0x2c: {  	s7 =	sld [smem:$0x3FAB]  }
0x2d: {  	s3 =	simm.s32 $0x108;
	s8 =	sld [smem:$0x3FAC]  }
0x2e: {  	s3 =	simm.s32 @!p0 $0x1082;
	s9 =	sld [smem:$0x3FAD]  }
0x2f: {  	lr =	sadd.s32 s0, s3;
	s0 =	sld [smem:$0x3FA4]  }
0x30: {  	s3 =	sld [smem:$0x3FA7]  }
0x31: {  	[smem:$0x3FB0] =	sst s10  }
0x32: {  	s10 =	sld [smem:$0x3FAE];
	_ =	sdelay $0x3  }
0x33: {  	p0 =	seq.s32 s10, $0x1;
	s10 =	sld [smem:$0x3FB0];
	_ =	sdelay $0x3  }
0x34: {  	[smem:$0x3FB0] =	sst s10  }
0x35: {  	s10 =	sld [smem:$0x3FAF];
	_ =	sdelay $0x3  }
0x36: {  	p1 =	seq.s32 s10, $0x1;
	s10 =	sld [smem:$0x3FB0];
	_ =	sdelay $0x3  }
0x37: {  	[smem:$0x3FB0] =	sst s10  }
0x38: {  	s10 =	sld [smem:$0x3FB1]  }
0x39: {  	_ = 	snop;
	(pc) =	sbr.ind lr, $3  }
0x3a: {  	_ = 	snop  }
0x3b: {  	_ = 	snop  }
0x3c: {  	p2 =	seq.s32 s10, $0x1;
	s10 =	sld [smem:$0x3FB0]  }
0x3d: {  	_ =	shalt  }
0x3e: {  	_ =	shalt  }
0x3f: {  	_ =	shalt  }
0x40: {  	_ =	shalt  }
0x41: {  	_ =	shalt  }
0x42: {  	_ =	shalt  }
0x43: {  	_ =	shalt  }
0x44: {  	_ =	shalt  }
0x45: {  	_ =	shalt  }
0x46: {  	_ =	shalt  }
0x47: {  	_ =	shalt  }
0x48: {  	_ =	shalt  }
0x49: {  	_ =	shalt  }
0x4a: {  	_ =	shalt  }
0x4b: {  	_ =	shalt  }
0x4c: {  	_ =	shalt  }
0x4d: {  	_ =	shalt  }
0x4e: {  	_ =	shalt  }
0x4f: {  	_ =	shalt  }
0x50: {  	_ =	shalt  }
0x51: {  	_ =	shalt  }
0x52: {  	_ =	shalt  }
0x53: {  	_ =	shalt  }
0x54: {  	_ =	shalt  }
0x55: {  	_ =	shalt  }
0x56: {  	_ =	shalt  }
0x57: {  	_ =	shalt  }
0x58: {  	_ =	shalt  }
0x59: {  	_ =	shalt  }
0x5a: {  	_ =	shalt  }
0x5b: {  	_ =	shalt  }
0x5c: {  	_ =	shalt  }
0x5d: {  	_ =	shalt  }
0x5e: {  	_ =	shalt  }
0x5f: {  	_ =	shalt  }
0x60: {  	_ =	shalt  }
0x61: {  	_ =	shalt  }
0x62: {  	_ =	shalt  }
0x63: {  	_ =	shalt  }
0x64: {  	_ =	shalt  }
0x65: {  	_ =	shalt  }
0x66: {  	_ =	shalt  }
0x67: {  	_ =	shalt  }
0x68: {  	_ =	shalt  }
0x69: {  	_ =	shalt  }
0x6a: {  	_ =	shalt  }
0x6b: {  	_ =	shalt  }
0x6c: {  	_ =	shalt  }
0x6d: {  	_ =	shalt  }
0x6e: {  	_ =	shalt  }
0x6f: {  	_ =	shalt  }
0x70: {  	_ =	shalt  }
0x71: {  	_ =	shalt  }
0x72: {  	_ =	shalt  }
0x73: {  	_ =	shalt  }
0x74: {  	_ =	shalt  }
0x75: {  	_ =	shalt  }
0x76: {  	_ =	shalt  }
0x77: {  	_ =	shalt  }
0x78: {  	_ =	shalt  }
0x79: {  	_ =	shalt  }
0x7a: {  	_ =	shalt  }
0x7b: {  	_ =	shalt  }
0x7c: {  	_ =	shalt  }
0x7d: {  	_ =	shalt  }
0x7e: {  	_ =	shalt  }
0x7f: {  	_ =	shalt  }
0x80: {  	_ =	shalt  }
0x81: {  	_ =	shalt  }
0x82: {  	_ =	shalt  }
0x83: {  	_ =	shalt  }
0x84: {  	_ =	shalt  }
0x85: {  	_ =	shalt  }
0x86: {  	_ =	shalt  }
0x87: {  	_ =	shalt  }
.Lfunc_end0:
.L_simem_size_0:
called_computation_lowered:
.L_overlay_start_0:
0x88: {  	s2 =	sld [smem:$0x3FD9]  }
0x89: {  	s3 =	sld [smem:$0x3FFE];
	_ =	sdelay $0x1  }
0x8a: {  	s1 =	srdreg.scid  }
0x8b: {  	s0 =	sand.u32 $0x1, s1  }
0x8c: {  	s14 =	sshll.u32 s0, $0xA;
	s2 =	sadd.s32 s3, s2  }
0x8d: {  	s2 =	sadd.s32 s2, s14  }
0x8e: {  	[smem:$0x3FBC] =	sst s2  }
0x8f: {  	_ = 	snop  }
0x90: {  	s2 =	sld [smem:$0x3FD0];
	_ =	sdelay $0x2  }
0x91: {  	s15 =	simm.s32 $0xA;
	s4 =	simm.s32 $0x10  }
0x92: {  	[smem:s4], [sflag:s15] =	dma.local [hbm:s2], $0x1  }
0x93: {  	_ =	swait.eq [sflag:s15], $0x1  }
0x94: {  	[sflag:s15] =	ssyncset.done $0x0  }
0x95: {  	s16 =	sld [smem:$0x10];
	[sflag:s15] =	ssyncadd.s32 $0xFFFFFFFF  }
0x96: {  	s17 =	sld [smem:$0x11];
	(tm) =	ssettm $0x1  }
0x97: {  	s18 =	sld [smem:$0x3FFB];
	_ =	sdelay $0x3  }
0x98: {  	_ =	strace s18  }
0x99: {  	s4 =	sld [smem:$0x3FFC];
	_ =	sdelay $0x3  }
0x9a: {  	_ =	strace s4  }
0x9b: {  	s4 =	sld [smem:$0x3FFD];
	_ =	sdelay $0x3  }
0x9c: {  	_ =	strace s4  }
0x9d: {  	_ =	strace $0x8FFFFFFF  }
0x9e: {  	s19 =	sld [smem:$0x3FDB];
	_ =	sdelay $0x1  }
0x9f: {  	s5 =	simm.s32 $_scs_section_size  }
0xa0: {  	s6 =	simm.s32 $_size__tile_overlayer_lowered;
	s7 =	simm.s32 $_tile_overlayer_lowered  }
0xa1: {  	s22 =	simm.s32 $0x1BFF;
	s21 =	sshll.u32 s7, $0x1;
	s4 =	sadd.s32 s5, s19  }
0xa2: {  	s8 =	simm.s32 $0x0;
	s20 =	sshll.u32 s6, $0x1;
	s6 =	sadd.s32 s21, s4  }
0xa3: {  	[timem:s8], [sflag:s22] =	dma.local [hbm:s6], s20  }
0xa4: {  	_ =	swait.ge [sflag:s22], s20  }
0xa5: {  	s5 =	ssub.s32 $0x0, s20;
	[sflag:s22] =	ssyncset.done $0x0  }
0xa6: {  	[sflag:s22] =	ssyncadd.s32 s5;
	_ =	sdelay $0x1  }
0xa7: {  	s23 =	simm.s32 $0x1B8B  }
0xa8: {  	_ =	swait.ge [sflag:s23], $0x1  }
0xa9: {  	[sflag:s23] =	ssyncset.done $0x0  }
0xaa: {  	s25 =	simm.s32 $0x1B8E;
	s24 =	sld [smem:$0x3FFE];
	[sflag:s23] =	ssyncadd.s32 $0xFFFFFFFF  }
0xab: {  	s26 =	simm.s32 $execute0_lowered;
	[smem:$0x3FD2] =	sst s25  }
0xac: {  	s6 =	sshll.u32 s26, $0x1;
	_ =	strace $0x80000046;
	[dreg:$0x1] =	wrdreg $0xFFFFFFFF  }
0xad: {  	s28 =	simm.s32 $_size_execute0_lowered;
	s4 =	sadd.s32 s4, s6;
	[dreg:$0x0] =	wrdreg $0x0  }
0xae: {  	s6 =	sshll.u32 s28, $0x1;
	[dreg:$0x2] =	wrdreg s4  }
0xaf: {  	[dreg:$0x3] =	wrdreg s6  }
0xb0: {  	[dreg:$0x4] =	wrdreg $0xC0  }
0xb1: {  	_ =	task [dreg:s8], $0x5FFFF  }
0xb2: {  	[dreg:$0x1] =	wrdreg $0xFFFFFFFF  }
0xb3: {  	[dreg:$0x0] =	wrdreg $0x60  }
0xb4: {  	[dreg:$0x2] =	wrdreg s16  }
0xb5: {  	[dreg:$0x3] =	wrdreg s24  }
0xb6: {  	[dreg:$0x4] =	wrdreg s17  }
0xb7: {  	[dreg:$0x5] =	wrdreg $0x90000  }
0xb8: {  	[dreg:$0x6] =	wrdreg $0x130000  }
0xb9: {  	[dreg:$0x7] =	wrdreg $0x9  }
0xba: {  	_ =	task.clear_ibuf [dreg:s8], $0x8FFFF;
	_ =	strace $0x90000046  }
0xbb: {  	s29 =	simm.s32 $0x9;
	_ =	strace $0x80000048  }
0xbc: {  	_ =	swait.ge [sflag:s29], $0x1  }
0xbd: {  	[sflag:s29] =	ssyncadd.s32 $0xFFFFFFFF  }
0xbe: {  	_ =	strace $0x90000048  }
0xbf: {  	_ =	sfence  }
0xc0: {  	s30 =	sld [smem:$0x0];
	_ =	sdelay $0x2  }
0xc1: {  	s31 =	sshll.u32 s1, $0xD;
	s1 =	sshrl.u32 s1, $0x2  }
0xc2: {  	s3 =	sand.u32 $0x4000, s31;
	s1 =	sadd.s32 s1, s30  }
0xc3: {  	s0 =	sor.u32 s3, s0;
	s1 =	sshll.u32 s1, $0x11  }
0xc4: {  	s0 =	sor.u32 s1, s0  }
0xc5: {  	s0 =	sadd.s32 $0x8F2B, s0  }
0xc6: {  	[sflag:s0] =	ssyncadd.remote.s32 $0x1  }
0xc7: {  	_ =	sfence.sel $0xFFFF  }
0xc8: {  	[dreg:$0x0] =	wrdreg $0xFFFFFFFF;
	(pc) =	sbr.abs _section_cstart, $3  }
0xc9: {  	[dreg:$0x1] =	wrdreg $0xFFFFFFFF  }
0xca: {  	_ =	task.clear_ibuf [dreg:s8], $0x2FFFF;
	_ =	strace $0x9FFFFFFF  }
0xcb: {  	(tm) =	ssettm $0x7FFFFFFF  }
tec
execute0_lowered:
.L_overlay_start_1:
0x0: {  	(tag) =	ssettag $0x1  }
0x1: {  	s7 =	rddreg [dreg:$0x0]  }
0x2: {  	s5 =	rddreg [dreg:$0x1]  }
0x3: {  	s9 =	rddreg [dreg:$0x2]  }
0x4: {  	s2 =	rddreg [dreg:$0x3]  }
0x5: {  	s3 =	rddreg [dreg:$0x4]  }
0x6: {  	s0 =	stileid.u32;
	s6 =	srdreg.scid  }
0x7: {  	s1 =	rddreg [dreg:$0x5];
	s4 =	simm.s32 $0x0;
	s15 =	simm.s32 $0x2  }
0x8: {  	s16 =	simm.s32 $0x80;
	s17 =	simm.s32 $0x5000;
	s18 =	simm.s32 $0x7000  }
0x9: {  	s19 =	simm.s32 $0x3;
	s20 =	simm.s32 $0x4F00;
	s21 =	simm.s32 $0x4E80  }
0xa: {  	s22 =	simm.s32 $0x4F80;
	s24 =	simm.s32 $0x0;
	s8 =	smul.u32 $0x5000, s0  }
0xb: {  	s6 =	sand.u32 $0x1, s6;
	[smem:$0x7FF] =	sst s4;
	s11 =	smul.u32 $0xA000, s0  }
0xc: {  	s23 =	sshll.u32 s0, $0x6;
	p0 =	seq.s32 s6, $0x0;
	_ =	strace $0x80000047  }
0xd: {  	s30 =	ssub.s32 $0x2, s6;
	s13 =	smul.u32 $0xA0000, s6;
	s6 =	sor.u32 $0x1C01, s23  }
0xe: {  	s10 =	sadd.s32 $0x50000, s8;
	s12 =	sshrl.u32 s30, $0x1;
	s31 =	sadd.s32 s11, s2  }
0xf: {  	s14 =	sadd.s32 s11, s3;
	s10 =	smov.u32 @p0 s8;
	s13 =	sadd.s32 s11, s13  }
0x10: {  	s11 =	sshrl.u32 s11, $0x3;
	s8 =	sshrl.u32 s10, $0x3;
	s10 =	ssub.s32 s30, s12  }
0x11: {  	s13 =	sshrl.u32 s13, $0x3;
	s7 =	sadd.s32 s7, s11;
	s11 =	sshrl.u32 s31, $0x3  }
0x12: {  	s12 =	sor.u32 $0x1C02, s23;
	s23 =	sor.u32 $0x1C03, s23;
	s8 =	sadd.s32 s8, s5  }
0x13: {  	s5 =	sadd.s32 $0x16800, s5;
	s9 =	sadd.s32 s9, s13;
	s10 =	smax.u32 s10, $0x1  }
0x14: {  	s13 =	sshrl.u32 s14, $0x3;
	s14 =	simm.s32 $0x1;
	s8 =	sadd.s32 $0x2800, s8  }
.LBB2_1:
0x15: {  	[spmem:s11], [sflag:s6] =	dma.local [hbm:s5], $0x1400  }
0x16: {  	[spmem:s13], [sflag:s12] =	dma.local [hbm:s7], $0x1400  }
0x17: {  	[tilespmem:s4], [sflag:$0x1] =	stream.linear.gather [hbm4b:s8+s4], $0x5000, $0x38;
	[tilespmem:$0x1D000] =	vst v63  }
0x18: {  	_ =	swait.ge [sflag:s14], $0x1400  }
0x19: {  	[sflag:s14] =	ssyncset.done $0x0  }
0x1a: {  	[sflag:s14] =	ssyncadd.s32 $0xFFFFEC00  }
0x1b: {  	_ =	swait.ge [sflag:s15], $0x1400  }
0x1c: {  	[sflag:s15] =	ssyncset.done $0x0  }
0x1d: {  	[sflag:s15] =	ssyncadd.s32 $0xFFFFEC00  }
0x1e: {  	_ =	swait.ge [sflag:s14], $0x5000  }
0x1f: {  	[sflag:s14] =	ssyncset.done $0x0  }
0x20: {  	[sflag:s14] =	ssyncadd.s32 $0xFFFFB000  }
0x21: {  	[bflag:$0x0] =	sbarrier.arrive $0xFFFF  }
0x22: {  	[tilespmem:s17], [sflag:$0x1] =	stream.indirect.gather [spmem:s3], $0x40, s4, s16, $0xb8;
	[tilespmem:$0x1D000] =	vst v63  }
0x23: {  	s25 =	simm.s32 $0x100  }
0x24: {  	[tilespmem:s18], [sflag:$0x2] =	stream.indirect.gather [spmem:s3], $0x40, s25, s16, $0xb8;
	[tilespmem:$0x1D000] =	vst v63  }
0x25: {  	_ =	swait.ge [sflag:s14], $0x2000  }
0x26: {  	[sflag:s14] =	ssyncset.done $0x0  }
0x27: {  	s29 =	simm.s32 $0x80;
	[sflag:s14] =	ssyncadd.s32 $0xFFFFE000  }
0x28: {  	[spmem:s2] =	stream.indirect.scatter.add.f32 [tilespmem:s17], [sflag:$0x3], $0x40, s29, s16, $0xb8;
	[tilespmem:$0x1D000] =	vst v63  }
0x29: {  	_ =	swait.ge [sflag:s19], $0x2000  }
0x2a: {  	[sflag:s19] =	ssyncset.done $0x0  }
0x2b: {  	s30 =	simm.s32 $0x200;
	[sflag:s19] =	ssyncadd.s32 $0xFFFFE000  }
0x2c: {  	[tilespmem:s17], [sflag:$0x1] =	stream.indirect.gather [spmem:s3], $0x40, s30, s16, $0xb8;
	[tilespmem:$0x1D000] =	vst v63  }
0x2d: {  	_ =	swait.ge [sflag:s15], $0x2000  }
0x2e: {  	[sflag:s15] =	ssyncset.done $0x0  }
0x2f: {  	s31 =	simm.s32 $0x180;
	[sflag:s15] =	ssyncadd.s32 $0xFFFFE000  }
0x30: {  	[spmem:s2] =	stream.indirect.scatter.add.f32 [tilespmem:s18], [sflag:$0x3], $0x40, s31, s16, $0xb8;
	[tilespmem:$0x1D000] =	vst v63  }
0x31: {  	_ =	swait.ge [sflag:s19], $0x2000  }
0x32: {  	s26 =	simm.s32 $0xFFFED800;
	s25 =	simm.s32 $0xFFFFB400;
	[sflag:s19] =	ssyncset.done $0x0  }
.LBB2_2:
0x33: {  	s28 =	sadd.s32 $0x4F00, s25  }
0x34: {  	[sflag:s19] =	ssyncadd.s32 $0xFFFFE000;
	s29 =	smov.u32 s26;
	s30 =	sadd.s32 $0x800, s26  }
0x35: {  	[tilespmem:s18], [sflag:$0x2] =	stream.indirect.gather [spmem:s3], $0x40, s28, s16, $0xb8;
	[tilespmem:$0x1D000] =	vst v63  }
0x36: {  	p0 =	sne.s32 s26, $0xFFFFF800;
	_ =	swait.ge [sflag:s14], $0x2000  }
0x37: {  	[sflag:s14] =	ssyncset.done $0x0  }
0x38: {  	s26 =	sadd.s32 $0x4E80, s25;
	[sflag:s14] =	ssyncadd.s32 $0xFFFFE000  }
0x39: {  	[spmem:s2] =	stream.indirect.scatter.add.f32 [tilespmem:s17], [sflag:$0x3], $0x40, s26, s16, $0xb8;
	[tilespmem:$0x1D000] =	vst v63  }
0x3a: {  	_ =	swait.ge [sflag:s19], $0x2000  }
0x3b: {  	[sflag:s19] =	ssyncset.done $0x0  }
0x3c: {  	s26 =	sadd.s32 $0x5000, s25;
	[sflag:s19] =	ssyncadd.s32 $0xFFFFE000  }
0x3d: {  	[tilespmem:s17], [sflag:$0x1] =	stream.indirect.gather [spmem:s3], $0x40, s26, s16, $0xb8;
	[tilespmem:$0x1D000] =	vst v63  }
0x3e: {  	_ =	swait.ge [sflag:s15], $0x2000  }
.Ltmp0:
0x3f: {  	[sflag:s15] =	ssyncset.done $0x0;
	(pc) =	sbr.rel @p0 .LBB2_2-.Ltmp0, $4  }
0x40: {  	s25 =	sadd.s32 $0x4F80, s25;
	[sflag:s15] =	ssyncadd.s32 $0xFFFFE000  }
0x41: {  	[spmem:s2] =	stream.indirect.scatter.add.f32 [tilespmem:s18], [sflag:$0x3], $0x40, s25, s16, $0xb8;
	[tilespmem:$0x1D000] =	vst v63  }
0x42: {  	_ =	swait.ge [sflag:s19], $0x2000  }
0x43: {  	s26 =	smov.u32 s30;
	s25 =	sshra.s32 s29, $0x2;
	[sflag:s19] =	ssyncset.done $0x0  }
0x44: {  	s26 =	sadd.s32 $0x4F00, s25;
	[sflag:s19] =	ssyncadd.s32 $0xFFFFE000  }
0x45: {  	[tilespmem:s18], [sflag:$0x2] =	stream.indirect.gather [spmem:s3], $0x40, s26, s16, $0xb8;
	[tilespmem:$0x1D000] =	vst v63  }
0x46: {  	_ =	swait.ge [sflag:s14], $0x2000  }
0x47: {  	[sflag:s14] =	ssyncset.done $0x0  }
0x48: {  	s29 =	sadd.s32 $0x4E80, s25;
	[sflag:s14] =	ssyncadd.s32 $0xFFFFE000  }
0x49: {  	[spmem:s2] =	stream.indirect.scatter.add.f32 [tilespmem:s17], [sflag:$0x3], $0x40, s29, s16, $0xb8;
	[tilespmem:$0x1D000] =	vst v63  }
0x4a: {  	_ =	swait.ge [sflag:s19], $0x2000  }
0x4b: {  	[sflag:s19] =	ssyncset.done $0x0  }
0x4c: {  	s30 =	sadd.s32 $0x5000, s25;
	[sflag:s19] =	ssyncadd.s32 $0xFFFFE000  }
0x4d: {  	[tilespmem:s17], [sflag:$0x1] =	stream.indirect.gather [spmem:s3], $0x40, s30, s16, $0xb8;
	[tilespmem:$0x1D000] =	vst v63  }
0x4e: {  	_ =	swait.ge [sflag:s15], $0x2000  }
0x4f: {  	[sflag:s15] =	ssyncset.done $0x0  }
0x50: {  	s31 =	sadd.s32 $0x4F80, s25;
	[sflag:s15] =	ssyncadd.s32 $0xFFFFE000  }
0x51: {  	[spmem:s2] =	stream.indirect.scatter.add.f32 [tilespmem:s18], [sflag:$0x3], $0x40, s31, s16, $0xb8;
	[tilespmem:$0x1D000] =	vst v63  }
0x52: {  	_ =	swait.ge [sflag:s19], $0x2000  }
0x53: {  	[sflag:s19] =	ssyncset.done $0x0  }
0x54: {  	[sflag:s19] =	ssyncadd.s32 $0xFFFFE000  }
0x55: {  	[tilespmem:s18], [sflag:$0x2] =	stream.indirect.gather [spmem:s3], $0x40, s20, s16, $0xb8;
	[tilespmem:$0x1D000] =	vst v63  }
0x56: {  	_ =	swait.ge [sflag:s14], $0x2000  }
0x57: {  	[sflag:s14] =	ssyncset.done $0x0  }
0x58: {  	[sflag:s14] =	ssyncadd.s32 $0xFFFFE000  }
0x59: {  	[spmem:s2] =	stream.indirect.scatter.add.f32 [tilespmem:s17], [sflag:$0x3], $0x40, s21, s16, $0xb8;
	[tilespmem:$0x1D000] =	vst v63  }
0x5a: {  	_ =	swait.ge [sflag:s19], $0x2000  }
0x5b: {  	[sflag:s19] =	ssyncset.done $0x0  }
0x5c: {  	[sflag:s19] =	ssyncadd.s32 $0xFFFFE000  }
0x5d: {  	_ =	swait.ge [sflag:s15], $0x2000  }
0x5e: {  	[sflag:s15] =	ssyncset.done $0x0  }
0x5f: {  	[sflag:s15] =	ssyncadd.s32 $0xFFFFE000  }
0x60: {  	[spmem:s2] =	stream.indirect.scatter.add.f32 [tilespmem:s18], [sflag:$0x3], $0x40, s22, s16, $0xb8;
	[tilespmem:$0x1D000] =	vst v63  }
0x61: {  	_ =	swait.ge [sflag:s19], $0x2000  }
0x62: {  	s24 =	sadd.s32 $0x1, s24;
	[sflag:s19] =	ssyncset.done $0x0  }
0x63: {  	p0 =	sne.s32 s24, s10;
	[sflag:s19] =	ssyncadd.s32 $0xFFFFE000  }
.Ltmp1:
0x64: {  	[bflag:$0x0] =	sbarrier.arrive $0xFFFF;
	(pc) =	sbr.rel @p0 .LBB2_1-.Ltmp1, $4  }
0x65: {  	[hbm:s9], [sflag:s23] =	dma.local [spmem:s11], $0x1400  }
0x66: {  	_ =	swait.ge [sflag:s19], $0x1400  }
0x67: {  	[sflag:s19] =	ssyncset.done $0x0  }
0x68: {  	[sflag:s19] =	ssyncadd.s32 $0xFFFFEC00  }
0x69: {  	_ =	sfence.sel $0x180000  }
0x6a: {  	[bflag:$0x0] =	sbarrier.arrive $0xFFFF  }
0x6b: {  	p0 =	sne.s32 s0, $0x0;
	_ =	strace $0x90000047  }
0x6c: {  	s0 =	sadd.s32 @!p0 $0x100000, s1;
	[bflag:$0x2] =	sbarrier.arrive $0xFFFF  }
0x6d: {  	[sflag:s0] =	ssyncadd.tile.s32 @!p0 $0x1;
	_ =	shalt  }
.Lfunc_end2:
_tile_overlayer_lowered:
.L_overlay_start_2:
0x6e: {  	(tag) =	ssettag $0x2  }
0x6f: {  	s0 =	rddreg [dreg:$0x0];
	s2 =	stileid.u32  }
0x70: {  	s1 =	rddreg [dreg:$0x1];
	p0 =	sne.s32 s2, $0x0  }
0x71: {  	s3 =	rddreg [dreg:$0x2];
	[bflag:$0x3] =	sbarrier.arrive $0xFFFF;
	s2 =	simm.s32 @!p0 $0x1C03  }
0x72: {  	[timem:s3], [sflag:s2] =	dma.local @!p0 [hbm:s0], s1  }
0x73: {  	s0 =	simm.s32 @!p0 $0x3  }
0x74: {  	_ =	swait.ge @!p0 [sflag:s0], s1  }
0x75: {  	s1 =	ssub.s32 @!p0 $0x0, s1;
	[sflag:s0] =	ssyncset.done @!p0 $0x0  }
0x76: {  	[sflag:s0] =	ssyncadd.s32 @!p0 s1  }
0x77: {  	[bflag:$0x3] =	sbarrier.arrive $0xFFFF  }
0x78: {  	_ =	shalt  }

// kernel: kernel.15.cloned.1.call-start
scs
__scs_entry_jumppad:
0x0: {  	(pc) =	sbr.rel $0x88, $3  }
0x1: {  	(tag) =	ssettag $0x0;
	lr =	simm.s32 $0x1  }
0x2: {  	[smem:$0x3F95] =	sst lr;
	_ =	strace $0xD0000000  }
0x3: {  	_ = 	snop  }
0x4: {  	_ = 	snop  }
0x5: {  	_ = 	snop  }
0x6: {  	_ = 	snop  }
0x7: {  	_ = 	snop  }
__scs_overlays_trampoline_lowered:
0x8: {  	[smem:$0x3FA4] =	sst s0  }
0x9: {  	[smem:$0x3FA5] =	sst s1  }
0xa: {  	[smem:$0x3FA6] =	sst s2  }
0xb: {  	[smem:$0x3FA7] =	sst s3  }
0xc: {  	[smem:$0x3FA8] =	sst s4  }
0xd: {  	[smem:$0x3FA9] =	sst s5  }
0xe: {  	[smem:$0x3FAA] =	sst s6  }
0xf: {  	[smem:$0x3FAB] =	sst s7  }
0x10: {  	[smem:$0x3FAC] =	sst s8  }
0x11: {  	[smem:$0x3FAD] =	sst s9;
	s0 =	simm.s32 @!p0 $0x0  }
0x12: {  	s1 =	sld [smem:$0x3F93];
	s0 =	simm.s32 @p0 $0x1  }
0x13: {  	[smem:$0x3FAE] =	sst s0;
	s0 =	simm.s32 @!p1 $0x0  }
0x14: {  	s2 =	sld [smem:$0x3F92];
	s0 =	simm.s32 @p1 $0x1  }
0x15: {  	[smem:$0x3FAF] =	sst s0;
	s0 =	simm.s32 @!p2 $0x0  }
0x16: {  	s3 =	sld [smem:$0x3FDB];
	s0 =	simm.s32 @p2 $0x1  }
0x17: {  	s4 =	simm.s32 $0x1BF5;
	[smem:$0x3FB1] =	sst s0  }
0x18: {  	s0 =	sld [smem:$0x3F94];
	_ =	swait.ge [sflag:s4], $0x0  }
0x19: {  	s7 =	sld [smem:$0x3F95]  }
0x1a: {  	s8 =	sadd.s32 $0xFFFFE003, lr  }
0x1b: {  	s9 =	sadd.s32 $0xFFFFFEF7, lr;
	s5 =	simm.s32 $0xFFFFFFFF;
	p2 =	slt.u32 s8, $0xFFFFF086  }
0x1c: {  	p1 =	slt.u32 s9, $0xF7A;
	s5 =	simm.s32 @!p2 $0x0  }
0x1d: {  	s5 =	simm.s32 @p1 $0x1;
	p0 =	seq.s32 s7, s2  }
0x1e: {  	s7 =	smul.u32 @!p0 $0xF7A, s2;
	p2 =	seq.s32 @!p0 s5, $0x0  }
0x1f: {  	s9 =	smul.u32 $0xF7A, s1;
	s8 =	simm.s32 @!p0 $0x1BF5;
	p2 =	por !p2, p0  }
0x20: {  	[sflag:s8] =	ssyncset.s32 @!p0 $0xFFFFF086;
	s6 =	sadd.s32 @!p0 s3, s7;
	s7 =	simm.s32 @!p0 $0x108  }
0x21: {  	s3 =	sadd.s32 s3, s9;
	s6 =	sadd.s32 @!p0 $0x88, s6;
	s7 =	simm.s32 @p2 $0x1082  }
0x22: {  	[simem:s7], [sflag:s8] =	dma.local @!p0 [hbm:s6], $0xF7A  }
0x23: {  	s9 =	sor.u32 $0xD0000000, s2;
	s6 =	simm.s32 $0x108;
	_ =	swait.ge @!p0 [sflag:s8], $0x0  }
0x24: {  	s3 =	sadd.s32 $0x88, s3;
	s6 =	simm.s32 @!p1 $0x1082;
	[sflag:s4] =	ssyncset.s32 $0xFFFFF086  }
0x25: {  	[simem:s6], [sflag:s4] =	dma.local [hbm:s3], $0xF7A  }
0x26: {  	[smem:$0x3F95] =	sst s1;
	(tag) =	ssettag s2;
	_ =	strace s9  }
0x27: {  	s1 =	sld [smem:$0x3FA5]  }
0x28: {  	s2 =	sld [smem:$0x3FA6]  }
0x29: {  	s4 =	sld [smem:$0x3FA8]  }
0x2a: {  	p0 =	seq.s32 s5, $0x0;
	s5 =	sld [smem:$0x3FA9]  }
0x2b: {  	s6 =	sld [smem:$0x3FAA]  }
0x2c: {  	s7 =	sld [smem:$0x3FAB]  }
0x2d: {  	s3 =	simm.s32 $0x108;
	s8 =	sld [smem:$0x3FAC]  }
0x2e: {  	s3 =	simm.s32 @!p0 $0x1082;
	s9 =	sld [smem:$0x3FAD]  }
0x2f: {  	lr =	sadd.s32 s0, s3;
	s0 =	sld [smem:$0x3FA4]  }
0x30: {  	s3 =	sld [smem:$0x3FA7]  }
0x31: {  	[smem:$0x3FB0] =	sst s10  }
0x32: {  	s10 =	sld [smem:$0x3FAE];
	_ =	sdelay $0x3  }
0x33: {  	p0 =	seq.s32 s10, $0x1;
	s10 =	sld [smem:$0x3FB0];
	_ =	sdelay $0x3  }
0x34: {  	[smem:$0x3FB0] =	sst s10  }
0x35: {  	s10 =	sld [smem:$0x3FAF];
	_ =	sdelay $0x3  }
0x36: {  	p1 =	seq.s32 s10, $0x1;
	s10 =	sld [smem:$0x3FB0];
	_ =	sdelay $0x3  }
0x37: {  	[smem:$0x3FB0] =	sst s10  }
0x38: {  	s10 =	sld [smem:$0x3FB1]  }
0x39: {  	_ = 	snop;
	(pc) =	sbr.ind lr, $3  }
0x3a: {  	_ = 	snop  }
0x3b: {  	_ = 	snop  }
0x3c: {  	p2 =	seq.s32 s10, $0x1;
	s10 =	sld [smem:$0x3FB0]  }
0x3d: {  	_ =	shalt  }
0x3e: {  	_ =	shalt  }
0x3f: {  	_ =	shalt  }
0x40: {  	_ =	shalt  }
0x41: {  	_ =	shalt  }
0x42: {  	_ =	shalt  }
0x43: {  	_ =	shalt  }
0x44: {  	_ =	shalt  }
0x45: {  	_ =	shalt  }
0x46: {  	_ =	shalt  }
0x47: {  	_ =	shalt  }
0x48: {  	_ =	shalt  }
0x49: {  	_ =	shalt  }
0x4a: {  	_ =	shalt  }
0x4b: {  	_ =	shalt  }
0x4c: {  	_ =	shalt  }
0x4d: {  	_ =	shalt  }
0x4e: {  	_ =	shalt  }
0x4f: {  	_ =	shalt  }
0x50: {  	_ =	shalt  }
0x51: {  	_ =	shalt  }
0x52: {  	_ =	shalt  }
0x53: {  	_ =	shalt  }
0x54: {  	_ =	shalt  }
0x55: {  	_ =	shalt  }
0x56: {  	_ =	shalt  }
0x57: {  	_ =	shalt  }
0x58: {  	_ =	shalt  }
0x59: {  	_ =	shalt  }
0x5a: {  	_ =	shalt  }
0x5b: {  	_ =	shalt  }
0x5c: {  	_ =	shalt  }
0x5d: {  	_ =	shalt  }
0x5e: {  	_ =	shalt  }
0x5f: {  	_ =	shalt  }
0x60: {  	_ =	shalt  }
0x61: {  	_ =	shalt  }
0x62: {  	_ =	shalt  }
0x63: {  	_ =	shalt  }
0x64: {  	_ =	shalt  }
0x65: {  	_ =	shalt  }
0x66: {  	_ =	shalt  }
0x67: {  	_ =	shalt  }
0x68: {  	_ =	shalt  }
0x69: {  	_ =	shalt  }
0x6a: {  	_ =	shalt  }
0x6b: {  	_ =	shalt  }
0x6c: {  	_ =	shalt  }
0x6d: {  	_ =	shalt  }
0x6e: {  	_ =	shalt  }
0x6f: {  	_ =	shalt  }
0x70: {  	_ =	shalt  }
0x71: {  	_ =	shalt  }
0x72: {  	_ =	shalt  }
0x73: {  	_ =	shalt  }
0x74: {  	_ =	shalt  }
0x75: {  	_ =	shalt  }
0x76: {  	_ =	shalt  }
0x77: {  	_ =	shalt  }
0x78: {  	_ =	shalt  }
0x79: {  	_ =	shalt  }
0x7a: {  	_ =	shalt  }
0x7b: {  	_ =	shalt  }
0x7c: {  	_ =	shalt  }
0x7d: {  	_ =	shalt  }
0x7e: {  	_ =	shalt  }
0x7f: {  	_ =	shalt  }
0x80: {  	_ =	shalt  }
0x81: {  	_ =	shalt  }
0x82: {  	_ =	shalt  }
0x83: {  	_ =	shalt  }
0x84: {  	_ =	shalt  }
0x85: {  	_ =	shalt  }
0x86: {  	_ =	shalt  }
0x87: {  	_ =	shalt  }
.Lfunc_end0:
.L_simem_size_0:
called_computation.1_lowered:
.L_overlay_start_0:
0x88: {  	s2 =	sld [smem:$0x3FD9]  }
0x89: {  	s3 =	sld [smem:$0x3FFE];
	_ =	sdelay $0x1  }
0x8a: {  	s1 =	srdreg.scid  }
0x8b: {  	s0 =	sand.u32 $0x1, s1  }
0x8c: {  	s14 =	sshll.u32 s0, $0xA;
	s2 =	sadd.s32 s3, s2  }
0x8d: {  	s2 =	sadd.s32 s2, s14  }
0x8e: {  	[smem:$0x3FBC] =	sst s2  }
0x8f: {  	_ = 	snop  }
0x90: {  	s2 =	sld [smem:$0x3FD0];
	_ =	sdelay $0x2  }
0x91: {  	s15 =	simm.s32 $0xA;
	s4 =	simm.s32 $0x10  }
0x92: {  	[smem:s4], [sflag:s15] =	dma.local [hbm:s2], $0x1  }
0x93: {  	_ =	swait.eq [sflag:s15], $0x1  }
0x94: {  	[sflag:s15] =	ssyncset.done $0x0  }
0x95: {  	s16 =	sld [smem:$0x10];
	[sflag:s15] =	ssyncadd.s32 $0xFFFFFFFF  }
0x96: {  	s17 =	sld [smem:$0x11];
	(tm) =	ssettm $0x1  }
0x97: {  	s18 =	sld [smem:$0x3FFB];
	_ =	sdelay $0x3  }
0x98: {  	_ =	strace s18  }
0x99: {  	s4 =	sld [smem:$0x3FFC];
	_ =	sdelay $0x3  }
0x9a: {  	_ =	strace s4  }
0x9b: {  	s4 =	sld [smem:$0x3FFD];
	_ =	sdelay $0x3  }
0x9c: {  	_ =	strace s4  }
0x9d: {  	_ =	strace $0x8FFFFFFF  }
0x9e: {  	s19 =	sld [smem:$0x3FDB];
	_ =	sdelay $0x1  }
0x9f: {  	s5 =	simm.s32 $_scs_section_size  }
0xa0: {  	s6 =	simm.s32 $_size__tile_overlayer_lowered;
	s7 =	simm.s32 $_tile_overlayer_lowered  }
0xa1: {  	s22 =	simm.s32 $0x1BFF;
	s21 =	sshll.u32 s7, $0x1;
	s4 =	sadd.s32 s5, s19  }
0xa2: {  	s8 =	simm.s32 $0x0;
	s20 =	sshll.u32 s6, $0x1;
	s6 =	sadd.s32 s21, s4  }
0xa3: {  	[timem:s8], [sflag:s22] =	dma.local [hbm:s6], s20  }
0xa4: {  	_ =	swait.ge [sflag:s22], s20  }
0xa5: {  	s5 =	ssub.s32 $0x0, s20;
	[sflag:s22] =	ssyncset.done $0x0  }
0xa6: {  	[sflag:s22] =	ssyncadd.s32 s5;
	_ =	sdelay $0x1  }
0xa7: {  	s23 =	simm.s32 $0x1B8B  }
0xa8: {  	_ =	swait.ge [sflag:s23], $0x1  }
0xa9: {  	[sflag:s23] =	ssyncset.done $0x0  }
0xaa: {  	s25 =	simm.s32 $0x1B8E;
	s24 =	sld [smem:$0x3FFE];
	[sflag:s23] =	ssyncadd.s32 $0xFFFFFFFF  }
0xab: {  	s26 =	simm.s32 $execute0_lowered;
	[smem:$0x3FD2] =	sst s25  }
0xac: {  	s6 =	sshll.u32 s26, $0x1;
	_ =	strace $0x80000049;
	[dreg:$0x1] =	wrdreg $0xFFFFFFFF  }
0xad: {  	s28 =	simm.s32 $_size_execute0_lowered;
	s4 =	sadd.s32 s4, s6;
	[dreg:$0x0] =	wrdreg $0x0  }
0xae: {  	s6 =	sshll.u32 s28, $0x1;
	[dreg:$0x2] =	wrdreg s4  }
0xaf: {  	[dreg:$0x3] =	wrdreg s6  }
0xb0: {  	[dreg:$0x4] =	wrdreg $0xC0  }
0xb1: {  	_ =	task [dreg:s8], $0x5FFFF  }
0xb2: {  	[dreg:$0x1] =	wrdreg $0xFFFFFFFF  }
0xb3: {  	[dreg:$0x0] =	wrdreg $0x60  }
0xb4: {  	[dreg:$0x2] =	wrdreg s16  }
0xb5: {  	[dreg:$0x3] =	wrdreg s24  }
0xb6: {  	[dreg:$0x4] =	wrdreg s17  }
0xb7: {  	[dreg:$0x5] =	wrdreg $0x90000  }
0xb8: {  	[dreg:$0x6] =	wrdreg $0x130000  }
0xb9: {  	[dreg:$0x7] =	wrdreg $0x9  }
0xba: {  	_ =	task.clear_ibuf [dreg:s8], $0x8FFFF;
	_ =	strace $0x90000049  }
0xbb: {  	s29 =	simm.s32 $0x9;
	_ =	strace $0x8000004B  }
0xbc: {  	_ =	swait.ge [sflag:s29], $0x1  }
0xbd: {  	[sflag:s29] =	ssyncadd.s32 $0xFFFFFFFF  }
0xbe: {  	_ =	strace $0x9000004B  }
0xbf: {  	_ =	sfence  }
0xc0: {  	s30 =	sld [smem:$0x0];
	_ =	sdelay $0x2  }
0xc1: {  	s31 =	sshll.u32 s1, $0xD;
	s1 =	sshrl.u32 s1, $0x2  }
0xc2: {  	s3 =	sand.u32 $0x4000, s31;
	s1 =	sadd.s32 s1, s30  }
0xc3: {  	s0 =	sor.u32 s3, s0;
	s1 =	sshll.u32 s1, $0x11  }
0xc4: {  	s0 =	sor.u32 s1, s0  }
0xc5: {  	s0 =	sadd.s32 $0x8F2B, s0  }
0xc6: {  	[sflag:s0] =	ssyncadd.remote.s32 $0x1  }
0xc7: {  	_ =	sfence.sel $0xFFFF  }
0xc8: {  	[dreg:$0x0] =	wrdreg $0xFFFFFFFF;
	(pc) =	sbr.abs _section_cstart, $3  }
0xc9: {  	[dreg:$0x1] =	wrdreg $0xFFFFFFFF  }
0xca: {  	_ =	task.clear_ibuf [dreg:s8], $0x2FFFF;
	_ =	strace $0x9FFFFFFF  }
0xcb: {  	(tm) =	ssettm $0x7FFFFFFF  }
tec
execute0_lowered:
.L_overlay_start_1:
0x0: {  	(tag) =	ssettag $0x1  }
0x1: {  	s7 =	rddreg [dreg:$0x0]  }
0x2: {  	s5 =	rddreg [dreg:$0x1]  }
0x3: {  	s9 =	rddreg [dreg:$0x2]  }
0x4: {  	s2 =	rddreg [dreg:$0x3]  }
0x5: {  	s3 =	rddreg [dreg:$0x4]  }
0x6: {  	s0 =	stileid.u32;
	s6 =	srdreg.scid  }
0x7: {  	s1 =	rddreg [dreg:$0x5];
	s4 =	simm.s32 $0x0;
	s15 =	simm.s32 $0x2  }
0x8: {  	s16 =	simm.s32 $0x80;
	s17 =	simm.s32 $0x5000;
	s18 =	simm.s32 $0x7000  }
0x9: {  	s19 =	simm.s32 $0x3;
	s20 =	simm.s32 $0x4F00;
	s21 =	simm.s32 $0x4E80  }
0xa: {  	s22 =	simm.s32 $0x4F80;
	s24 =	simm.s32 $0x0;
	s8 =	smul.u32 $0x5000, s0  }
0xb: {  	s6 =	sand.u32 $0x1, s6;
	[smem:$0x7FF] =	sst s4;
	s11 =	smul.u32 $0xA000, s0  }
0xc: {  	s23 =	sshll.u32 s0, $0x6;
	p0 =	seq.s32 s6, $0x0;
	_ =	strace $0x8000004A  }
0xd: {  	s30 =	ssub.s32 $0x2, s6;
	s13 =	smul.u32 $0xA0000, s6;
	s6 =	sor.u32 $0x1C01, s23  }
0xe: {  	s10 =	sadd.s32 $0x50000, s8;
	s12 =	sshrl.u32 s30, $0x1;
	s31 =	sadd.s32 s11, s2  }
0xf: {  	s14 =	sadd.s32 s11, s3;
	s10 =	smov.u32 @p0 s8;
	s13 =	sadd.s32 s11, s13  }
0x10: {  	s11 =	sshrl.u32 s11, $0x3;
	s8 =	sshrl.u32 s10, $0x3;
	s10 =	ssub.s32 s30, s12  }
0x11: {  	s13 =	sshrl.u32 s13, $0x3;
	s7 =	sadd.s32 s7, s11;
	s11 =	sshrl.u32 s31, $0x3  }
0x12: {  	s12 =	sor.u32 $0x1C02, s23;
	s23 =	sor.u32 $0x1C03, s23;
	s8 =	sadd.s32 s8, s5  }
0x13: {  	s5 =	sadd.s32 $0x16800, s5;
	s9 =	sadd.s32 s9, s13;
	s10 =	smax.u32 s10, $0x1  }
0x14: {  	s13 =	sshrl.u32 s14, $0x3;
	s14 =	simm.s32 $0x1;
	s8 =	sadd.s32 $0x2800, s8  }
.LBB2_1:
0x15: {  	[spmem:s11], [sflag:s6] =	dma.local [hbm:s5], $0x1400  }
0x16: {  	[spmem:s13], [sflag:s12] =	dma.local [hbm:s7], $0x1400  }
0x17: {  	[tilespmem:s4], [sflag:$0x1] =	stream.linear.gather [hbm4b:s8+s4], $0x5000, $0x38;
	[tilespmem:$0x1D000] =	vst v63  }
0x18: {  	_ =	swait.ge [sflag:s14], $0x1400  }
0x19: {  	[sflag:s14] =	ssyncset.done $0x0  }
0x1a: {  	[sflag:s14] =	ssyncadd.s32 $0xFFFFEC00  }
0x1b: {  	_ =	swait.ge [sflag:s15], $0x1400  }
0x1c: {  	[sflag:s15] =	ssyncset.done $0x0  }
0x1d: {  	[sflag:s15] =	ssyncadd.s32 $0xFFFFEC00  }
0x1e: {  	_ =	swait.ge [sflag:s14], $0x5000  }
0x1f: {  	[sflag:s14] =	ssyncset.done $0x0  }
0x20: {  	[sflag:s14] =	ssyncadd.s32 $0xFFFFB000  }
0x21: {  	[bflag:$0x0] =	sbarrier.arrive $0xFFFF  }
0x22: {  	[tilespmem:s17], [sflag:$0x1] =	stream.indirect.gather [spmem:s3], $0x40, s4, s16, $0xb8;
	[tilespmem:$0x1D000] =	vst v63  }
0x23: {  	s25 =	simm.s32 $0x100  }
0x24: {  	[tilespmem:s18], [sflag:$0x2] =	stream.indirect.gather [spmem:s3], $0x40, s25, s16, $0xb8;
	[tilespmem:$0x1D000] =	vst v63  }
0x25: {  	_ =	swait.ge [sflag:s14], $0x2000  }
0x26: {  	[sflag:s14] =	ssyncset.done $0x0  }
0x27: {  	s29 =	simm.s32 $0x80;
	[sflag:s14] =	ssyncadd.s32 $0xFFFFE000  }
0x28: {  	[spmem:s2] =	stream.indirect.scatter.add.f32 [tilespmem:s17], [sflag:$0x3], $0x40, s29, s16, $0xb8;
	[tilespmem:$0x1D000] =	vst v63  }
0x29: {  	_ =	swait.ge [sflag:s19], $0x2000  }
0x2a: {  	[sflag:s19] =	ssyncset.done $0x0  }
0x2b: {  	s30 =	simm.s32 $0x200;
	[sflag:s19] =	ssyncadd.s32 $0xFFFFE000  }
0x2c: {  	[tilespmem:s17], [sflag:$0x1] =	stream.indirect.gather [spmem:s3], $0x40, s30, s16, $0xb8;
	[tilespmem:$0x1D000] =	vst v63  }
0x2d: {  	_ =	swait.ge [sflag:s15], $0x2000  }
0x2e: {  	[sflag:s15] =	ssyncset.done $0x0  }
0x2f: {  	s31 =	simm.s32 $0x180;
	[sflag:s15] =	ssyncadd.s32 $0xFFFFE000  }
0x30: {  	[spmem:s2] =	stream.indirect.scatter.add.f32 [tilespmem:s18], [sflag:$0x3], $0x40, s31, s16, $0xb8;
	[tilespmem:$0x1D000] =	vst v63  }
0x31: {  	_ =	swait.ge [sflag:s19], $0x2000  }
0x32: {  	s26 =	simm.s32 $0xFFFED800;
	s25 =	simm.s32 $0xFFFFB400;
	[sflag:s19] =	ssyncset.done $0x0  }
.LBB2_2:
0x33: {  	s28 =	sadd.s32 $0x4F00, s25  }
0x34: {  	[sflag:s19] =	ssyncadd.s32 $0xFFFFE000;
	s29 =	smov.u32 s26;
	s30 =	sadd.s32 $0x800, s26  }
0x35: {  	[tilespmem:s18], [sflag:$0x2] =	stream.indirect.gather [spmem:s3], $0x40, s28, s16, $0xb8;
	[tilespmem:$0x1D000] =	vst v63  }
0x36: {  	p0 =	sne.s32 s26, $0xFFFFF800;
	_ =	swait.ge [sflag:s14], $0x2000  }
0x37: {  	[sflag:s14] =	ssyncset.done $0x0  }
0x38: {  	s26 =	sadd.s32 $0x4E80, s25;
	[sflag:s14] =	ssyncadd.s32 $0xFFFFE000  }
0x39: {  	[spmem:s2] =	stream.indirect.scatter.add.f32 [tilespmem:s17], [sflag:$0x3], $0x40, s26, s16, $0xb8;
	[tilespmem:$0x1D000] =	vst v63  }
0x3a: {  	_ =	swait.ge [sflag:s19], $0x2000  }
0x3b: {  	[sflag:s19] =	ssyncset.done $0x0  }
0x3c: {  	s26 =	sadd.s32 $0x5000, s25;
	[sflag:s19] =	ssyncadd.s32 $0xFFFFE000  }
0x3d: {  	[tilespmem:s17], [sflag:$0x1] =	stream.indirect.gather [spmem:s3], $0x40, s26, s16, $0xb8;
	[tilespmem:$0x1D000] =	vst v63  }
0x3e: {  	_ =	swait.ge [sflag:s15], $0x2000  }
.Ltmp0:
0x3f: {  	[sflag:s15] =	ssyncset.done $0x0;
	(pc) =	sbr.rel @p0 .LBB2_2-.Ltmp0, $4  }
0x40: {  	s25 =	sadd.s32 $0x4F80, s25;
	[sflag:s15] =	ssyncadd.s32 $0xFFFFE000  }
0x41: {  	[spmem:s2] =	stream.indirect.scatter.add.f32 [tilespmem:s18], [sflag:$0x3], $0x40, s25, s16, $0xb8;
	[tilespmem:$0x1D000] =	vst v63  }
0x42: {  	_ =	swait.ge [sflag:s19], $0x2000  }
0x43: {  	s26 =	smov.u32 s30;
	s25 =	sshra.s32 s29, $0x2;
	[sflag:s19] =	ssyncset.done $0x0  }
0x44: {  	s26 =	sadd.s32 $0x4F00, s25;
	[sflag:s19] =	ssyncadd.s32 $0xFFFFE000  }
0x45: {  	[tilespmem:s18], [sflag:$0x2] =	stream.indirect.gather [spmem:s3], $0x40, s26, s16, $0xb8;
	[tilespmem:$0x1D000] =	vst v63  }
0x46: {  	_ =	swait.ge [sflag:s14], $0x2000  }
0x47: {  	[sflag:s14] =	ssyncset.done $0x0  }
0x48: {  	s29 =	sadd.s32 $0x4E80, s25;
	[sflag:s14] =	ssyncadd.s32 $0xFFFFE000  }
0x49: {  	[spmem:s2] =	stream.indirect.scatter.add.f32 [tilespmem:s17], [sflag:$0x3], $0x40, s29, s16, $0xb8;
	[tilespmem:$0x1D000] =	vst v63  }
0x4a: {  	_ =	swait.ge [sflag:s19], $0x2000  }
0x4b: {  	[sflag:s19] =	ssyncset.done $0x0  }
0x4c: {  	s30 =	sadd.s32 $0x5000, s25;
	[sflag:s19] =	ssyncadd.s32 $0xFFFFE000  }
0x4d: {  	[tilespmem:s17], [sflag:$0x1] =	stream.indirect.gather [spmem:s3], $0x40, s30, s16, $0xb8;
	[tilespmem:$0x1D000] =	vst v63  }
0x4e: {  	_ =	swait.ge [sflag:s15], $0x2000  }
0x4f: {  	[sflag:s15] =	ssyncset.done $0x0  }
0x50: {  	s31 =	sadd.s32 $0x4F80, s25;
	[sflag:s15] =	ssyncadd.s32 $0xFFFFE000  }
0x51: {  	[spmem:s2] =	stream.indirect.scatter.add.f32 [tilespmem:s18], [sflag:$0x3], $0x40, s31, s16, $0xb8;
	[tilespmem:$0x1D000] =	vst v63  }
0x52: {  	_ =	swait.ge [sflag:s19], $0x2000  }
0x53: {  	[sflag:s19] =	ssyncset.done $0x0  }
0x54: {  	[sflag:s19] =	ssyncadd.s32 $0xFFFFE000  }
0x55: {  	[tilespmem:s18], [sflag:$0x2] =	stream.indirect.gather [spmem:s3], $0x40, s20, s16, $0xb8;
	[tilespmem:$0x1D000] =	vst v63  }
0x56: {  	_ =	swait.ge [sflag:s14], $0x2000  }
0x57: {  	[sflag:s14] =	ssyncset.done $0x0  }
0x58: {  	[sflag:s14] =	ssyncadd.s32 $0xFFFFE000  }
0x59: {  	[spmem:s2] =	stream.indirect.scatter.add.f32 [tilespmem:s17], [sflag:$0x3], $0x40, s21, s16, $0xb8;
	[tilespmem:$0x1D000] =	vst v63  }
0x5a: {  	_ =	swait.ge [sflag:s19], $0x2000  }
0x5b: {  	[sflag:s19] =	ssyncset.done $0x0  }
0x5c: {  	[sflag:s19] =	ssyncadd.s32 $0xFFFFE000  }
0x5d: {  	_ =	swait.ge [sflag:s15], $0x2000  }
0x5e: {  	[sflag:s15] =	ssyncset.done $0x0  }
0x5f: {  	[sflag:s15] =	ssyncadd.s32 $0xFFFFE000  }
0x60: {  	[spmem:s2] =	stream.indirect.scatter.add.f32 [tilespmem:s18], [sflag:$0x3], $0x40, s22, s16, $0xb8;
	[tilespmem:$0x1D000] =	vst v63  }
0x61: {  	_ =	swait.ge [sflag:s19], $0x2000  }
0x62: {  	s24 =	sadd.s32 $0x1, s24;
	[sflag:s19] =	ssyncset.done $0x0  }
0x63: {  	p0 =	sne.s32 s24, s10;
	[sflag:s19] =	ssyncadd.s32 $0xFFFFE000  }
.Ltmp1:
0x64: {  	[bflag:$0x0] =	sbarrier.arrive $0xFFFF;
	(pc) =	sbr.rel @p0 .LBB2_1-.Ltmp1, $4  }
0x65: {  	[hbm:s9], [sflag:s23] =	dma.local [spmem:s11], $0x1400  }
0x66: {  	_ =	swait.ge [sflag:s19], $0x1400  }
0x67: {  	[sflag:s19] =	ssyncset.done $0x0  }
0x68: {  	[sflag:s19] =	ssyncadd.s32 $0xFFFFEC00  }
0x69: {  	_ =	sfence.sel $0x180000  }
0x6a: {  	[bflag:$0x0] =	sbarrier.arrive $0xFFFF  }
0x6b: {  	p0 =	sne.s32 s0, $0x0;
	_ =	strace $0x9000004A  }
0x6c: {  	s0 =	sadd.s32 @!p0 $0x100000, s1;
	[bflag:$0x2] =	sbarrier.arrive $0xFFFF  }
0x6d: {  	[sflag:s0] =	ssyncadd.tile.s32 @!p0 $0x1;
	_ =	shalt  }
.Lfunc_end2:
_tile_overlayer_lowered:
.L_overlay_start_2:
0x6e: {  	(tag) =	ssettag $0x2  }
0x6f: {  	s0 =	rddreg [dreg:$0x0];
	s2 =	stileid.u32  }
0x70: {  	s1 =	rddreg [dreg:$0x1];
	p0 =	sne.s32 s2, $0x0  }
0x71: {  	s3 =	rddreg [dreg:$0x2];
	[bflag:$0x3] =	sbarrier.arrive $0xFFFF;
	s2 =	simm.s32 @!p0 $0x1C03  }
0x72: {  	[timem:s3], [sflag:s2] =	dma.local @!p0 [hbm:s0], s1  }
0x73: {  	s0 =	simm.s32 @!p0 $0x3  }
0x74: {  	_ =	swait.ge @!p0 [sflag:s0], s1  }
0x75: {  	s1 =	ssub.s32 @!p0 $0x0, s1;
	[sflag:s0] =	ssyncset.done @!p0 $0x0  }
0x76: {  	[sflag:s0] =	ssyncadd.s32 @!p0 s1  }
0x77: {  	[bflag:$0x3] =	sbarrier.arrive $0xFFFF  }
0x78: {  	_ =	shalt  }

// kernel: kernel.18.cloned.1.call-start
scs
__scs_entry_jumppad:
0x0: {  	(pc) =	sbr.rel $0x88, $3  }
0x1: {  	(tag) =	ssettag $0x0;
	lr =	simm.s32 $0x1  }
0x2: {  	[smem:$0x3F95] =	sst lr;
	_ =	strace $0xD0000000  }
0x3: {  	_ = 	snop  }
0x4: {  	_ = 	snop  }
0x5: {  	_ = 	snop  }
0x6: {  	_ = 	snop  }
0x7: {  	_ = 	snop  }
__scs_overlays_trampoline_lowered:
0x8: {  	[smem:$0x3FA4] =	sst s0  }
0x9: {  	[smem:$0x3FA5] =	sst s1  }
0xa: {  	[smem:$0x3FA6] =	sst s2  }
0xb: {  	[smem:$0x3FA7] =	sst s3  }
0xc: {  	[smem:$0x3FA8] =	sst s4  }
0xd: {  	[smem:$0x3FA9] =	sst s5  }
0xe: {  	[smem:$0x3FAA] =	sst s6  }
0xf: {  	[smem:$0x3FAB] =	sst s7  }
0x10: {  	[smem:$0x3FAC] =	sst s8  }
0x11: {  	[smem:$0x3FAD] =	sst s9;
	s0 =	simm.s32 @!p0 $0x0  }
0x12: {  	s1 =	sld [smem:$0x3F93];
	s0 =	simm.s32 @p0 $0x1  }
0x13: {  	[smem:$0x3FAE] =	sst s0;
	s0 =	simm.s32 @!p1 $0x0  }
0x14: {  	s2 =	sld [smem:$0x3F92];
	s0 =	simm.s32 @p1 $0x1  }
0x15: {  	[smem:$0x3FAF] =	sst s0;
	s0 =	simm.s32 @!p2 $0x0  }
0x16: {  	s3 =	sld [smem:$0x3FDB];
	s0 =	simm.s32 @p2 $0x1  }
0x17: {  	s4 =	simm.s32 $0x1BF5;
	[smem:$0x3FB1] =	sst s0  }
0x18: {  	s0 =	sld [smem:$0x3F94];
	_ =	swait.ge [sflag:s4], $0x0  }
0x19: {  	s7 =	sld [smem:$0x3F95]  }
0x1a: {  	s8 =	sadd.s32 $0xFFFFE003, lr  }
0x1b: {  	s9 =	sadd.s32 $0xFFFFFEF7, lr;
	s5 =	simm.s32 $0xFFFFFFFF;
	p2 =	slt.u32 s8, $0xFFFFF086  }
0x1c: {  	p1 =	slt.u32 s9, $0xF7A;
	s5 =	simm.s32 @!p2 $0x0  }
0x1d: {  	s5 =	simm.s32 @p1 $0x1;
	p0 =	seq.s32 s7, s2  }
0x1e: {  	s7 =	smul.u32 @!p0 $0xF7A, s2;
	p2 =	seq.s32 @!p0 s5, $0x0  }
0x1f: {  	s9 =	smul.u32 $0xF7A, s1;
	s8 =	simm.s32 @!p0 $0x1BF5;
	p2 =	por !p2, p0  }
0x20: {  	[sflag:s8] =	ssyncset.s32 @!p0 $0xFFFFF086;
	s6 =	sadd.s32 @!p0 s3, s7;
	s7 =	simm.s32 @!p0 $0x108  }
0x21: {  	s3 =	sadd.s32 s3, s9;
	s6 =	sadd.s32 @!p0 $0x88, s6;
	s7 =	simm.s32 @p2 $0x1082  }
0x22: {  	[simem:s7], [sflag:s8] =	dma.local @!p0 [hbm:s6], $0xF7A  }
0x23: {  	s9 =	sor.u32 $0xD0000000, s2;
	s6 =	simm.s32 $0x108;
	_ =	swait.ge @!p0 [sflag:s8], $0x0  }
0x24: {  	s3 =	sadd.s32 $0x88, s3;
	s6 =	simm.s32 @!p1 $0x1082;
	[sflag:s4] =	ssyncset.s32 $0xFFFFF086  }
0x25: {  	[simem:s6], [sflag:s4] =	dma.local [hbm:s3], $0xF7A  }
0x26: {  	[smem:$0x3F95] =	sst s1;
	(tag) =	ssettag s2;
	_ =	strace s9  }
0x27: {  	s1 =	sld [smem:$0x3FA5]  }
0x28: {  	s2 =	sld [smem:$0x3FA6]  }
0x29: {  	s4 =	sld [smem:$0x3FA8]  }
0x2a: {  	p0 =	seq.s32 s5, $0x0;
	s5 =	sld [smem:$0x3FA9]  }
0x2b: {  	s6 =	sld [smem:$0x3FAA]  }
0x2c: {  	s7 =	sld [smem:$0x3FAB]  }
0x2d: {  	s3 =	simm.s32 $0x108;
	s8 =	sld [smem:$0x3FAC]  }
0x2e: {  	s3 =	simm.s32 @!p0 $0x1082;
	s9 =	sld [smem:$0x3FAD]  }
0x2f: {  	lr =	sadd.s32 s0, s3;
	s0 =	sld [smem:$0x3FA4]  }
0x30: {  	s3 =	sld [smem:$0x3FA7]  }
0x31: {  	[smem:$0x3FB0] =	sst s10  }
0x32: {  	s10 =	sld [smem:$0x3FAE];
	_ =	sdelay $0x3  }
0x33: {  	p0 =	seq.s32 s10, $0x1;
	s10 =	sld [smem:$0x3FB0];
	_ =	sdelay $0x3  }
0x34: {  	[smem:$0x3FB0] =	sst s10  }
0x35: {  	s10 =	sld [smem:$0x3FAF];
	_ =	sdelay $0x3  }
0x36: {  	p1 =	seq.s32 s10, $0x1;
	s10 =	sld [smem:$0x3FB0];
	_ =	sdelay $0x3  }
0x37: {  	[smem:$0x3FB0] =	sst s10  }
0x38: {  	s10 =	sld [smem:$0x3FB1]  }
0x39: {  	_ = 	snop;
	(pc) =	sbr.ind lr, $3  }
0x3a: {  	_ = 	snop  }
0x3b: {  	_ = 	snop  }
0x3c: {  	p2 =	seq.s32 s10, $0x1;
	s10 =	sld [smem:$0x3FB0]  }
0x3d: {  	_ =	shalt  }
0x3e: {  	_ =	shalt  }
0x3f: {  	_ =	shalt  }
0x40: {  	_ =	shalt  }
0x41: {  	_ =	shalt  }
0x42: {  	_ =	shalt  }
0x43: {  	_ =	shalt  }
0x44: {  	_ =	shalt  }
0x45: {  	_ =	shalt  }
0x46: {  	_ =	shalt  }
0x47: {  	_ =	shalt  }
0x48: {  	_ =	shalt  }
0x49: {  	_ =	shalt  }
0x4a: {  	_ =	shalt  }
0x4b: {  	_ =	shalt  }
0x4c: {  	_ =	shalt  }
0x4d: {  	_ =	shalt  }
0x4e: {  	_ =	shalt  }
0x4f: {  	_ =	shalt  }
0x50: {  	_ =	shalt  }
0x51: {  	_ =	shalt  }
0x52: {  	_ =	shalt  }
0x53: {  	_ =	shalt  }
0x54: {  	_ =	shalt  }
0x55: {  	_ =	shalt  }
0x56: {  	_ =	shalt  }
0x57: {  	_ =	shalt  }
0x58: {  	_ =	shalt  }
0x59: {  	_ =	shalt  }
0x5a: {  	_ =	shalt  }
0x5b: {  	_ =	shalt  }
0x5c: {  	_ =	shalt  }
0x5d: {  	_ =	shalt  }
0x5e: {  	_ =	shalt  }
0x5f: {  	_ =	shalt  }
0x60: {  	_ =	shalt  }
0x61: {  	_ =	shalt  }
0x62: {  	_ =	shalt  }
0x63: {  	_ =	shalt  }
0x64: {  	_ =	shalt  }
0x65: {  	_ =	shalt  }
0x66: {  	_ =	shalt  }
0x67: {  	_ =	shalt  }
0x68: {  	_ =	shalt  }
0x69: {  	_ =	shalt  }
0x6a: {  	_ =	shalt  }
0x6b: {  	_ =	shalt  }
0x6c: {  	_ =	shalt  }
0x6d: {  	_ =	shalt  }
0x6e: {  	_ =	shalt  }
0x6f: {  	_ =	shalt  }
0x70: {  	_ =	shalt  }
0x71: {  	_ =	shalt  }
0x72: {  	_ =	shalt  }
0x73: {  	_ =	shalt  }
0x74: {  	_ =	shalt  }
0x75: {  	_ =	shalt  }
0x76: {  	_ =	shalt  }
0x77: {  	_ =	shalt  }
0x78: {  	_ =	shalt  }
0x79: {  	_ =	shalt  }
0x7a: {  	_ =	shalt  }
0x7b: {  	_ =	shalt  }
0x7c: {  	_ =	shalt  }
0x7d: {  	_ =	shalt  }
0x7e: {  	_ =	shalt  }
0x7f: {  	_ =	shalt  }
0x80: {  	_ =	shalt  }
0x81: {  	_ =	shalt  }
0x82: {  	_ =	shalt  }
0x83: {  	_ =	shalt  }
0x84: {  	_ =	shalt  }
0x85: {  	_ =	shalt  }
0x86: {  	_ =	shalt  }
0x87: {  	_ =	shalt  }
.Lfunc_end0:
.L_simem_size_0:
called_computation.2_lowered:
.L_overlay_start_0:
0x88: {  	s2 =	sld [smem:$0x3FD9]  }
0x89: {  	s3 =	sld [smem:$0x3FFE];
	_ =	sdelay $0x1  }
0x8a: {  	s1 =	srdreg.scid  }
0x8b: {  	s0 =	sand.u32 $0x1, s1  }
0x8c: {  	s14 =	sshll.u32 s0, $0xA;
	s2 =	sadd.s32 s3, s2  }
0x8d: {  	s2 =	sadd.s32 s2, s14  }
0x8e: {  	[smem:$0x3FBC] =	sst s2  }
0x8f: {  	_ = 	snop  }
0x90: {  	s2 =	sld [smem:$0x3FD0];
	_ =	sdelay $0x2  }
0x91: {  	s15 =	simm.s32 $0xA;
	s4 =	simm.s32 $0x10  }
0x92: {  	[smem:s4], [sflag:s15] =	dma.local [hbm:s2], $0x1  }
0x93: {  	_ =	swait.eq [sflag:s15], $0x1  }
0x94: {  	[sflag:s15] =	ssyncset.done $0x0  }
0x95: {  	s16 =	sld [smem:$0x10];
	[sflag:s15] =	ssyncadd.s32 $0xFFFFFFFF  }
0x96: {  	s17 =	sld [smem:$0x11];
	(tm) =	ssettm $0x1  }
0x97: {  	s18 =	sld [smem:$0x3FFB];
	_ =	sdelay $0x3  }
0x98: {  	_ =	strace s18  }
0x99: {  	s4 =	sld [smem:$0x3FFC];
	_ =	sdelay $0x3  }
0x9a: {  	_ =	strace s4  }
0x9b: {  	s4 =	sld [smem:$0x3FFD];
	_ =	sdelay $0x3  }
0x9c: {  	_ =	strace s4  }
0x9d: {  	_ =	strace $0x8FFFFFFF  }
0x9e: {  	s19 =	sld [smem:$0x3FDB];
	_ =	sdelay $0x1  }
0x9f: {  	s5 =	simm.s32 $_scs_section_size  }
0xa0: {  	s6 =	simm.s32 $_size__tile_overlayer_lowered;
	s7 =	simm.s32 $_tile_overlayer_lowered  }
0xa1: {  	s22 =	simm.s32 $0x1BFF;
	s21 =	sshll.u32 s7, $0x1;
	s4 =	sadd.s32 s5, s19  }
0xa2: {  	s8 =	simm.s32 $0x0;
	s20 =	sshll.u32 s6, $0x1;
	s6 =	sadd.s32 s21, s4  }
0xa3: {  	[timem:s8], [sflag:s22] =	dma.local [hbm:s6], s20  }
0xa4: {  	_ =	swait.ge [sflag:s22], s20  }
0xa5: {  	s5 =	ssub.s32 $0x0, s20;
	[sflag:s22] =	ssyncset.done $0x0  }
0xa6: {  	[sflag:s22] =	ssyncadd.s32 s5;
	_ =	sdelay $0x1  }
0xa7: {  	s23 =	simm.s32 $0x1B8B  }
0xa8: {  	_ =	swait.ge [sflag:s23], $0x1  }
0xa9: {  	[sflag:s23] =	ssyncset.done $0x0  }
0xaa: {  	s25 =	simm.s32 $0x1B8E;
	s24 =	sld [smem:$0x3FFE];
	[sflag:s23] =	ssyncadd.s32 $0xFFFFFFFF  }
0xab: {  	s26 =	simm.s32 $execute0_lowered;
	[smem:$0x3FD2] =	sst s25  }
0xac: {  	s6 =	sshll.u32 s26, $0x1;
	_ =	strace $0x8000004C;
	[dreg:$0x1] =	wrdreg $0xFFFFFFFF  }
0xad: {  	s28 =	simm.s32 $_size_execute0_lowered;
	s4 =	sadd.s32 s4, s6;
	[dreg:$0x0] =	wrdreg $0x0  }
0xae: {  	s6 =	sshll.u32 s28, $0x1;
	[dreg:$0x2] =	wrdreg s4  }
0xaf: {  	[dreg:$0x3] =	wrdreg s6  }
0xb0: {  	[dreg:$0x4] =	wrdreg $0xC0  }
0xb1: {  	_ =	task [dreg:s8], $0x5FFFF  }
0xb2: {  	[dreg:$0x1] =	wrdreg $0xFFFFFFFF  }
0xb3: {  	[dreg:$0x0] =	wrdreg $0x60  }
0xb4: {  	[dreg:$0x2] =	wrdreg s16  }
0xb5: {  	[dreg:$0x3] =	wrdreg s24  }
0xb6: {  	[dreg:$0x4] =	wrdreg s17  }
0xb7: {  	[dreg:$0x5] =	wrdreg $0x90000  }
0xb8: {  	[dreg:$0x6] =	wrdreg $0x130000  }
0xb9: {  	[dreg:$0x7] =	wrdreg $0x9  }
0xba: {  	_ =	task.clear_ibuf [dreg:s8], $0x8FFFF;
	_ =	strace $0x9000004C  }
0xbb: {  	s29 =	simm.s32 $0x9;
	_ =	strace $0x8000004E  }
0xbc: {  	_ =	swait.ge [sflag:s29], $0x1  }
0xbd: {  	[sflag:s29] =	ssyncadd.s32 $0xFFFFFFFF  }
0xbe: {  	_ =	strace $0x9000004E  }
0xbf: {  	_ =	sfence  }
0xc0: {  	s30 =	sld [smem:$0x0];
	_ =	sdelay $0x2  }
0xc1: {  	s31 =	sshll.u32 s1, $0xD;
	s1 =	sshrl.u32 s1, $0x2  }
0xc2: {  	s3 =	sand.u32 $0x4000, s31;
	s1 =	sadd.s32 s1, s30  }
0xc3: {  	s0 =	sor.u32 s3, s0;
	s1 =	sshll.u32 s1, $0x11  }
0xc4: {  	s0 =	sor.u32 s1, s0  }
0xc5: {  	s0 =	sadd.s32 $0x8F2B, s0  }
0xc6: {  	[sflag:s0] =	ssyncadd.remote.s32 $0x1  }
0xc7: {  	_ =	sfence.sel $0xFFFF  }
0xc8: {  	[dreg:$0x0] =	wrdreg $0xFFFFFFFF;
	(pc) =	sbr.abs _section_cstart, $3  }
0xc9: {  	[dreg:$0x1] =	wrdreg $0xFFFFFFFF  }
0xca: {  	_ =	task.clear_ibuf [dreg:s8], $0x2FFFF;
	_ =	strace $0x9FFFFFFF  }
0xcb: {  	(tm) =	ssettm $0x7FFFFFFF  }
tec
execute0_lowered:
.L_overlay_start_1:
0x0: {  	(tag) =	ssettag $0x1  }
0x1: {  	s7 =	rddreg [dreg:$0x0]  }
0x2: {  	s5 =	rddreg [dreg:$0x1]  }
0x3: {  	s9 =	rddreg [dreg:$0x2]  }
0x4: {  	s2 =	rddreg [dreg:$0x3]  }
0x5: {  	s3 =	rddreg [dreg:$0x4]  }
0x6: {  	s0 =	stileid.u32;
	s6 =	srdreg.scid  }
0x7: {  	s1 =	rddreg [dreg:$0x5];
	s4 =	simm.s32 $0x0;
	s15 =	simm.s32 $0x2  }
0x8: {  	s16 =	simm.s32 $0x80;
	s17 =	simm.s32 $0x5000;
	s18 =	simm.s32 $0x7000  }
0x9: {  	s19 =	simm.s32 $0x3;
	s20 =	simm.s32 $0x4F00;
	s21 =	simm.s32 $0x4E80  }
0xa: {  	s22 =	simm.s32 $0x4F80;
	s24 =	simm.s32 $0x0;
	s8 =	smul.u32 $0x5000, s0  }
0xb: {  	s6 =	sand.u32 $0x1, s6;
	[smem:$0x7FF] =	sst s4;
	s11 =	smul.u32 $0xA000, s0  }
0xc: {  	s23 =	sshll.u32 s0, $0x6;
	p0 =	seq.s32 s6, $0x0;
	_ =	strace $0x8000004D  }
0xd: {  	s30 =	ssub.s32 $0x2, s6;
	s13 =	smul.u32 $0xA0000, s6;
	s6 =	sor.u32 $0x1C01, s23  }
0xe: {  	s10 =	sadd.s32 $0x50000, s8;
	s12 =	sshrl.u32 s30, $0x1;
	s31 =	sadd.s32 s11, s2  }
0xf: {  	s14 =	sadd.s32 s11, s3;
	s10 =	smov.u32 @p0 s8;
	s13 =	sadd.s32 s11, s13  }
0x10: {  	s11 =	sshrl.u32 s11, $0x3;
	s8 =	sshrl.u32 s10, $0x3;
	s10 =	ssub.s32 s30, s12  }
0x11: {  	s13 =	sshrl.u32 s13, $0x3;
	s7 =	sadd.s32 s7, s11;
	s11 =	sshrl.u32 s31, $0x3  }
0x12: {  	s12 =	sor.u32 $0x1C02, s23;
	s23 =	sor.u32 $0x1C03, s23;
	s8 =	sadd.s32 s8, s5  }
0x13: {  	s5 =	sadd.s32 $0x16800, s5;
	s9 =	sadd.s32 s9, s13;
	s10 =	smax.u32 s10, $0x1  }
0x14: {  	s13 =	sshrl.u32 s14, $0x3;
	s14 =	simm.s32 $0x1;
	s8 =	sadd.s32 $0x2800, s8  }
.LBB2_1:
0x15: {  	[spmem:s11], [sflag:s6] =	dma.local [hbm:s5], $0x1400  }
0x16: {  	[spmem:s13], [sflag:s12] =	dma.local [hbm:s7], $0x1400  }
0x17: {  	[tilespmem:s4], [sflag:$0x1] =	stream.linear.gather [hbm4b:s8+s4], $0x5000, $0x38;
	[tilespmem:$0x1D000] =	vst v63  }
0x18: {  	_ =	swait.ge [sflag:s14], $0x1400  }
0x19: {  	[sflag:s14] =	ssyncset.done $0x0  }
0x1a: {  	[sflag:s14] =	ssyncadd.s32 $0xFFFFEC00  }
0x1b: {  	_ =	swait.ge [sflag:s15], $0x1400  }
0x1c: {  	[sflag:s15] =	ssyncset.done $0x0  }
0x1d: {  	[sflag:s15] =	ssyncadd.s32 $0xFFFFEC00  }
0x1e: {  	_ =	swait.ge [sflag:s14], $0x5000  }
0x1f: {  	[sflag:s14] =	ssyncset.done $0x0  }
0x20: {  	[sflag:s14] =	ssyncadd.s32 $0xFFFFB000  }
0x21: {  	[bflag:$0x0] =	sbarrier.arrive $0xFFFF  }
0x22: {  	[tilespmem:s17], [sflag:$0x1] =	stream.indirect.gather [spmem:s3], $0x40, s4, s16, $0xb8;
	[tilespmem:$0x1D000] =	vst v63  }
0x23: {  	s25 =	simm.s32 $0x100  }
0x24: {  	[tilespmem:s18], [sflag:$0x2] =	stream.indirect.gather [spmem:s3], $0x40, s25, s16, $0xb8;
	[tilespmem:$0x1D000] =	vst v63  }
0x25: {  	_ =	swait.ge [sflag:s14], $0x2000  }
0x26: {  	[sflag:s14] =	ssyncset.done $0x0  }
0x27: {  	s29 =	simm.s32 $0x80;
	[sflag:s14] =	ssyncadd.s32 $0xFFFFE000  }
0x28: {  	[spmem:s2] =	stream.indirect.scatter.add.f32 [tilespmem:s17], [sflag:$0x3], $0x40, s29, s16, $0xb8;
	[tilespmem:$0x1D000] =	vst v63  }
0x29: {  	_ =	swait.ge [sflag:s19], $0x2000  }
0x2a: {  	[sflag:s19] =	ssyncset.done $0x0  }
0x2b: {  	s30 =	simm.s32 $0x200;
	[sflag:s19] =	ssyncadd.s32 $0xFFFFE000  }
0x2c: {  	[tilespmem:s17], [sflag:$0x1] =	stream.indirect.gather [spmem:s3], $0x40, s30, s16, $0xb8;
	[tilespmem:$0x1D000] =	vst v63  }
0x2d: {  	_ =	swait.ge [sflag:s15], $0x2000  }
0x2e: {  	[sflag:s15] =	ssyncset.done $0x0  }
0x2f: {  	s31 =	simm.s32 $0x180;
	[sflag:s15] =	ssyncadd.s32 $0xFFFFE000  }
0x30: {  	[spmem:s2] =	stream.indirect.scatter.add.f32 [tilespmem:s18], [sflag:$0x3], $0x40, s31, s16, $0xb8;
	[tilespmem:$0x1D000] =	vst v63  }
0x31: {  	_ =	swait.ge [sflag:s19], $0x2000  }
0x32: {  	s26 =	simm.s32 $0xFFFED800;
	s25 =	simm.s32 $0xFFFFB400;
	[sflag:s19] =	ssyncset.done $0x0  }
.LBB2_2:
0x33: {  	s28 =	sadd.s32 $0x4F00, s25  }
0x34: {  	[sflag:s19] =	ssyncadd.s32 $0xFFFFE000;
	s29 =	smov.u32 s26;
	s30 =	sadd.s32 $0x800, s26  }
0x35: {  	[tilespmem:s18], [sflag:$0x2] =	stream.indirect.gather [spmem:s3], $0x40, s28, s16, $0xb8;
	[tilespmem:$0x1D000] =	vst v63  }
0x36: {  	p0 =	sne.s32 s26, $0xFFFFF800;
	_ =	swait.ge [sflag:s14], $0x2000  }
0x37: {  	[sflag:s14] =	ssyncset.done $0x0  }
0x38: {  	s26 =	sadd.s32 $0x4E80, s25;
	[sflag:s14] =	ssyncadd.s32 $0xFFFFE000  }
0x39: {  	[spmem:s2] =	stream.indirect.scatter.add.f32 [tilespmem:s17], [sflag:$0x3], $0x40, s26, s16, $0xb8;
	[tilespmem:$0x1D000] =	vst v63  }
0x3a: {  	_ =	swait.ge [sflag:s19], $0x2000  }
0x3b: {  	[sflag:s19] =	ssyncset.done $0x0  }
0x3c: {  	s26 =	sadd.s32 $0x5000, s25;
	[sflag:s19] =	ssyncadd.s32 $0xFFFFE000  }
0x3d: {  	[tilespmem:s17], [sflag:$0x1] =	stream.indirect.gather [spmem:s3], $0x40, s26, s16, $0xb8;
	[tilespmem:$0x1D000] =	vst v63  }
0x3e: {  	_ =	swait.ge [sflag:s15], $0x2000  }
.Ltmp0:
0x3f: {  	[sflag:s15] =	ssyncset.done $0x0;
	(pc) =	sbr.rel @p0 .LBB2_2-.Ltmp0, $4  }
0x40: {  	s25 =	sadd.s32 $0x4F80, s25;
	[sflag:s15] =	ssyncadd.s32 $0xFFFFE000  }
0x41: {  	[spmem:s2] =	stream.indirect.scatter.add.f32 [tilespmem:s18], [sflag:$0x3], $0x40, s25, s16, $0xb8;
	[tilespmem:$0x1D000] =	vst v63  }
0x42: {  	_ =	swait.ge [sflag:s19], $0x2000  }
0x43: {  	s26 =	smov.u32 s30;
	s25 =	sshra.s32 s29, $0x2;
	[sflag:s19] =	ssyncset.done $0x0  }
0x44: {  	s26 =	sadd.s32 $0x4F00, s25;
	[sflag:s19] =	ssyncadd.s32 $0xFFFFE000  }
0x45: {  	[tilespmem:s18], [sflag:$0x2] =	stream.indirect.gather [spmem:s3], $0x40, s26, s16, $0xb8;
	[tilespmem:$0x1D000] =	vst v63  }
0x46: {  	_ =	swait.ge [sflag:s14], $0x2000  }
0x47: {  	[sflag:s14] =	ssyncset.done $0x0  }
0x48: {  	s29 =	sadd.s32 $0x4E80, s25;
	[sflag:s14] =	ssyncadd.s32 $0xFFFFE000  }
0x49: {  	[spmem:s2] =	stream.indirect.scatter.add.f32 [tilespmem:s17], [sflag:$0x3], $0x40, s29, s16, $0xb8;
	[tilespmem:$0x1D000] =	vst v63  }
0x4a: {  	_ =	swait.ge [sflag:s19], $0x2000  }
0x4b: {  	[sflag:s19] =	ssyncset.done $0x0  }
0x4c: {  	s30 =	sadd.s32 $0x5000, s25;
	[sflag:s19] =	ssyncadd.s32 $0xFFFFE000  }
0x4d: {  	[tilespmem:s17], [sflag:$0x1] =	stream.indirect.gather [spmem:s3], $0x40, s30, s16, $0xb8;
	[tilespmem:$0x1D000] =	vst v63  }
0x4e: {  	_ =	swait.ge [sflag:s15], $0x2000  }
0x4f: {  	[sflag:s15] =	ssyncset.done $0x0  }
0x50: {  	s31 =	sadd.s32 $0x4F80, s25;
	[sflag:s15] =	ssyncadd.s32 $0xFFFFE000  }
0x51: {  	[spmem:s2] =	stream.indirect.scatter.add.f32 [tilespmem:s18], [sflag:$0x3], $0x40, s31, s16, $0xb8;
	[tilespmem:$0x1D000] =	vst v63  }
0x52: {  	_ =	swait.ge [sflag:s19], $0x2000  }
0x53: {  	[sflag:s19] =	ssyncset.done $0x0  }
0x54: {  	[sflag:s19] =	ssyncadd.s32 $0xFFFFE000  }
0x55: {  	[tilespmem:s18], [sflag:$0x2] =	stream.indirect.gather [spmem:s3], $0x40, s20, s16, $0xb8;
	[tilespmem:$0x1D000] =	vst v63  }
0x56: {  	_ =	swait.ge [sflag:s14], $0x2000  }
0x57: {  	[sflag:s14] =	ssyncset.done $0x0  }
0x58: {  	[sflag:s14] =	ssyncadd.s32 $0xFFFFE000  }
0x59: {  	[spmem:s2] =	stream.indirect.scatter.add.f32 [tilespmem:s17], [sflag:$0x3], $0x40, s21, s16, $0xb8;
	[tilespmem:$0x1D000] =	vst v63  }
0x5a: {  	_ =	swait.ge [sflag:s19], $0x2000  }
0x5b: {  	[sflag:s19] =	ssyncset.done $0x0  }
0x5c: {  	[sflag:s19] =	ssyncadd.s32 $0xFFFFE000  }
0x5d: {  	_ =	swait.ge [sflag:s15], $0x2000  }
0x5e: {  	[sflag:s15] =	ssyncset.done $0x0  }
0x5f: {  	[sflag:s15] =	ssyncadd.s32 $0xFFFFE000  }
0x60: {  	[spmem:s2] =	stream.indirect.scatter.add.f32 [tilespmem:s18], [sflag:$0x3], $0x40, s22, s16, $0xb8;
	[tilespmem:$0x1D000] =	vst v63  }
0x61: {  	_ =	swait.ge [sflag:s19], $0x2000  }
0x62: {  	s24 =	sadd.s32 $0x1, s24;
	[sflag:s19] =	ssyncset.done $0x0  }
0x63: {  	p0 =	sne.s32 s24, s10;
	[sflag:s19] =	ssyncadd.s32 $0xFFFFE000  }
.Ltmp1:
0x64: {  	[bflag:$0x0] =	sbarrier.arrive $0xFFFF;
	(pc) =	sbr.rel @p0 .LBB2_1-.Ltmp1, $4  }
0x65: {  	[hbm:s9], [sflag:s23] =	dma.local [spmem:s11], $0x1400  }
0x66: {  	_ =	swait.ge [sflag:s19], $0x1400  }
0x67: {  	[sflag:s19] =	ssyncset.done $0x0  }
0x68: {  	[sflag:s19] =	ssyncadd.s32 $0xFFFFEC00  }
0x69: {  	_ =	sfence.sel $0x180000  }
0x6a: {  	[bflag:$0x0] =	sbarrier.arrive $0xFFFF  }
0x6b: {  	p0 =	sne.s32 s0, $0x0;
	_ =	strace $0x9000004D  }
0x6c: {  	s0 =	sadd.s32 @!p0 $0x100000, s1;
	[bflag:$0x2] =	sbarrier.arrive $0xFFFF  }
0x6d: {  	[sflag:s0] =	ssyncadd.tile.s32 @!p0 $0x1;
	_ =	shalt  }
.Lfunc_end2:
_tile_overlayer_lowered:
.L_overlay_start_2:
0x6e: {  	(tag) =	ssettag $0x2  }
0x6f: {  	s0 =	rddreg [dreg:$0x0];
	s2 =	stileid.u32  }
0x70: {  	s1 =	rddreg [dreg:$0x1];
	p0 =	sne.s32 s2, $0x0  }
0x71: {  	s3 =	rddreg [dreg:$0x2];
	[bflag:$0x3] =	sbarrier.arrive $0xFFFF;
	s2 =	simm.s32 @!p0 $0x1C03  }
0x72: {  	[timem:s3], [sflag:s2] =	dma.local @!p0 [hbm:s0], s1  }
0x73: {  	s0 =	simm.s32 @!p0 $0x3  }
0x74: {  	_ =	swait.ge @!p0 [sflag:s0], s1  }
0x75: {  	s1 =	ssub.s32 @!p0 $0x0, s1;
	[sflag:s0] =	ssyncset.done @!p0 $0x0  }
0x76: {  	[sflag:s0] =	ssyncadd.s32 @!p0 s1  }
0x77: {  	[bflag:$0x3] =	sbarrier.arrive $0xFFFF  }
0x78: {  	_ =	shalt  }

// kernel: kernel.21.cloned.1.call-start
scs
__scs_entry_jumppad:
0x0: {  	(pc) =	sbr.rel $0x88, $3  }
0x1: {  	(tag) =	ssettag $0x0;
	lr =	simm.s32 $0x1  }
0x2: {  	[smem:$0x3F95] =	sst lr;
	_ =	strace $0xD0000000  }
0x3: {  	_ = 	snop  }
0x4: {  	_ = 	snop  }
0x5: {  	_ = 	snop  }
0x6: {  	_ = 	snop  }
0x7: {  	_ = 	snop  }
__scs_overlays_trampoline_lowered:
0x8: {  	[smem:$0x3FA4] =	sst s0  }
0x9: {  	[smem:$0x3FA5] =	sst s1  }
0xa: {  	[smem:$0x3FA6] =	sst s2  }
0xb: {  	[smem:$0x3FA7] =	sst s3  }
0xc: {  	[smem:$0x3FA8] =	sst s4  }
0xd: {  	[smem:$0x3FA9] =	sst s5  }
0xe: {  	[smem:$0x3FAA] =	sst s6  }
0xf: {  	[smem:$0x3FAB] =	sst s7  }
0x10: {  	[smem:$0x3FAC] =	sst s8  }
0x11: {  	[smem:$0x3FAD] =	sst s9;
	s0 =	simm.s32 @!p0 $0x0  }
0x12: {  	s1 =	sld [smem:$0x3F93];
	s0 =	simm.s32 @p0 $0x1  }
0x13: {  	[smem:$0x3FAE] =	sst s0;
	s0 =	simm.s32 @!p1 $0x0  }
0x14: {  	s2 =	sld [smem:$0x3F92];
	s0 =	simm.s32 @p1 $0x1  }
0x15: {  	[smem:$0x3FAF] =	sst s0;
	s0 =	simm.s32 @!p2 $0x0  }
0x16: {  	s3 =	sld [smem:$0x3FDB];
	s0 =	simm.s32 @p2 $0x1  }
0x17: {  	s4 =	simm.s32 $0x1BF5;
	[smem:$0x3FB1] =	sst s0  }
0x18: {  	s0 =	sld [smem:$0x3F94];
	_ =	swait.ge [sflag:s4], $0x0  }
0x19: {  	s7 =	sld [smem:$0x3F95]  }
0x1a: {  	s8 =	sadd.s32 $0xFFFFE003, lr  }
0x1b: {  	s9 =	sadd.s32 $0xFFFFFEF7, lr;
	s5 =	simm.s32 $0xFFFFFFFF;
	p2 =	slt.u32 s8, $0xFFFFF086  }
0x1c: {  	p1 =	slt.u32 s9, $0xF7A;
	s5 =	simm.s32 @!p2 $0x0  }
0x1d: {  	s5 =	simm.s32 @p1 $0x1;
	p0 =	seq.s32 s7, s2  }
0x1e: {  	s7 =	smul.u32 @!p0 $0xF7A, s2;
	p2 =	seq.s32 @!p0 s5, $0x0  }
0x1f: {  	s9 =	smul.u32 $0xF7A, s1;
	s8 =	simm.s32 @!p0 $0x1BF5;
	p2 =	por !p2, p0  }
0x20: {  	[sflag:s8] =	ssyncset.s32 @!p0 $0xFFFFF086;
	s6 =	sadd.s32 @!p0 s3, s7;
	s7 =	simm.s32 @!p0 $0x108  }
0x21: {  	s3 =	sadd.s32 s3, s9;
	s6 =	sadd.s32 @!p0 $0x88, s6;
	s7 =	simm.s32 @p2 $0x1082  }
0x22: {  	[simem:s7], [sflag:s8] =	dma.local @!p0 [hbm:s6], $0xF7A  }
0x23: {  	s9 =	sor.u32 $0xD0000000, s2;
	s6 =	simm.s32 $0x108;
	_ =	swait.ge @!p0 [sflag:s8], $0x0  }
0x24: {  	s3 =	sadd.s32 $0x88, s3;
	s6 =	simm.s32 @!p1 $0x1082;
	[sflag:s4] =	ssyncset.s32 $0xFFFFF086  }
0x25: {  	[simem:s6], [sflag:s4] =	dma.local [hbm:s3], $0xF7A  }
0x26: {  	[smem:$0x3F95] =	sst s1;
	(tag) =	ssettag s2;
	_ =	strace s9  }
0x27: {  	s1 =	sld [smem:$0x3FA5]  }
0x28: {  	s2 =	sld [smem:$0x3FA6]  }
0x29: {  	s4 =	sld [smem:$0x3FA8]  }
0x2a: {  	p0 =	seq.s32 s5, $0x0;
	s5 =	sld [smem:$0x3FA9]  }
0x2b: {  	s6 =	sld [smem:$0x3FAA]  }
0x2c: {  	s7 =	sld [smem:$0x3FAB]  }
0x2d: {  	s3 =	simm.s32 $0x108;
	s8 =	sld [smem:$0x3FAC]  }
0x2e: {  	s3 =	simm.s32 @!p0 $0x1082;
	s9 =	sld [smem:$0x3FAD]  }
0x2f: {  	lr =	sadd.s32 s0, s3;
	s0 =	sld [smem:$0x3FA4]  }
0x30: {  	s3 =	sld [smem:$0x3FA7]  }
0x31: {  	[smem:$0x3FB0] =	sst s10  }
0x32: {  	s10 =	sld [smem:$0x3FAE];
	_ =	sdelay $0x3  }
0x33: {  	p0 =	seq.s32 s10, $0x1;
	s10 =	sld [smem:$0x3FB0];
	_ =	sdelay $0x3  }
0x34: {  	[smem:$0x3FB0] =	sst s10  }
0x35: {  	s10 =	sld [smem:$0x3FAF];
	_ =	sdelay $0x3  }
0x36: {  	p1 =	seq.s32 s10, $0x1;
	s10 =	sld [smem:$0x3FB0];
	_ =	sdelay $0x3  }
0x37: {  	[smem:$0x3FB0] =	sst s10  }
0x38: {  	s10 =	sld [smem:$0x3FB1]  }
0x39: {  	_ = 	snop;
	(pc) =	sbr.ind lr, $3  }
0x3a: {  	_ = 	snop  }
0x3b: {  	_ = 	snop  }
0x3c: {  	p2 =	seq.s32 s10, $0x1;
	s10 =	sld [smem:$0x3FB0]  }
0x3d: {  	_ =	shalt  }
0x3e: {  	_ =	shalt  }
0x3f: {  	_ =	shalt  }
0x40: {  	_ =	shalt  }
0x41: {  	_ =	shalt  }
0x42: {  	_ =	shalt  }
0x43: {  	_ =	shalt  }
0x44: {  	_ =	shalt  }
0x45: {  	_ =	shalt  }
0x46: {  	_ =	shalt  }
0x47: {  	_ =	shalt  }
0x48: {  	_ =	shalt  }
0x49: {  	_ =	shalt  }
0x4a: {  	_ =	shalt  }
0x4b: {  	_ =	shalt  }
0x4c: {  	_ =	shalt  }
0x4d: {  	_ =	shalt  }
0x4e: {  	_ =	shalt  }
0x4f: {  	_ =	shalt  }
0x50: {  	_ =	shalt  }
0x51: {  	_ =	shalt  }
0x52: {  	_ =	shalt  }
0x53: {  	_ =	shalt  }
0x54: {  	_ =	shalt  }
0x55: {  	_ =	shalt  }
0x56: {  	_ =	shalt  }
0x57: {  	_ =	shalt  }
0x58: {  	_ =	shalt  }
0x59: {  	_ =	shalt  }
0x5a: {  	_ =	shalt  }
0x5b: {  	_ =	shalt  }
0x5c: {  	_ =	shalt  }
0x5d: {  	_ =	shalt  }
0x5e: {  	_ =	shalt  }
0x5f: {  	_ =	shalt  }
0x60: {  	_ =	shalt  }
0x61: {  	_ =	shalt  }
0x62: {  	_ =	shalt  }
0x63: {  	_ =	shalt  }
0x64: {  	_ =	shalt  }
0x65: {  	_ =	shalt  }
0x66: {  	_ =	shalt  }
0x67: {  	_ =	shalt  }
0x68: {  	_ =	shalt  }
0x69: {  	_ =	shalt  }
0x6a: {  	_ =	shalt  }
0x6b: {  	_ =	shalt  }
0x6c: {  	_ =	shalt  }
0x6d: {  	_ =	shalt  }
0x6e: {  	_ =	shalt  }
0x6f: {  	_ =	shalt  }
0x70: {  	_ =	shalt  }
0x71: {  	_ =	shalt  }
0x72: {  	_ =	shalt  }
0x73: {  	_ =	shalt  }
0x74: {  	_ =	shalt  }
0x75: {  	_ =	shalt  }
0x76: {  	_ =	shalt  }
0x77: {  	_ =	shalt  }
0x78: {  	_ =	shalt  }
0x79: {  	_ =	shalt  }
0x7a: {  	_ =	shalt  }
0x7b: {  	_ =	shalt  }
0x7c: {  	_ =	shalt  }
0x7d: {  	_ =	shalt  }
0x7e: {  	_ =	shalt  }
0x7f: {  	_ =	shalt  }
0x80: {  	_ =	shalt  }
0x81: {  	_ =	shalt  }
0x82: {  	_ =	shalt  }
0x83: {  	_ =	shalt  }
0x84: {  	_ =	shalt  }
0x85: {  	_ =	shalt  }
0x86: {  	_ =	shalt  }
0x87: {  	_ =	shalt  }
.Lfunc_end0:
.L_simem_size_0:
called_computation.3_lowered:
.L_overlay_start_0:
0x88: {  	s2 =	sld [smem:$0x3FD9]  }
0x89: {  	s3 =	sld [smem:$0x3FFE];
	_ =	sdelay $0x1  }
0x8a: {  	s1 =	srdreg.scid  }
0x8b: {  	s0 =	sand.u32 $0x1, s1  }
0x8c: {  	s14 =	sshll.u32 s0, $0xA;
	s2 =	sadd.s32 s3, s2  }
0x8d: {  	s2 =	sadd.s32 s2, s14  }
0x8e: {  	[smem:$0x3FBC] =	sst s2  }
0x8f: {  	_ = 	snop  }
0x90: {  	s2 =	sld [smem:$0x3FD0];
	_ =	sdelay $0x2  }
0x91: {  	s15 =	simm.s32 $0xA;
	s4 =	simm.s32 $0x10  }
0x92: {  	[smem:s4], [sflag:s15] =	dma.local [hbm:s2], $0x1  }
0x93: {  	_ =	swait.eq [sflag:s15], $0x1  }
0x94: {  	[sflag:s15] =	ssyncset.done $0x0  }
0x95: {  	[sflag:s15] =	ssyncadd.s32 $0xFFFFFFFF  }
0x96: {  	s16 =	sld [smem:$0x11];
	(tm) =	ssettm $0x1  }
0x97: {  	s17 =	sld [smem:$0x3FFB];
	_ =	sdelay $0x3  }
0x98: {  	_ =	strace s17  }
0x99: {  	s3 =	sld [smem:$0x3FFC];
	_ =	sdelay $0x3  }
0x9a: {  	_ =	strace s3  }
0x9b: {  	s3 =	sld [smem:$0x3FFD];
	_ =	sdelay $0x3  }
0x9c: {  	_ =	strace s3  }
0x9d: {  	_ =	strace $0x8FFFFFFF  }
0x9e: {  	s18 =	sld [smem:$0x3FDB];
	_ =	sdelay $0x1  }
0x9f: {  	s19 =	simm.s32 $_scs_section_size  }
0xa0: {  	s5 =	simm.s32 $_size__tile_overlayer_lowered;
	s6 =	simm.s32 $_tile_overlayer_lowered  }
0xa1: {  	s22 =	simm.s32 $0x1BFF;
	s21 =	sshll.u32 s6, $0x1;
	s3 =	sadd.s32 s19, s18  }
0xa2: {  	s7 =	simm.s32 $0x0;
	s20 =	sshll.u32 s5, $0x1;
	s5 =	sadd.s32 s21, s3  }
0xa3: {  	[timem:s7], [sflag:s22] =	dma.local [hbm:s5], s20  }
0xa4: {  	_ =	swait.ge [sflag:s22], s20  }
0xa5: {  	s4 =	ssub.s32 $0x0, s20;
	[sflag:s22] =	ssyncset.done $0x0  }
0xa6: {  	[sflag:s22] =	ssyncadd.s32 s4;
	_ =	sdelay $0x1  }
0xa7: {  	s23 =	simm.s32 $0x1B8B  }
0xa8: {  	_ =	swait.ge [sflag:s23], $0x1  }
0xa9: {  	[sflag:s23] =	ssyncset.done $0x0  }
0xaa: {  	s25 =	simm.s32 $0x1B8E;
	s24 =	sld [smem:$0x3FFE];
	[sflag:s23] =	ssyncadd.s32 $0xFFFFFFFF  }
0xab: {  	s26 =	simm.s32 $execute0_lowered;
	[smem:$0x3FD2] =	sst s25  }
0xac: {  	s5 =	sshll.u32 s26, $0x1;
	_ =	strace $0x8000004F;
	[dreg:$0x1] =	wrdreg $0xFFFFFFFF  }
0xad: {  	s28 =	simm.s32 $_size_execute0_lowered;
	s3 =	sadd.s32 s3, s5;
	[dreg:$0x0] =	wrdreg $0x0  }
0xae: {  	s5 =	sshll.u32 s28, $0x1;
	[dreg:$0x2] =	wrdreg s3  }
0xaf: {  	[dreg:$0x3] =	wrdreg s5  }
0xb0: {  	[dreg:$0x4] =	wrdreg $0xC0  }
0xb1: {  	_ =	task [dreg:s7], $0x5FFFF  }
0xb2: {  	[dreg:$0x1] =	wrdreg $0xFFFFFFFF  }
0xb3: {  	[dreg:$0x0] =	wrdreg $0x60  }
0xb4: {  	[dreg:$0x2] =	wrdreg s24  }
0xb5: {  	[dreg:$0x3] =	wrdreg s16  }
0xb6: {  	[dreg:$0x4] =	wrdreg $0x90000  }
0xb7: {  	[dreg:$0x5] =	wrdreg $0x130000  }
0xb8: {  	[dreg:$0x6] =	wrdreg $0x9  }
0xb9: {  	_ =	task.clear_ibuf [dreg:s7], $0x7FFFF;
	_ =	strace $0x9000004F  }
0xba: {  	s29 =	simm.s32 $0x9;
	_ =	strace $0x80000051  }
0xbb: {  	_ =	swait.ge [sflag:s29], $0x1  }
0xbc: {  	[sflag:s29] =	ssyncadd.s32 $0xFFFFFFFF  }
0xbd: {  	_ =	strace $0x90000051  }
0xbe: {  	_ =	sfence  }
0xbf: {  	s30 =	sld [smem:$0x0];
	_ =	sdelay $0x2  }
0xc0: {  	s31 =	sshll.u32 s1, $0xD;
	s1 =	sshrl.u32 s1, $0x2  }
0xc1: {  	s3 =	sand.u32 $0x4000, s31;
	s1 =	sadd.s32 s1, s30  }
0xc2: {  	s0 =	sor.u32 s3, s0;
	s1 =	sshll.u32 s1, $0x11  }
0xc3: {  	s0 =	sor.u32 s1, s0  }
0xc4: {  	s0 =	sadd.s32 $0x8F2B, s0  }
0xc5: {  	[sflag:s0] =	ssyncadd.remote.s32 $0x1  }
0xc6: {  	_ =	sfence.sel $0xFFFF  }
0xc7: {  	[dreg:$0x0] =	wrdreg $0xFFFFFFFF;
	(pc) =	sbr.abs _section_cstart, $3  }
0xc8: {  	[dreg:$0x1] =	wrdreg $0xFFFFFFFF  }
0xc9: {  	_ =	task.clear_ibuf [dreg:s7], $0x2FFFF;
	_ =	strace $0x9FFFFFFF  }
0xca: {  	(tm) =	ssettm $0x7FFFFFFF  }
0xcb: {  	_ =	shalt  }
tec
execute0_lowered:
.L_overlay_start_1:
0x0: {  	(tag) =	ssettag $0x1  }
0x1: {  	s5 =	rddreg [dreg:$0x0]  }
0x2: {  	s9 =	rddreg [dreg:$0x1]  }
0x3: {  	s2 =	rddreg [dreg:$0x2]  }
0x4: {  	s3 =	rddreg [dreg:$0x3]  }
0x5: {  	s0 =	rddreg [dreg:$0x4];
	s4 =	simm.s32 $0x0;
	s1 =	stileid.u32  }
0x6: {  	s6 =	srdreg.scid;
	s16 =	simm.s32 $0x80;
	s17 =	simm.s32 $0x5000  }
0x7: {  	s18 =	simm.s32 $0x7000;
	s19 =	simm.s32 $0x3;
	s20 =	simm.s32 $0x4F00  }
0x8: {  	s21 =	simm.s32 $0x4E80;
	s22 =	simm.s32 $0x4F80;
	s7 =	smul.u32 $0xA000, s1  }
0x9: {  	s24 =	simm.s32 $0x0;
	[smem:$0x7FF] =	sst s4;
	s8 =	smul.u32 $0x5000, s1  }
0xa: {  	s6 =	sand.u32 $0x1, s6;
	s23 =	sshll.u32 s1, $0x6;
	_ =	strace $0x80000050  }
0xb: {  	p0 =	seq.s32 s6, $0x0;
	s30 =	ssub.s32 $0x2, s6;
	s6 =	smul.u32 $0xA0000, s6  }
0xc: {  	s10 =	sshrl.u32 s7, $0x3;
	s11 =	sadd.s32 $0x50000, s8;
	s12 =	sshrl.u32 s30, $0x1  }
0xd: {  	s13 =	sadd.s32 s7, s2;
	s14 =	sadd.s32 s7, s3;
	s10 =	sadd.s32 s10, s5  }
0xe: {  	s11 =	smov.u32 @p0 s8;
	s12 =	ssub.s32 s30, s12;
	s31 =	sadd.s32 s7, s6  }
0xf: {  	s6 =	sor.u32 $0x1C01, s23;
	s11 =	sshrl.u32 s11, $0x3;
	s15 =	sshrl.u32 s31, $0x3  }
0x10: {  	s7 =	sadd.s32 $0x17C00, s10;
	s10 =	smax.u32 s12, $0x1;
	s12 =	sor.u32 $0x1C02, s23  }
0x11: {  	s23 =	sor.u32 $0x1C03, s23;
	s11 =	sadd.s32 s11, s5;
	s5 =	sadd.s32 $0x16800, s5  }
0x12: {  	s9 =	sadd.s32 s9, s15;
	s15 =	simm.s32 $0x2;
	s8 =	sadd.s32 $0x2800, s11  }
0x13: {  	s11 =	sshrl.u32 s13, $0x3;
	s13 =	sshrl.u32 s14, $0x3;
	s14 =	simm.s32 $0x1  }
.LBB2_1:
0x14: {  	[spmem:s11], [sflag:s6] =	dma.local [hbm:s5], $0x1400  }
0x15: {  	[spmem:s13], [sflag:s12] =	dma.local [hbm:s7], $0x1400  }
0x16: {  	[tilespmem:s4], [sflag:$0x1] =	stream.linear.gather [hbm4b:s8+s4], $0x5000, $0x38;
	[tilespmem:$0x1D000] =	vst v63  }
0x17: {  	_ =	swait.ge [sflag:s14], $0x1400  }
0x18: {  	[sflag:s14] =	ssyncset.done $0x0  }
0x19: {  	[sflag:s14] =	ssyncadd.s32 $0xFFFFEC00  }
0x1a: {  	_ =	swait.ge [sflag:s15], $0x1400  }
0x1b: {  	[sflag:s15] =	ssyncset.done $0x0  }
0x1c: {  	[sflag:s15] =	ssyncadd.s32 $0xFFFFEC00  }
0x1d: {  	_ =	swait.ge [sflag:s14], $0x5000  }
0x1e: {  	[sflag:s14] =	ssyncset.done $0x0  }
0x1f: {  	[sflag:s14] =	ssyncadd.s32 $0xFFFFB000  }
0x20: {  	[bflag:$0x0] =	sbarrier.arrive $0xFFFF  }
0x21: {  	[tilespmem:s17], [sflag:$0x1] =	stream.indirect.gather [spmem:s3], $0x40, s4, s16, $0xb8;
	[tilespmem:$0x1D000] =	vst v63  }
0x22: {  	s25 =	simm.s32 $0x100  }
0x23: {  	[tilespmem:s18], [sflag:$0x2] =	stream.indirect.gather [spmem:s3], $0x40, s25, s16, $0xb8;
	[tilespmem:$0x1D000] =	vst v63  }
0x24: {  	_ =	swait.ge [sflag:s14], $0x2000  }
0x25: {  	[sflag:s14] =	ssyncset.done $0x0  }
0x26: {  	s29 =	simm.s32 $0x80;
	[sflag:s14] =	ssyncadd.s32 $0xFFFFE000  }
0x27: {  	[spmem:s2] =	stream.indirect.scatter.add.f32 [tilespmem:s17], [sflag:$0x3], $0x40, s29, s16, $0xb8;
	[tilespmem:$0x1D000] =	vst v63  }
0x28: {  	_ =	swait.ge [sflag:s19], $0x2000  }
0x29: {  	[sflag:s19] =	ssyncset.done $0x0  }
0x2a: {  	s30 =	simm.s32 $0x200;
	[sflag:s19] =	ssyncadd.s32 $0xFFFFE000  }
0x2b: {  	[tilespmem:s17], [sflag:$0x1] =	stream.indirect.gather [spmem:s3], $0x40, s30, s16, $0xb8;
	[tilespmem:$0x1D000] =	vst v63  }
0x2c: {  	_ =	swait.ge [sflag:s15], $0x2000  }
0x2d: {  	[sflag:s15] =	ssyncset.done $0x0  }
0x2e: {  	s31 =	simm.s32 $0x180;
	[sflag:s15] =	ssyncadd.s32 $0xFFFFE000  }
0x2f: {  	[spmem:s2] =	stream.indirect.scatter.add.f32 [tilespmem:s18], [sflag:$0x3], $0x40, s31, s16, $0xb8;
	[tilespmem:$0x1D000] =	vst v63  }
0x30: {  	_ =	swait.ge [sflag:s19], $0x2000  }
0x31: {  	s26 =	simm.s32 $0xFFFED800;
	s25 =	simm.s32 $0xFFFFB400;
	[sflag:s19] =	ssyncset.done $0x0  }
.LBB2_2:
0x32: {  	s28 =	sadd.s32 $0x4F00, s25  }
0x33: {  	[sflag:s19] =	ssyncadd.s32 $0xFFFFE000;
	s29 =	smov.u32 s26;
	s30 =	sadd.s32 $0x800, s26  }
0x34: {  	[tilespmem:s18], [sflag:$0x2] =	stream.indirect.gather [spmem:s3], $0x40, s28, s16, $0xb8;
	[tilespmem:$0x1D000] =	vst v63  }
0x35: {  	p0 =	sne.s32 s26, $0xFFFFF800;
	_ =	swait.ge [sflag:s14], $0x2000  }
0x36: {  	[sflag:s14] =	ssyncset.done $0x0  }
0x37: {  	s26 =	sadd.s32 $0x4E80, s25;
	[sflag:s14] =	ssyncadd.s32 $0xFFFFE000  }
0x38: {  	[spmem:s2] =	stream.indirect.scatter.add.f32 [tilespmem:s17], [sflag:$0x3], $0x40, s26, s16, $0xb8;
	[tilespmem:$0x1D000] =	vst v63  }
0x39: {  	_ =	swait.ge [sflag:s19], $0x2000  }
0x3a: {  	[sflag:s19] =	ssyncset.done $0x0  }
0x3b: {  	s26 =	sadd.s32 $0x5000, s25;
	[sflag:s19] =	ssyncadd.s32 $0xFFFFE000  }
0x3c: {  	[tilespmem:s17], [sflag:$0x1] =	stream.indirect.gather [spmem:s3], $0x40, s26, s16, $0xb8;
	[tilespmem:$0x1D000] =	vst v63  }
0x3d: {  	_ =	swait.ge [sflag:s15], $0x2000  }
.Ltmp0:
0x3e: {  	[sflag:s15] =	ssyncset.done $0x0;
	(pc) =	sbr.rel @p0 .LBB2_2-.Ltmp0, $4  }
0x3f: {  	s25 =	sadd.s32 $0x4F80, s25;
	[sflag:s15] =	ssyncadd.s32 $0xFFFFE000  }
0x40: {  	[spmem:s2] =	stream.indirect.scatter.add.f32 [tilespmem:s18], [sflag:$0x3], $0x40, s25, s16, $0xb8;
	[tilespmem:$0x1D000] =	vst v63  }
0x41: {  	_ =	swait.ge [sflag:s19], $0x2000  }
0x42: {  	s26 =	smov.u32 s30;
	s25 =	sshra.s32 s29, $0x2;
	[sflag:s19] =	ssyncset.done $0x0  }
0x43: {  	s26 =	sadd.s32 $0x4F00, s25;
	[sflag:s19] =	ssyncadd.s32 $0xFFFFE000  }
0x44: {  	[tilespmem:s18], [sflag:$0x2] =	stream.indirect.gather [spmem:s3], $0x40, s26, s16, $0xb8;
	[tilespmem:$0x1D000] =	vst v63  }
0x45: {  	_ =	swait.ge [sflag:s14], $0x2000  }
0x46: {  	[sflag:s14] =	ssyncset.done $0x0  }
0x47: {  	s29 =	sadd.s32 $0x4E80, s25;
	[sflag:s14] =	ssyncadd.s32 $0xFFFFE000  }
0x48: {  	[spmem:s2] =	stream.indirect.scatter.add.f32 [tilespmem:s17], [sflag:$0x3], $0x40, s29, s16, $0xb8;
	[tilespmem:$0x1D000] =	vst v63  }
0x49: {  	_ =	swait.ge [sflag:s19], $0x2000  }
0x4a: {  	[sflag:s19] =	ssyncset.done $0x0  }
0x4b: {  	s30 =	sadd.s32 $0x5000, s25;
	[sflag:s19] =	ssyncadd.s32 $0xFFFFE000  }
0x4c: {  	[tilespmem:s17], [sflag:$0x1] =	stream.indirect.gather [spmem:s3], $0x40, s30, s16, $0xb8;
	[tilespmem:$0x1D000] =	vst v63  }
0x4d: {  	_ =	swait.ge [sflag:s15], $0x2000  }
0x4e: {  	[sflag:s15] =	ssyncset.done $0x0  }
0x4f: {  	s31 =	sadd.s32 $0x4F80, s25;
	[sflag:s15] =	ssyncadd.s32 $0xFFFFE000  }
0x50: {  	[spmem:s2] =	stream.indirect.scatter.add.f32 [tilespmem:s18], [sflag:$0x3], $0x40, s31, s16, $0xb8;
	[tilespmem:$0x1D000] =	vst v63  }
0x51: {  	_ =	swait.ge [sflag:s19], $0x2000  }
0x52: {  	[sflag:s19] =	ssyncset.done $0x0  }
0x53: {  	[sflag:s19] =	ssyncadd.s32 $0xFFFFE000  }
0x54: {  	[tilespmem:s18], [sflag:$0x2] =	stream.indirect.gather [spmem:s3], $0x40, s20, s16, $0xb8;
	[tilespmem:$0x1D000] =	vst v63  }
0x55: {  	_ =	swait.ge [sflag:s14], $0x2000  }
0x56: {  	[sflag:s14] =	ssyncset.done $0x0  }
0x57: {  	[sflag:s14] =	ssyncadd.s32 $0xFFFFE000  }
0x58: {  	[spmem:s2] =	stream.indirect.scatter.add.f32 [tilespmem:s17], [sflag:$0x3], $0x40, s21, s16, $0xb8;
	[tilespmem:$0x1D000] =	vst v63  }
0x59: {  	_ =	swait.ge [sflag:s19], $0x2000  }
0x5a: {  	[sflag:s19] =	ssyncset.done $0x0  }
0x5b: {  	[sflag:s19] =	ssyncadd.s32 $0xFFFFE000  }
0x5c: {  	_ =	swait.ge [sflag:s15], $0x2000  }
0x5d: {  	[sflag:s15] =	ssyncset.done $0x0  }
0x5e: {  	[sflag:s15] =	ssyncadd.s32 $0xFFFFE000  }
0x5f: {  	[spmem:s2] =	stream.indirect.scatter.add.f32 [tilespmem:s18], [sflag:$0x3], $0x40, s22, s16, $0xb8;
	[tilespmem:$0x1D000] =	vst v63  }
0x60: {  	_ =	swait.ge [sflag:s19], $0x2000  }
0x61: {  	s24 =	sadd.s32 $0x1, s24;
	[sflag:s19] =	ssyncset.done $0x0  }
0x62: {  	p0 =	sne.s32 s24, s10;
	[sflag:s19] =	ssyncadd.s32 $0xFFFFE000  }
.Ltmp1:
0x63: {  	[bflag:$0x0] =	sbarrier.arrive $0xFFFF;
	(pc) =	sbr.rel @p0 .LBB2_1-.Ltmp1, $4  }
0x64: {  	[hbm:s9], [sflag:s23] =	dma.local [spmem:s11], $0x1400  }
0x65: {  	_ =	swait.ge [sflag:s19], $0x1400  }
0x66: {  	[sflag:s19] =	ssyncset.done $0x0  }
0x67: {  	[sflag:s19] =	ssyncadd.s32 $0xFFFFEC00  }
0x68: {  	_ =	sfence.sel $0x180000  }
0x69: {  	[bflag:$0x0] =	sbarrier.arrive $0xFFFF  }
0x6a: {  	p0 =	sne.s32 s1, $0x0;
	_ =	strace $0x90000050  }
0x6b: {  	s0 =	sadd.s32 @!p0 $0x100000, s0;
	[bflag:$0x2] =	sbarrier.arrive $0xFFFF  }
0x6c: {  	[sflag:s0] =	ssyncadd.tile.s32 @!p0 $0x1;
	_ =	shalt  }
.Lfunc_end2:
_tile_overlayer_lowered:
.L_overlay_start_2:
0x6d: {  	(tag) =	ssettag $0x2  }
0x6e: {  	s0 =	rddreg [dreg:$0x0];
	s2 =	stileid.u32  }
0x6f: {  	s1 =	rddreg [dreg:$0x1];
	p0 =	sne.s32 s2, $0x0  }
0x70: {  	s3 =	rddreg [dreg:$0x2];
	[bflag:$0x3] =	sbarrier.arrive $0xFFFF;
	s2 =	simm.s32 @!p0 $0x1C03  }
0x71: {  	[timem:s3], [sflag:s2] =	dma.local @!p0 [hbm:s0], s1  }
0x72: {  	s0 =	simm.s32 @!p0 $0x3  }
0x73: {  	_ =	swait.ge @!p0 [sflag:s0], s1  }
0x74: {  	s1 =	ssub.s32 @!p0 $0x0, s1;
	[sflag:s0] =	ssyncset.done @!p0 $0x0  }
0x75: {  	[sflag:s0] =	ssyncadd.s32 @!p0 s1  }
0x76: {  	[bflag:$0x3] =	sbarrier.arrive $0xFFFF  }
0x77: {  	_ =	shalt  }

</sc_bundles>
